<compile_context>
chip_gen: v7x
topology: tpu7x:2x2x1
jax: 0.10.2.dev20260603
libtpu: 0.0.44.dev20260713+nightly
codegen_flags: <defaults>
</compile_context>

<pallas_src>
import jax
import jax.numpy as jnp
from jax import lax
from jax.experimental import pallas as pl
from jax.experimental.pallas import tpu as pltpu
from jax.experimental.pallas import tpu_sc as plsc

NC = 2
NS = 16
L = 16
NW = NC * NS
B = 16384
D = 64
FIELD0 = 1_000_000

TILE = 128
TTILES = 2 * FIELD0 // TILE
SLABW = 512
CAP = 2048

BPW2 = B // NW
CH2 = 128


def _extract_body(tT_hbm, xu_hbm, xi_hbm, r_hbm,
                  xcols_v, mcol_v, mslot_v, pcol_v, pslot_v,
                  slab_v, rows_v, sem0, sem1, sem2x, sem2):
    wid = lax.axis_index("s") * NC + lax.axis_index("c")
    lo = ((wid * TTILES) // NW) * TILE
    hi = (((wid + 1) * TTILES) // NW) * TILE
    span = hi - lo
    nslab = (span + SLABW - 1) // SLABW
    iota = lax.broadcasted_iota(jnp.int32, (L,), 0)

    def scan_field(cnt0, offset, slot0):
        def scan(v, cnt):
            cols = xcols_v[pl.ds(v * L, L)] + offset
            mask = (cols >= lo) & (cols < hi)
            plsc.store_compressed(mcol_v.at[pl.ds(cnt, L)], cols - lo, mask=mask)
            plsc.store_compressed(mslot_v.at[pl.ds(cnt, L)], slot0 + v * L + iota,
                                  mask=mask)
            n = plsc.all_reduce_population_count(mask)
            return jnp.minimum(cnt + n[0], CAP)

        return lax.fori_loop(0, B // L, scan, cnt0, unroll=False)

    sems = [sem0, sem1, sem2x]

    def slab_lo(s):
        return jnp.minimum(s * SLABW, span - SLABW)

    def fire(s, par):
        pltpu.async_copy(tT_hbm.at[pl.ds(0, D // 2), pl.ds(lo + slab_lo(s), SLABW)],
                         slab_v.at[par, pl.ds(0, D // 2)], sems[par])
        pltpu.async_copy(tT_hbm.at[pl.ds(D // 2, D // 2), pl.ds(lo + slab_lo(s), SLABW)],
                         slab_v.at[par, pl.ds(D // 2, D // 2)], sems[par])

    def wait(s, par):
        pltpu.make_async_copy(tT_hbm.at[:, pl.ds(lo + slab_lo(s), SLABW)],
                              slab_v.at[par], sems[par]).wait()

    fire(0, 0)

    @pl.when(nslab > 1)
    def _():
        fire(1, 1)

    @pl.when(nslab > 2)
    def _():
        fire(2, 2)

    pltpu.sync_copy(xu_hbm, xcols_v)
    cnt = scan_field(0, 0, 0)
    pltpu.sync_copy(xi_hbm, xcols_v)
    cnt = scan_field(cnt, FIELD0, B)

    mcol_v[pl.ds(cnt, L)] = jnp.full((L,), 2 * FIELD0 + SLABW, jnp.int32)
    mslot_v[pl.ds(cnt, L)] = jnp.zeros((L,), jnp.int32)
    ngrp = (cnt + L - 1) // L

    def do_slab(s, par):
        wait(s, par)
        slo = slab_lo(s)

        def pscan(g, m):
            cols = mcol_v[pl.ds(g * L, L)]
            slots = mslot_v[pl.ds(g * L, L)]
            mask = (cols >= slo) & (cols < slo + SLABW)
            plsc.store_compressed(pcol_v.at[pl.ds(m, L)], cols - slo, mask=mask)
            plsc.store_compressed(pslot_v.at[pl.ds(m, L)], slots, mask=mask)
            n = plsc.all_reduce_population_count(mask)
            return jnp.minimum(m + n[0], CAP)

        m = lax.fori_loop(0, ngrp, pscan, 0, unroll=False)
        first_c = pcol_v[pl.ds(0, L)]
        first_s = pslot_v[pl.ds(0, L)]

        @pl.when(m > 0)
        def _():
            pcol_v[pl.ds(m, L)] = jnp.full((L,), first_c[0], jnp.int32)
            pslot_v[pl.ds(m, L)] = jnp.full((L,), first_s[0], jnp.int32)

            def grp(g, _):
                ccl = pcol_v[pl.ds(g * L, L)]
                slots = pslot_v[pl.ds(g * L, L)]

                def dim_body(d, _):
                    v = plsc.load_gather(slab_v.at[par],
                                         [jnp.full((L,), d, jnp.int32), ccl])
                    plsc.store_scatter(rows_v, [iota, jnp.full((L,), d, jnp.int32)], v)
                    return 0

                lax.fori_loop(0, D, dim_body, 0, unroll=False)
                pltpu.async_copy(rows_v, r_hbm.at[slots], sem2).wait()
                return 0

            lax.fori_loop(0, (m + L - 1) // L, grp, 0, unroll=False)

    def triple_body(t, _):
        s0 = 3 * t
        for k in range(3):
            @pl.when(s0 + k < nslab)
            def _(k=k):
                do_slab(s0 + k, k)

                @pl.when(s0 + k + 3 < nslab)
                def _():
                    fire(s0 + k + 3, k)

        return 0

    lax.fori_loop(0, (nslab + 2) // 3, triple_body, 0, unroll=False)


def _gmf_body(r_hbm, wb_hbm, out_hbm, u_v, i_v, wb_v, tile_v, out_v,
              sem0, sem1):
    wid = lax.axis_index("s") * NC + lax.axis_index("c")
    base = wid * BPW2
    iota = lax.broadcasted_iota(jnp.int32, (L,), 0)

    pltpu.sync_copy(wb_hbm, wb_v)

    sems = [sem0, sem1]

    def fire(c, par):
        pltpu.async_copy(r_hbm.at[pl.ds(base + c * CH2, CH2)], u_v.at[par],
                         sems[par])
        pltpu.async_copy(r_hbm.at[pl.ds(B + base + c * CH2, CH2)],
                         i_v.at[par], sems[par])

    def wait(c, par):
        pltpu.make_async_copy(r_hbm.at[pl.ds(base + c * CH2, CH2)],
                              u_v.at[par], sems[par]).wait()
        pltpu.make_async_copy(r_hbm.at[pl.ds(B + base + c * CH2, CH2)],
                              i_v.at[par], sems[par]).wait()

    fire(0, 0)
    fire(1, 1)

    w0 = wb_v[pl.ds(0, L)]
    w1 = wb_v[pl.ds(L, L)]
    w2 = wb_v[pl.ds(2 * L, L)]
    w3 = wb_v[pl.ds(3 * L, L)]
    bias = wb_v[pl.ds(D, L)]

    NCH = BPW2 // CH2

    def compute_chunk(c, par):
        ub = u_v.at[par]
        ib = i_v.at[par]

        def group_body(g, _):
            def elem_body(j, _):
                e = g * L + j
                p = (ub[e, pl.ds(0, L)] * ib[e, pl.ds(0, L)] * w0
                     + ub[e, pl.ds(L, L)] * ib[e, pl.ds(L, L)] * w1
                     + ub[e, pl.ds(2 * L, L)] * ib[e, pl.ds(2 * L, L)] * w2
                     + ub[e, pl.ds(3 * L, L)] * ib[e, pl.ds(3 * L, L)] * w3)
                plsc.store_scatter(tile_v, [iota * L + j], p)
                return 0

            lax.fori_loop(0, L, elem_body, 0, unroll=False)

            def row_sum(r, acc):
                return acc + tile_v[pl.ds(r * L, L)]

            acc = lax.fori_loop(0, L, row_sum, bias, unroll=False)
            sig = 1.0 / (1.0 + jnp.exp(-acc))
            out_v[pl.ds(c * CH2 + g * L, L)] = sig
            return 0

        lax.fori_loop(0, CH2 // L, group_body, 0, unroll=False)

    def pair_body(t, _):
        c0 = 2 * t
        wait(c0, 0)
        compute_chunk(c0, 0)

        @pl.when(c0 + 2 < NCH)
        def _():
            fire(c0 + 2, 0)

        wait(c0 + 1, 1)
        compute_chunk(c0 + 1, 1)

        @pl.when(c0 + 3 < NCH)
        def _():
            fire(c0 + 3, 1)

        return 0

    lax.fori_loop(0, NCH // 2, pair_body, 0, unroll=False)

    pltpu.sync_copy(out_v, out_hbm.at[pl.ds(base, BPW2)])


_MESH = dict(core_axis_name="c", subcore_axis_name="s",
             num_cores=NC, num_subcores=NS)


@jax.jit
def _ncf(xu, xi, tT, wb):
    mesh = plsc.VectorSubcoreMesh(**_MESH)
    r = pl.kernel(
        _extract_body,
        out_type=jax.ShapeDtypeStruct((2 * B, 128), jnp.float32),
        mesh=mesh,
        compiler_params=pltpu.CompilerParams(
            needs_layout_passes=False, use_tc_tiling_on_sc=True
        ),
        scratch_types=[
            pltpu.VMEM((B,), jnp.int32),
            pltpu.VMEM((CAP + L,), jnp.int32),
            pltpu.VMEM((CAP + L,), jnp.int32),
            pltpu.VMEM((CAP + L,), jnp.int32),
            pltpu.VMEM((CAP + L,), jnp.int32),
            pltpu.VMEM((3, D, SLABW), jnp.float32),
            pltpu.VMEM((L, 128), jnp.float32),
            pltpu.SemaphoreType.DMA,
            pltpu.SemaphoreType.DMA,
            pltpu.SemaphoreType.DMA,
            pltpu.SemaphoreType.DMA,
        ],
    )(tT, xu, xi)

    mesh2 = plsc.VectorSubcoreMesh(**_MESH)
    return pl.kernel(
        _gmf_body,
        out_type=jax.ShapeDtypeStruct((B,), jnp.float32),
        mesh=mesh2,
        compiler_params=pltpu.CompilerParams(
            needs_layout_passes=False, use_tc_tiling_on_sc=True
        ),
        scratch_types=[
            pltpu.VMEM((2, CH2, 128), jnp.float32),
            pltpu.VMEM((2, CH2, 128), jnp.float32),
            pltpu.VMEM((80,), jnp.float32),
            pltpu.VMEM((L * L,), jnp.float32),
            pltpu.VMEM((BPW2,), jnp.float32),
            pltpu.SemaphoreType.DMA,
            pltpu.SemaphoreType.DMA,
        ],
    )(r, wb)


def kernel(x, table, W_fc, b_fc):
    x2 = x.astype(jnp.int32)
    xu = x2[:, 0]
    xi = x2[:, 1]
    tT = table.T
    wb = jnp.concatenate(
        [W_fc.reshape(D), jnp.broadcast_to(b_fc.astype(jnp.float32), (16,))]
    )
    out = _ncf(xu, xi, tT, wb)
    return (out, x)

# --- scband reference (transcript-rebuilt; emitter-appended) ---
"""Pipeline reference for scband-neural-collaborative-filtering-49813030699553 (READ-ONLY COPY).

The authoritative reference and input builder live on the scoring server;
editing this copy changes nothing except your own understanding.
"""

import jax, jax.numpy as jnp
import numpy as np

FIELD_DIMS = [1000000, 1000000]
EMBED_DIM = 64
BATCH = 16384


def setup_inputs(seed: int = 0) -> dict:
    key = jax.random.key(seed)
    k1, k2, k3 = jax.random.split(key, 3)
    x = jax.random.randint(k1, (BATCH, 2), 0, 1000000, dtype=jnp.int32).astype(jnp.int64)
    total = sum(FIELD_DIMS)
    # xavier_uniform on embedding weight: bound = sqrt(6 / (fan_in + fan_out))
    bound = float(np.sqrt(6.0 / (total + EMBED_DIM)))
    table = jax.random.uniform(k2, (total, EMBED_DIM), minval=-bound, maxval=bound, dtype=jnp.float32)
    # fc: Linear(embed_dim, 1), default torch init approximated by small normal + zero bias
    W_fc = jax.random.normal(k3, (1, EMBED_DIM), dtype=jnp.float32) * 0.01
    b_fc = jnp.zeros((1,), dtype=jnp.float32)
    return {"x": x, "table": table, "W_fc": W_fc, "b_fc": b_fc}


def reference(x, table, W_fc, b_fc):
    # FeaturesEmbedding: add per-field offsets then lookup
    offsets = jnp.array([0, FIELD_DIMS[0]], dtype=x.dtype)
    idx = x + offsets[None, :]
    emb = jnp.take(table, idx, axis=0)  # (B, 2, D)
    user_x = emb[:, 0]  # (B, D); squeeze(1) is a no-op since dim 1 size is D
    item_x = emb[:, 1]
    gmf = user_x * item_x
    # GMF head: fc(gmf).squeeze(1)
    out = gmf @ W_fc.T + b_fc  # (B, 1)
    out = jnp.squeeze(out, axis=1)
    return (jax.nn.sigmoid(out), x)

if __name__ == "__main__":
    import jax
    _d = setup_inputs()
    print(jax.jit(kernel)(*tuple(_d.values())))

</pallas_src>

<mosaic_0001>
#map = affine_map<(d0, d1) -> (0, 0)>
#map1 = affine_map<(d0, d1) -> (0)>
module attributes {stable_mosaic.version = 14 : i64} {
  func.func @_extract_body(%arg0: i32, %arg1: i32, %arg2: memref<64x2000000xf32, #tpu.memory_space<hbm>>, %arg3: memref<16384xi32, #tpu.memory_space<hbm>>, %arg4: memref<16384xi32, #tpu.memory_space<hbm>>, %arg5: memref<32768x128xf32, #tpu.memory_space<hbm>>, %arg6: memref<16384xi32, #tpu.memory_space<vmem>>, %arg7: memref<2064xi32, #tpu.memory_space<vmem>>, %arg8: memref<2064xi32, #tpu.memory_space<vmem>>, %arg9: memref<2064xi32, #tpu.memory_space<vmem>>, %arg10: memref<2064xi32, #tpu.memory_space<vmem>>, %arg11: memref<3x64x512xf32, #tpu.memory_space<vmem>>, %arg12: memref<16x128xf32, #tpu.memory_space<vmem>>, %arg13: memref<!tpu.dma_semaphore, #tpu.memory_space<semaphore_mem>>, %arg14: memref<!tpu.dma_semaphore, #tpu.memory_space<semaphore_mem>>, %arg15: memref<!tpu.dma_semaphore, #tpu.memory_space<semaphore_mem>>, %arg16: memref<!tpu.dma_semaphore, #tpu.memory_space<semaphore_mem>>) attributes {dimension_semantics = [#tpu.dimension_semantics<core_parallel>, #tpu.dimension_semantics<subcore_parallel>], iteration_bounds = array<i64: 2, 16>, scalar_prefetch = 0 : i64, scratch_operands = 11 : i64, tpu.core_type = #tpu.core_type<sc_vector_subcore>, window_params = [{transform_indices = #map}, {transform_indices = #map1}, {transform_indices = #map1}, {transform_indices = #map}]} {
    %mul3A = arith.constant 2 : i32
    %mul3A_0 = arith.muli %arg1, %mul3A : i32
    %add3A = arith.addi %mul3A_0, %arg0 : i32
    %mul3A_1 = arith.constant 15625 : i32
    %mul3A_2 = arith.muli %add3A, %mul3A_1 : i32
    %jit3A = arith.constant 32 : i32
    %div3A = arith.divsi %mul3A_2, %jit3A : i32
    %sign3A = arith.constant 0 : i32
    %sign3A_3 = arith.cmpi sgt, %mul3A_2, %sign3A : i32
    %sign3A_4 = arith.extui %sign3A_3 : i1 to i32
    %sign3A_5 = arith.constant 0 : i32
    %sign3A_6 = arith.cmpi slt, %mul3A_2, %sign3A_5 : i32
    %sign3A_7 = arith.extui %sign3A_6 : i1 to i32
    %sign3A_8 = arith.subi %sign3A_4, %sign3A_7 : i32
    %sign3A_9 = arith.constant 0 : i32
    %sign3A_10 = arith.cmpi sgt, %jit3A, %sign3A_9 : i32
    %sign3A_11 = arith.extui %sign3A_10 : i1 to i32
    %sign3A_12 = arith.constant 0 : i32
    %sign3A_13 = arith.cmpi slt, %jit3A, %sign3A_12 : i32
    %sign3A_14 = arith.extui %sign3A_13 : i1 to i32
    %sign3A_15 = arith.subi %sign3A_11, %sign3A_14 : i32
    %ne3A = arith.cmpi ne, %sign3A_8, %sign3A_15 : i32
    %rem3A = arith.remsi %mul3A_2, %jit3A : i32
    %ne3A_16 = arith.constant 0 : i32
    %ne3A_17 = arith.cmpi ne, %rem3A, %ne3A_16 : i32
    %and3A = arith.andi %ne3A, %ne3A_17 : i1
    %sub3A = arith.constant 1 : i32
    %sub3A_18 = arith.subi %div3A, %sub3A : i32
    %select_n3A = arith.select %and3A, %sub3A_18, %div3A : i32
    %mul3A_19 = arith.constant 128 : i32
    %mul3A_20 = arith.muli %select_n3A, %mul3A_19 : i32
    %add3A_21 = arith.constant 1 : i32
    %add3A_22 = arith.addi %add3A, %add3A_21 : i32
    %mul3A_23 = arith.constant 15625 : i32
    %mul3A_24 = arith.muli %add3A_22, %mul3A_23 : i32
    %jit3A_25 = arith.constant 32 : i32
    %div3A_26 = arith.divsi %mul3A_24, %jit3A_25 : i32
    %sign3A_27 = arith.constant 0 : i32
    %sign3A_28 = arith.cmpi sgt, %mul3A_24, %sign3A_27 : i32
    %sign3A_29 = arith.extui %sign3A_28 : i1 to i32
    %sign3A_30 = arith.constant 0 : i32
    %sign3A_31 = arith.cmpi slt, %mul3A_24, %sign3A_30 : i32
    %sign3A_32 = arith.extui %sign3A_31 : i1 to i32
    %sign3A_33 = arith.subi %sign3A_29, %sign3A_32 : i32
    %sign3A_34 = arith.constant 0 : i32
    %sign3A_35 = arith.cmpi sgt, %jit3A_25, %sign3A_34 : i32
    %sign3A_36 = arith.extui %sign3A_35 : i1 to i32
    %sign3A_37 = arith.constant 0 : i32
    %sign3A_38 = arith.cmpi slt, %jit3A_25, %sign3A_37 : i32
    %sign3A_39 = arith.extui %sign3A_38 : i1 to i32
    %sign3A_40 = arith.subi %sign3A_36, %sign3A_39 : i32
    %ne3A_41 = arith.cmpi ne, %sign3A_33, %sign3A_40 : i32
    %rem3A_42 = arith.remsi %mul3A_24, %jit3A_25 : i32
    %ne3A_43 = arith.constant 0 : i32
    %ne3A_44 = arith.cmpi ne, %rem3A_42, %ne3A_43 : i32
    %and3A_45 = arith.andi %ne3A_41, %ne3A_44 : i1
    %sub3A_46 = arith.constant 1 : i32
    %sub3A_47 = arith.subi %div3A_26, %sub3A_46 : i32
    %select_n3A_48 = arith.select %and3A_45, %sub3A_47, %div3A_26 : i32
    %mul3A_49 = arith.constant 128 : i32
    %mul3A_50 = arith.muli %select_n3A_48, %mul3A_49 : i32
    %sub3A_51 = arith.subi %mul3A_50, %mul3A_20 : i32
    %add3A_52 = arith.constant 512 : i32
    %add3A_53 = arith.addi %sub3A_51, %add3A_52 : i32
    %sub3A_54 = arith.constant 1 : i32
    %sub3A_55 = arith.subi %add3A_53, %sub3A_54 : i32
    %jit3A_56 = arith.constant 512 : i32
    %div3A_57 = arith.divsi %sub3A_55, %jit3A_56 : i32
    %sign3A_58 = arith.constant 0 : i32
    %sign3A_59 = arith.cmpi sgt, %sub3A_55, %sign3A_58 : i32
    %sign3A_60 = arith.extui %sign3A_59 : i1 to i32
    %sign3A_61 = arith.constant 0 : i32
    %sign3A_62 = arith.cmpi slt, %sub3A_55, %sign3A_61 : i32
    %sign3A_63 = arith.extui %sign3A_62 : i1 to i32
    %sign3A_64 = arith.subi %sign3A_60, %sign3A_63 : i32
    %sign3A_65 = arith.constant 0 : i32
    %sign3A_66 = arith.cmpi sgt, %jit3A_56, %sign3A_65 : i32
    %sign3A_67 = arith.extui %sign3A_66 : i1 to i32
    %sign3A_68 = arith.constant 0 : i32
    %sign3A_69 = arith.cmpi slt, %jit3A_56, %sign3A_68 : i32
    %sign3A_70 = arith.extui %sign3A_69 : i1 to i32
    %sign3A_71 = arith.subi %sign3A_67, %sign3A_70 : i32
    %ne3A_72 = arith.cmpi ne, %sign3A_64, %sign3A_71 : i32
    %rem3A_73 = arith.remsi %sub3A_55, %jit3A_56 : i32
    %ne3A_74 = arith.constant 0 : i32
    %ne3A_75 = arith.cmpi ne, %rem3A_73, %ne3A_74 : i32
    %and3A_76 = arith.andi %ne3A_72, %ne3A_75 : i1
    %sub3A_77 = arith.constant 1 : i32
    %sub3A_78 = arith.subi %div3A_57, %sub3A_77 : i32
    %select_n3A_79 = arith.select %and3A_76, %sub3A_78, %div3A_57 : i32
    %iota3A = tpu.iota {dimensions = array<i32: 0>} : vector<16xi32>
    %sub3A_80 = arith.constant 512 : i32
    %sub3A_81 = arith.subi %sub3A_51, %sub3A_80 : i32
    %min3A = arith.constant 0 : i32
    %min3A_82 = arith.minsi %min3A, %sub3A_81 : i32
    %add3A_83 = arith.addi %mul3A_20, %min3A_82 : i32
    %dma_start3A = arith.constant 0 : i32
    %dma_start3A_84 = arith.constant 0 : i32
    %dma_start3A_85 = arith.constant 0 : i32
    %dma_start3A_86 = tpu.memref_slice %arg11[%dma_start3A, %dma_start3A_84, %dma_start3A_85] : memref<3x64x512xf32, #tpu.memory_space<vmem>> -> memref<1x32x512xf32, #tpu.memory_space<vmem>>
    %dma_start3A_87 = tpu.memref_squeeze %dma_start3A_86 : memref<1x32x512xf32, #tpu.memory_space<vmem>> -> memref<32x512xf32, #tpu.memory_space<vmem>>
    %dma_start3A_88 = arith.constant 0 : i32
    %dma_start3A_89 = tpu.memref_slice %arg2[%dma_start3A_88, %add3A_83] : memref<64x2000000xf32, #tpu.memory_space<hbm>> -> memref<32x512xf32, #tpu.memory_space<hbm>>
    %dma_start3A_90 = arith.constant 0 : i32
    %dma_start3A_91 = arith.constant 0 : i32
    %dma_start3A_92 = tpu.memref_slice %arg11[%dma_start3A, %dma_start3A_90, %dma_start3A_91] : memref<3x64x512xf32, #tpu.memory_space<vmem>> -> memref<1x32x512xf32, #tpu.memory_space<vmem>>
    %dma_start3A_93 = tpu.memref_squeeze %dma_start3A_92 : memref<1x32x512xf32, #tpu.memory_space<vmem>> -> memref<32x512xf32, #tpu.memory_space<vmem>>
    %dma_start3A_94 = arith.constant 0 : i32
    %dma_start3A_95 = tpu.memref_slice %arg2[%dma_start3A_94, %add3A_83] : memref<64x2000000xf32, #tpu.memory_space<hbm>> -> memref<32x512xf32, #tpu.memory_space<hbm>>
    tpu.enqueue_dma source(%dma_start3A_95 : memref<32x512xf32, #tpu.memory_space<hbm>>) target(%dma_start3A_93 : memref<32x512xf32, #tpu.memory_space<vmem>>) target_semaphore(%arg13 : memref<!tpu.dma_semaphore, #tpu.memory_space<semaphore_mem>>)
    %sub3A_96 = arith.constant 512 : i32
    %sub3A_97 = arith.subi %sub3A_51, %sub3A_96 : i32
    %min3A_98 = arith.constant 0 : i32
    %min3A_99 = arith.minsi %min3A_98, %sub3A_97 : i32
    %add3A_100 = arith.addi %mul3A_20, %min3A_99 : i32
    %dma_start3A_101 = arith.constant 0 : i32
    %dma_start3A_102 = arith.constant 32 : i32
    %dma_start3A_103 = arith.constant 0 : i32
    %dma_start3A_104 = tpu.memref_slice %arg11[%dma_start3A_101, %dma_start3A_102, %dma_start3A_103] : memref<3x64x512xf32, #tpu.memory_space<vmem>> -> memref<1x32x512xf32, #tpu.memory_space<vmem>>
    %dma_start3A_105 = tpu.memref_squeeze %dma_start3A_104 : memref<1x32x512xf32, #tpu.memory_space<vmem>> -> memref<32x512xf32, #tpu.memory_space<vmem>>
    %dma_start3A_106 = arith.constant 32 : i32
    %dma_start3A_107 = tpu.memref_slice %arg2[%dma_start3A_106, %add3A_100] : memref<64x2000000xf32, #tpu.memory_space<hbm>> -> memref<32x512xf32, #tpu.memory_space<hbm>>
    %dma_start3A_108 = arith.constant 32 : i32
    %dma_start3A_109 = arith.constant 0 : i32
    %dma_start3A_110 = tpu.memref_slice %arg11[%dma_start3A_101, %dma_start3A_108, %dma_start3A_109] : memref<3x64x512xf32, #tpu.memory_space<vmem>> -> memref<1x32x512xf32, #tpu.memory_space<vmem>>
    %dma_start3A_111 = tpu.memref_squeeze %dma_start3A_110 : memref<1x32x512xf32, #tpu.memory_space<vmem>> -> memref<32x512xf32, #tpu.memory_space<vmem>>
    %dma_start3A_112 = arith.constant 32 : i32
    %dma_start3A_113 = tpu.memref_slice %arg2[%dma_start3A_112, %add3A_100] : memref<64x2000000xf32, #tpu.memory_space<hbm>> -> memref<32x512xf32, #tpu.memory_space<hbm>>
    tpu.enqueue_dma source(%dma_start3A_113 : memref<32x512xf32, #tpu.memory_space<hbm>>) target(%dma_start3A_111 : memref<32x512xf32, #tpu.memory_space<vmem>>) target_semaphore(%arg13 : memref<!tpu.dma_semaphore, #tpu.memory_space<semaphore_mem>>)
    %gt3A = arith.constant 1 : i32
    %gt3A_114 = arith.cmpi sgt, %select_n3A_79, %gt3A : i32
    %convert_element_type3A = arith.extui %gt3A_114 : i1 to i32
    %cond3A = arith.constant 0 : i32
    %cond3A_115 = arith.cmpi ne, %convert_element_type3A, %cond3A : i32
    scf.if %cond3A_115 {
      %sub3A_204 = arith.constant 512 : i32
      %sub3A_205 = arith.subi %sub3A_51, %sub3A_204 : i32
      %min3A_206 = arith.constant 512 : i32
      %min3A_207 = arith.minsi %min3A_206, %sub3A_205 : i32
      %add3A_208 = arith.addi %mul3A_20, %min3A_207 : i32
      %dma_start3A_209 = arith.constant 1 : i32
      %dma_start3A_210 = arith.constant 0 : i32
      %dma_start3A_211 = arith.constant 0 : i32
      %dma_start3A_212 = tpu.memref_slice %arg11[%dma_start3A_209, %dma_start3A_210, %dma_start3A_211] : memref<3x64x512xf32, #tpu.memory_space<vmem>> -> memref<1x32x512xf32, #tpu.memory_space<vmem>>
      %dma_start3A_213 = tpu.memref_squeeze %dma_start3A_212 : memref<1x32x512xf32, #tpu.memory_space<vmem>> -> memref<32x512xf32, #tpu.memory_space<vmem>>
      %dma_start3A_214 = arith.constant 0 : i32
      %dma_start3A_215 = tpu.memref_slice %arg2[%dma_start3A_214, %add3A_208] : memref<64x2000000xf32, #tpu.memory_space<hbm>> -> memref<32x512xf32, #tpu.memory_space<hbm>>
      %dma_start3A_216 = arith.constant 0 : i32
      %dma_start3A_217 = arith.constant 0 : i32
      %dma_start3A_218 = tpu.memref_slice %arg11[%dma_start3A_209, %dma_start3A_216, %dma_start3A_217] : memref<3x64x512xf32, #tpu.memory_space<vmem>> -> memref<1x32x512xf32, #tpu.memory_space<vmem>>
      %dma_start3A_219 = tpu.memref_squeeze %dma_start3A_218 : memref<1x32x512xf32, #tpu.memory_space<vmem>> -> memref<32x512xf32, #tpu.memory_space<vmem>>
      %dma_start3A_220 = arith.constant 0 : i32
      %dma_start3A_221 = tpu.memref_slice %arg2[%dma_start3A_220, %add3A_208] : memref<64x2000000xf32, #tpu.memory_space<hbm>> -> memref<32x512xf32, #tpu.memory_space<hbm>>
      tpu.enqueue_dma source(%dma_start3A_221 : memref<32x512xf32, #tpu.memory_space<hbm>>) target(%dma_start3A_219 : memref<32x512xf32, #tpu.memory_space<vmem>>) target_semaphore(%arg14 : memref<!tpu.dma_semaphore, #tpu.memory_space<semaphore_mem>>)
      %sub3A_222 = arith.constant 512 : i32
      %sub3A_223 = arith.subi %sub3A_51, %sub3A_222 : i32
      %min3A_224 = arith.constant 512 : i32
      %min3A_225 = arith.minsi %min3A_224, %sub3A_223 : i32
      %add3A_226 = arith.addi %mul3A_20, %min3A_225 : i32
      %dma_start3A_227 = arith.constant 1 : i32
      %dma_start3A_228 = arith.constant 32 : i32
      %dma_start3A_229 = arith.constant 0 : i32
      %dma_start3A_230 = tpu.memref_slice %arg11[%dma_start3A_227, %dma_start3A_228, %dma_start3A_229] : memref<3x64x512xf32, #tpu.memory_space<vmem>> -> memref<1x32x512xf32, #tpu.memory_space<vmem>>
      %dma_start3A_231 = tpu.memref_squeeze %dma_start3A_230 : memref<1x32x512xf32, #tpu.memory_space<vmem>> -> memref<32x512xf32, #tpu.memory_space<vmem>>
      %dma_start3A_232 = arith.constant 32 : i32
      %dma_start3A_233 = tpu.memref_slice %arg2[%dma_start3A_232, %add3A_226] : memref<64x2000000xf32, #tpu.memory_space<hbm>> -> memref<32x512xf32, #tpu.memory_space<hbm>>
      %dma_start3A_234 = arith.constant 32 : i32
      %dma_start3A_235 = arith.constant 0 : i32
      %dma_start3A_236 = tpu.memref_slice %arg11[%dma_start3A_227, %dma_start3A_234, %dma_start3A_235] : memref<3x64x512xf32, #tpu.memory_space<vmem>> -> memref<1x32x512xf32, #tpu.memory_space<vmem>>
      %dma_start3A_237 = tpu.memref_squeeze %dma_start3A_236 : memref<1x32x512xf32, #tpu.memory_space<vmem>> -> memref<32x512xf32, #tpu.memory_space<vmem>>
      %dma_start3A_238 = arith.constant 32 : i32
      %dma_start3A_239 = tpu.memref_slice %arg2[%dma_start3A_238, %add3A_226] : memref<64x2000000xf32, #tpu.memory_space<hbm>> -> memref<32x512xf32, #tpu.memory_space<hbm>>
      tpu.enqueue_dma source(%dma_start3A_239 : memref<32x512xf32, #tpu.memory_space<hbm>>) target(%dma_start3A_237 : memref<32x512xf32, #tpu.memory_space<vmem>>) target_semaphore(%arg14 : memref<!tpu.dma_semaphore, #tpu.memory_space<semaphore_mem>>)
    } else {
    }
    %gt3A_116 = arith.constant 2 : i32
    %gt3A_117 = arith.cmpi sgt, %select_n3A_79, %gt3A_116 : i32
    %convert_element_type3A_118 = arith.extui %gt3A_117 : i1 to i32
    %cond3A_119 = arith.constant 0 : i32
    %cond3A_120 = arith.cmpi ne, %convert_element_type3A_118, %cond3A_119 : i32
    scf.if %cond3A_120 {
      %sub3A_204 = arith.constant 512 : i32
      %sub3A_205 = arith.subi %sub3A_51, %sub3A_204 : i32
      %min3A_206 = arith.constant 1024 : i32
      %min3A_207 = arith.minsi %min3A_206, %sub3A_205 : i32
      %add3A_208 = arith.addi %mul3A_20, %min3A_207 : i32
      %dma_start3A_209 = arith.constant 2 : i32
      %dma_start3A_210 = arith.constant 0 : i32
      %dma_start3A_211 = arith.constant 0 : i32
      %dma_start3A_212 = tpu.memref_slice %arg11[%dma_start3A_209, %dma_start3A_210, %dma_start3A_211] : memref<3x64x512xf32, #tpu.memory_space<vmem>> -> memref<1x32x512xf32, #tpu.memory_space<vmem>>
      %dma_start3A_213 = tpu.memref_squeeze %dma_start3A_212 : memref<1x32x512xf32, #tpu.memory_space<vmem>> -> memref<32x512xf32, #tpu.memory_space<vmem>>
      %dma_start3A_214 = arith.constant 0 : i32
      %dma_start3A_215 = tpu.memref_slice %arg2[%dma_start3A_214, %add3A_208] : memref<64x2000000xf32, #tpu.memory_space<hbm>> -> memref<32x512xf32, #tpu.memory_space<hbm>>
      %dma_start3A_216 = arith.constant 0 : i32
      %dma_start3A_217 = arith.constant 0 : i32
      %dma_start3A_218 = tpu.memref_slice %arg11[%dma_start3A_209, %dma_start3A_216, %dma_start3A_217] : memref<3x64x512xf32, #tpu.memory_space<vmem>> -> memref<1x32x512xf32, #tpu.memory_space<vmem>>
      %dma_start3A_219 = tpu.memref_squeeze %dma_start3A_218 : memref<1x32x512xf32, #tpu.memory_space<vmem>> -> memref<32x512xf32, #tpu.memory_space<vmem>>
      %dma_start3A_220 = arith.constant 0 : i32
      %dma_start3A_221 = tpu.memref_slice %arg2[%dma_start3A_220, %add3A_208] : memref<64x2000000xf32, #tpu.memory_space<hbm>> -> memref<32x512xf32, #tpu.memory_space<hbm>>
      tpu.enqueue_dma source(%dma_start3A_221 : memref<32x512xf32, #tpu.memory_space<hbm>>) target(%dma_start3A_219 : memref<32x512xf32, #tpu.memory_space<vmem>>) target_semaphore(%arg15 : memref<!tpu.dma_semaphore, #tpu.memory_space<semaphore_mem>>)
      %sub3A_222 = arith.constant 512 : i32
      %sub3A_223 = arith.subi %sub3A_51, %sub3A_222 : i32
      %min3A_224 = arith.constant 1024 : i32
      %min3A_225 = arith.minsi %min3A_224, %sub3A_223 : i32
      %add3A_226 = arith.addi %mul3A_20, %min3A_225 : i32
      %dma_start3A_227 = arith.constant 2 : i32
      %dma_start3A_228 = arith.constant 32 : i32
      %dma_start3A_229 = arith.constant 0 : i32
      %dma_start3A_230 = tpu.memref_slice %arg11[%dma_start3A_227, %dma_start3A_228, %dma_start3A_229] : memref<3x64x512xf32, #tpu.memory_space<vmem>> -> memref<1x32x512xf32, #tpu.memory_space<vmem>>
      %dma_start3A_231 = tpu.memref_squeeze %dma_start3A_230 : memref<1x32x512xf32, #tpu.memory_space<vmem>> -> memref<32x512xf32, #tpu.memory_space<vmem>>
      %dma_start3A_232 = arith.constant 32 : i32
      %dma_start3A_233 = tpu.memref_slice %arg2[%dma_start3A_232, %add3A_226] : memref<64x2000000xf32, #tpu.memory_space<hbm>> -> memref<32x512xf32, #tpu.memory_space<hbm>>
      %dma_start3A_234 = arith.constant 32 : i32
      %dma_start3A_235 = arith.constant 0 : i32
      %dma_start3A_236 = tpu.memref_slice %arg11[%dma_start3A_227, %dma_start3A_234, %dma_start3A_235] : memref<3x64x512xf32, #tpu.memory_space<vmem>> -> memref<1x32x512xf32, #tpu.memory_space<vmem>>
      %dma_start3A_237 = tpu.memref_squeeze %dma_start3A_236 : memref<1x32x512xf32, #tpu.memory_space<vmem>> -> memref<32x512xf32, #tpu.memory_space<vmem>>
      %dma_start3A_238 = arith.constant 32 : i32
      %dma_start3A_239 = tpu.memref_slice %arg2[%dma_start3A_238, %add3A_226] : memref<64x2000000xf32, #tpu.memory_space<hbm>> -> memref<32x512xf32, #tpu.memory_space<hbm>>
      tpu.enqueue_dma source(%dma_start3A_239 : memref<32x512xf32, #tpu.memory_space<hbm>>) target(%dma_start3A_237 : memref<32x512xf32, #tpu.memory_space<vmem>>) target_semaphore(%arg15 : memref<!tpu.dma_semaphore, #tpu.memory_space<semaphore_mem>>)
    } else {
    }
    "tpu.region"() ({
      %run_scoped3A = tpu.sem_alloc : memref<!tpu.dma_semaphore, #tpu.memory_space<semaphore_mem>>
      tpu.enqueue_dma source(%arg3 : memref<16384xi32, #tpu.memory_space<hbm>>) target(%arg6 : memref<16384xi32, #tpu.memory_space<vmem>>) target_semaphore(%run_scoped3A : memref<!tpu.dma_semaphore, #tpu.memory_space<semaphore_mem>>)
      tpu.wait_dma2 semaphore(%run_scoped3A : memref<!tpu.dma_semaphore, #tpu.memory_space<semaphore_mem>>) src(%arg3 : memref<16384xi32, #tpu.memory_space<hbm>>) dst(%arg6 : memref<16384xi32, #tpu.memory_space<vmem>>)
      tpu.yield
    }) : () -> ()
    %scan3A = arith.constant 0 : i32
    %scan3A_121 = arith.constant 0 : i32
    %scan3A_122 = arith.constant 1024 : i32
    %scan3A_123 = arith.addi %scan3A_121, %scan3A_122 : i32
    %scan3A_124 = arith.constant 1 : i32
    %scan3A_125 = scf.for %scan3A_204 = %scan3A_121 to %scan3A_123 step %scan3A_124 iter_args(%scan3A_205 = %scan3A) -> (i32)  : i32 {
      %mul3A_206 = arith.constant 16 : i32
      %mul3A_207 = arith.muli %scan3A_204, %mul3A_206 : i32
      %get3A = arith.index_cast %mul3A_207 : i32 to index
      %get3A_208 = tpu.vector_load %arg6[%get3A] {strides = array<i32>} : memref<16384xi32, #tpu.memory_space<vmem>>, vector<16xi32>,
      %add3A_209 = arith.constant 0 : i32
      %add3A_210 = vector.broadcast %add3A_209 : i32 to vector<16xi32>
      %add3A_211 = arith.addi %get3A_208, %add3A_210 : vector<16xi32>
      %ge3A = vector.broadcast %mul3A_20 : i32 to vector<16xi32>
      %ge3A_212 = arith.cmpi sge, %add3A_211, %ge3A : vector<16xi32>
      %lt3A = vector.broadcast %mul3A_50 : i32 to vector<16xi32>
      %lt3A_213 = arith.cmpi slt, %add3A_211, %lt3A : vector<16xi32>
      %and3A_214 = arith.andi %ge3A_212, %lt3A_213 : vector<16xi1>
      %sub3A_215 = vector.broadcast %mul3A_20 : i32 to vector<16xi32>
      %sub3A_216 = arith.subi %add3A_211, %sub3A_215 : vector<16xi32>
      %swap3A_217 = arith.index_cast %scan3A_205 : i32 to index
      %swap3A_218 = tpu.vector_load %arg7[%swap3A_217] masked %and3A_214 {strides = array<i32>} : memref<2064xi32, #tpu.memory_space<vmem>>, vector<16xi32>, vector<16xi1>
      tpu.vector_store %arg7[%swap3A_217], %sub3A_216 masked %and3A_214 {strides = array<i32>} : memref<2064xi32, #tpu.memory_space<vmem>>, vector<16xi32>, vector<16xi1>
      %mul3A_219 = arith.constant 16 : i32
      %mul3A_220 = arith.muli %scan3A_204, %mul3A_219 : i32
      %add3A_221 = arith.constant 0 : i32
      %add3A_222 = arith.addi %add3A_221, %mul3A_220 : i32
      %add3A_223 = vector.broadcast %add3A_222 : i32 to vector<16xi32>
      %add3A_224 = arith.addi %add3A_223, %iota3A : vector<16xi32>
      %swap3A_225 = arith.index_cast %scan3A_205 : i32 to index
      %swap3A_226 = tpu.vector_load %arg8[%swap3A_225] masked %and3A_214 {strides = array<i32>} : memref<2064xi32, #tpu.memory_space<vmem>>, vector<16xi32>, vector<16xi1>
      tpu.vector_store %arg8[%swap3A_225], %add3A_224 masked %and3A_214 {strides = array<i32>} : memref<2064xi32, #tpu.memory_space<vmem>>, vector<16xi32>, vector<16xi1>
      %all_reduce_population_count3A = tpu.all_reduce %and3A_214 {dim = 0 : i64, kind = #tpu.reduction_kind<sum>} : vector<16xi1> -> vector<16xi32>
      %slice3A = vector.extract_strided_slice %all_reduce_population_count3A {offsets = [0], sizes = [1], strides = [1]} : vector<16xi32> to vector<1xi32>
      %squeeze3A = vector.extract %slice3A[0] : i32 from vector<1xi32>
      %add3A_227 = arith.addi %scan3A_205, %squeeze3A : i32
      %min3A_228 = arith.constant 2048 : i32
      %min3A_229 = arith.minsi %add3A_227, %min3A_228 : i32
      scf.yield %min3A_229 : i32
    }
    %scan3A_126 = arith.constant 1024 : i32
    "tpu.region"() ({
      %run_scoped3A = tpu.sem_alloc : memref<!tpu.dma_semaphore, #tpu.memory_space<semaphore_mem>>
      tpu.enqueue_dma source(%arg4 : memref<16384xi32, #tpu.memory_space<hbm>>) target(%arg6 : memref<16384xi32, #tpu.memory_space<vmem>>) target_semaphore(%run_scoped3A : memref<!tpu.dma_semaphore, #tpu.memory_space<semaphore_mem>>)
      tpu.wait_dma2 semaphore(%run_scoped3A : memref<!tpu.dma_semaphore, #tpu.memory_space<semaphore_mem>>) src(%arg4 : memref<16384xi32, #tpu.memory_space<hbm>>) dst(%arg6 : memref<16384xi32, #tpu.memory_space<vmem>>)
      tpu.yield
    }) : () -> ()
    %scan3A_127 = arith.constant 0 : i32
    %scan3A_128 = arith.constant 1024 : i32
    %scan3A_129 = arith.addi %scan3A_127, %scan3A_128 : i32
    %scan3A_130 = arith.constant 1 : i32
    %scan3A_131 = scf.for %scan3A_204 = %scan3A_127 to %scan3A_129 step %scan3A_130 iter_args(%scan3A_205 = %scan3A_125) -> (i32)  : i32 {
      %mul3A_206 = arith.constant 16 : i32
      %mul3A_207 = arith.muli %scan3A_204, %mul3A_206 : i32
      %get3A = arith.index_cast %mul3A_207 : i32 to index
      %get3A_208 = tpu.vector_load %arg6[%get3A] {strides = array<i32>} : memref<16384xi32, #tpu.memory_space<vmem>>, vector<16xi32>,
      %add3A_209 = arith.constant 1000000 : i32
      %add3A_210 = vector.broadcast %add3A_209 : i32 to vector<16xi32>
      %add3A_211 = arith.addi %get3A_208, %add3A_210 : vector<16xi32>
      %ge3A = vector.broadcast %mul3A_20 : i32 to vector<16xi32>
      %ge3A_212 = arith.cmpi sge, %add3A_211, %ge3A : vector<16xi32>
      %lt3A = vector.broadcast %mul3A_50 : i32 to vector<16xi32>
      %lt3A_213 = arith.cmpi slt, %add3A_211, %lt3A : vector<16xi32>
      %and3A_214 = arith.andi %ge3A_212, %lt3A_213 : vector<16xi1>
      %sub3A_215 = vector.broadcast %mul3A_20 : i32 to vector<16xi32>
      %sub3A_216 = arith.subi %add3A_211, %sub3A_215 : vector<16xi32>
      %swap3A_217 = arith.index_cast %scan3A_205 : i32 to index
      %swap3A_218 = tpu.vector_load %arg7[%swap3A_217] masked %and3A_214 {strides = array<i32>} : memref<2064xi32, #tpu.memory_space<vmem>>, vector<16xi32>, vector<16xi1>
      tpu.vector_store %arg7[%swap3A_217], %sub3A_216 masked %and3A_214 {strides = array<i32>} : memref<2064xi32, #tpu.memory_space<vmem>>, vector<16xi32>, vector<16xi1>
      %mul3A_219 = arith.constant 16 : i32
      %mul3A_220 = arith.muli %scan3A_204, %mul3A_219 : i32
      %add3A_221 = arith.constant 16384 : i32
      %add3A_222 = arith.addi %add3A_221, %mul3A_220 : i32
      %add3A_223 = vector.broadcast %add3A_222 : i32 to vector<16xi32>
      %add3A_224 = arith.addi %add3A_223, %iota3A : vector<16xi32>
      %swap3A_225 = arith.index_cast %scan3A_205 : i32 to index
      %swap3A_226 = tpu.vector_load %arg8[%swap3A_225] masked %and3A_214 {strides = array<i32>} : memref<2064xi32, #tpu.memory_space<vmem>>, vector<16xi32>, vector<16xi1>
      tpu.vector_store %arg8[%swap3A_225], %add3A_224 masked %and3A_214 {strides = array<i32>} : memref<2064xi32, #tpu.memory_space<vmem>>, vector<16xi32>, vector<16xi1>
      %all_reduce_population_count3A = tpu.all_reduce %and3A_214 {dim = 0 : i64, kind = #tpu.reduction_kind<sum>} : vector<16xi1> -> vector<16xi32>
      %slice3A = vector.extract_strided_slice %all_reduce_population_count3A {offsets = [0], sizes = [1], strides = [1]} : vector<16xi32> to vector<1xi32>
      %squeeze3A = vector.extract %slice3A[0] : i32 from vector<1xi32>
      %add3A_227 = arith.addi %scan3A_205, %squeeze3A : i32
      %min3A_228 = arith.constant 2048 : i32
      %min3A_229 = arith.minsi %add3A_227, %min3A_228 : i32
      scf.yield %min3A_229 : i32
    }
    %scan3A_132 = arith.constant 1024 : i32
    %broadcast_in_dim3A = arith.constant 2000512 : i32
    %broadcast_in_dim3A_133 = vector.broadcast %broadcast_in_dim3A : i32 to vector<16xi32>
    %swap3A = arith.index_cast %scan3A_131 : i32 to index
    %swap3A_134 = tpu.vector_load %arg7[%swap3A] {strides = array<i32>} : memref<2064xi32, #tpu.memory_space<vmem>>, vector<16xi32>,
    tpu.vector_store %arg7[%swap3A], %broadcast_in_dim3A_133 {strides = array<i32>} : memref<2064xi32, #tpu.memory_space<vmem>>, vector<16xi32>,
    %broadcast_in_dim3A_135 = arith.constant 0 : i32
    %broadcast_in_dim3A_136 = vector.broadcast %broadcast_in_dim3A_135 : i32 to vector<16xi32>
    %swap3A_137 = arith.index_cast %scan3A_131 : i32 to index
    %swap3A_138 = tpu.vector_load %arg8[%swap3A_137] {strides = array<i32>} : memref<2064xi32, #tpu.memory_space<vmem>>, vector<16xi32>,
    tpu.vector_store %arg8[%swap3A_137], %broadcast_in_dim3A_136 {strides = array<i32>} : memref<2064xi32, #tpu.memory_space<vmem>>, vector<16xi32>,
    %add3A_139 = arith.constant 16 : i32
    %add3A_140 = arith.addi %scan3A_131, %add3A_139 : i32
    %sub3A_141 = arith.constant 1 : i32
    %sub3A_142 = arith.subi %add3A_140, %sub3A_141 : i32
    %jit3A_143 = arith.constant 16 : i32
    %div3A_144 = arith.divsi %sub3A_142, %jit3A_143 : i32
    %sign3A_145 = arith.constant 0 : i32
    %sign3A_146 = arith.cmpi sgt, %sub3A_142, %sign3A_145 : i32
    %sign3A_147 = arith.extui %sign3A_146 : i1 to i32
    %sign3A_148 = arith.constant 0 : i32
    %sign3A_149 = arith.cmpi slt, %sub3A_142, %sign3A_148 : i32
    %sign3A_150 = arith.extui %sign3A_149 : i1 to i32
    %sign3A_151 = arith.subi %sign3A_147, %sign3A_150 : i32
    %sign3A_152 = arith.constant 0 : i32
    %sign3A_153 = arith.cmpi sgt, %jit3A_143, %sign3A_152 : i32
    %sign3A_154 = arith.extui %sign3A_153 : i1 to i32
    %sign3A_155 = arith.constant 0 : i32
    %sign3A_156 = arith.cmpi slt, %jit3A_143, %sign3A_155 : i32
    %sign3A_157 = arith.extui %sign3A_156 : i1 to i32
    %sign3A_158 = arith.subi %sign3A_154, %sign3A_157 : i32
    %ne3A_159 = arith.cmpi ne, %sign3A_151, %sign3A_158 : i32
    %rem3A_160 = arith.remsi %sub3A_142, %jit3A_143 : i32
    %ne3A_161 = arith.constant 0 : i32
    %ne3A_162 = arith.cmpi ne, %rem3A_160, %ne3A_161 : i32
    %and3A_163 = arith.andi %ne3A_159, %ne3A_162 : i1
    %sub3A_164 = arith.constant 1 : i32
    %sub3A_165 = arith.subi %div3A_144, %sub3A_164 : i32
    %select_n3A_166 = arith.select %and3A_163, %sub3A_165, %div3A_144 : i32
    %add3A_167 = arith.constant 2 : i32
    %add3A_168 = arith.addi %select_n3A_79, %add3A_167 : i32
    %jit3A_169 = arith.constant 3 : i32
    %div3A_170 = arith.divsi %add3A_168, %jit3A_169 : i32
    %sign3A_171 = arith.constant 0 : i32
    %sign3A_172 = arith.cmpi sgt, %add3A_168, %sign3A_171 : i32
    %sign3A_173 = arith.extui %sign3A_172 : i1 to i32
    %sign3A_174 = arith.constant 0 : i32
    %sign3A_175 = arith.cmpi slt, %add3A_168, %sign3A_174 : i32
    %sign3A_176 = arith.extui %sign3A_175 : i1 to i32
    %sign3A_177 = arith.subi %sign3A_173, %sign3A_176 : i32
    %sign3A_178 = arith.constant 0 : i32
    %sign3A_179 = arith.cmpi sgt, %jit3A_169, %sign3A_178 : i32
    %sign3A_180 = arith.extui %sign3A_179 : i1 to i32
    %sign3A_181 = arith.constant 0 : i32
    %sign3A_182 = arith.cmpi slt, %jit3A_169, %sign3A_181 : i32
    %sign3A_183 = arith.extui %sign3A_182 : i1 to i32
    %sign3A_184 = arith.subi %sign3A_180, %sign3A_183 : i32
    %ne3A_185 = arith.cmpi ne, %sign3A_177, %sign3A_184 : i32
    %rem3A_186 = arith.remsi %add3A_168, %jit3A_169 : i32
    %ne3A_187 = arith.constant 0 : i32
    %ne3A_188 = arith.cmpi ne, %rem3A_186, %ne3A_187 : i32
    %and3A_189 = arith.andi %ne3A_185, %ne3A_188 : i1
    %sub3A_190 = arith.constant 1 : i32
    %sub3A_191 = arith.subi %div3A_170, %sub3A_190 : i32
    %select_n3A_192 = arith.select %and3A_189, %sub3A_191, %div3A_170 : i32
    %while3A = arith.constant 0 : i32
    %while3A_193 = arith.constant 0 : i32
    %while3A_194 = arith.subi %select_n3A_192, %while3A : i32
    %while3A_195 = arith.addi %while3A, %while3A_194 : i32
    %while3A_196 = arith.constant 1 : i32
    %while3A_197 = arith.divsi %while3A_194, %while3A_196 : i32
    %while3A_198 = arith.muli %while3A_197, %while3A_196 : i32
    %while3A_199 = arith.addi %while3A, %while3A_198 : i32
    %while3A_200 = arith.constant 1 : i32
    %while3A_201 = scf.for %while3A_204 = %while3A to %while3A_199 step %while3A_200 iter_args(%while3A_205 = %while3A_193) -> (i32)  : i32 {
      %mul3A_206 = arith.constant 3 : i32
      %mul3A_207 = arith.muli %mul3A_206, %while3A_204 : i32
      %add3A_208 = arith.constant 0 : i32
      %add3A_209 = arith.addi %mul3A_207, %add3A_208 : i32
      %lt3A = arith.cmpi slt, %add3A_209, %select_n3A_79 : i32
      %convert_element_type3A_210 = arith.extui %lt3A : i1 to i32
      %cond3A_211 = arith.constant 0 : i32
      %cond3A_212 = arith.cmpi ne, %convert_element_type3A_210, %cond3A_211 : i32
      scf.if %cond3A_212 {
        %add3A_226 = arith.constant 0 : i32
        %add3A_227 = arith.addi %mul3A_207, %add3A_226 : i32
        %mul3A_228 = arith.constant 512 : i32
        %mul3A_229 = arith.muli %add3A_227, %mul3A_228 : i32
        %sub3A_230 = arith.constant 512 : i32
        %sub3A_231 = arith.subi %sub3A_51, %sub3A_230 : i32
        %min3A_232 = arith.minsi %mul3A_229, %sub3A_231 : i32
        %add3A_233 = arith.addi %mul3A_20, %min3A_232 : i32
        %dma_wait3A = arith.constant 0 : i32
        %dma_wait3A_234 = arith.constant 0 : i32
        %dma_wait3A_235 = arith.constant 0 : i32
        %dma_wait3A_236 = tpu.memref_slice %arg11[%dma_wait3A, %dma_wait3A_234, %dma_wait3A_235] : memref<3x64x512xf32, #tpu.memory_space<vmem>> -> memref<1x64x512xf32, #tpu.memory_space<vmem>>
        %dma_wait3A_237 = tpu.memref_squeeze %dma_wait3A_236 : memref<1x64x512xf32, #tpu.memory_space<vmem>> -> memref<64x512xf32, #tpu.memory_space<vmem>>
        %dma_wait3A_238 = arith.constant 0 : i32
        %dma_wait3A_239 = tpu.memref_slice %arg2[%dma_wait3A_238, %add3A_233] : memref<64x2000000xf32, #tpu.memory_space<hbm>> -> memref<64x512xf32, #tpu.memory_space<hbm>>
        %dma_wait3A_240 = arith.constant 0 : i32
        %dma_wait3A_241 = arith.constant 0 : i32
        %dma_wait3A_242 = tpu.memref_slice %arg11[%dma_wait3A, %dma_wait3A_240, %dma_wait3A_241] : memref<3x64x512xf32, #tpu.memory_space<vmem>> -> memref<1x64x512xf32, #tpu.memory_space<vmem>>
        %dma_wait3A_243 = tpu.memref_squeeze %dma_wait3A_242 : memref<1x64x512xf32, #tpu.memory_space<vmem>> -> memref<64x512xf32, #tpu.memory_space<vmem>>
        %dma_wait3A_244 = arith.constant 0 : i32
        %dma_wait3A_245 = tpu.memref_slice %arg2[%dma_wait3A_244, %add3A_233] : memref<64x2000000xf32, #tpu.memory_space<hbm>> -> memref<64x512xf32, #tpu.memory_space<hbm>>
        tpu.wait_dma2 semaphore(%arg13 : memref<!tpu.dma_semaphore, #tpu.memory_space<semaphore_mem>>) src(%dma_wait3A_245 : memref<64x512xf32, #tpu.memory_space<hbm>>) dst(%dma_wait3A_243 : memref<64x512xf32, #tpu.memory_space<vmem>>)
        %mul3A_246 = arith.constant 512 : i32
        %mul3A_247 = arith.muli %add3A_227, %mul3A_246 : i32
        %sub3A_248 = arith.constant 512 : i32
        %sub3A_249 = arith.subi %sub3A_51, %sub3A_248 : i32
        %min3A_250 = arith.minsi %mul3A_247, %sub3A_249 : i32
        %while3A_251 = arith.constant 0 : i32
        %while3A_252 = arith.constant 0 : i32
        %while3A_253 = arith.subi %select_n3A_166, %while3A_251 : i32
        %while3A_254 = arith.addi %while3A_251, %while3A_253 : i32
        %while3A_255 = arith.constant 1 : i32
        %while3A_256 = arith.divsi %while3A_253, %while3A_255 : i32
        %while3A_257 = arith.muli %while3A_256, %while3A_255 : i32
        %while3A_258 = arith.addi %while3A_251, %while3A_257 : i32
        %while3A_259 = arith.constant 1 : i32
        %while3A_260 = scf.for %while3A_279 = %while3A_251 to %while3A_258 step %while3A_259 iter_args(%while3A_280 = %while3A_252) -> (i32)  : i32 {
          %mul3A_281 = arith.constant 16 : i32
          %mul3A_282 = arith.muli %while3A_279, %mul3A_281 : i32
          %get3A_283 = arith.index_cast %mul3A_282 : i32 to index
          %get3A_284 = tpu.vector_load %arg7[%get3A_283] {strides = array<i32>} : memref<2064xi32, #tpu.memory_space<vmem>>, vector<16xi32>,
          %mul3A_285 = arith.constant 16 : i32
          %mul3A_286 = arith.muli %while3A_279, %mul3A_285 : i32
          %get3A_287 = arith.index_cast %mul3A_286 : i32 to index
          %get3A_288 = tpu.vector_load %arg8[%get3A_287] {strides = array<i32>} : memref<2064xi32, #tpu.memory_space<vmem>>, vector<16xi32>,
          %ge3A = vector.broadcast %min3A_250 : i32 to vector<16xi32>
          %ge3A_289 = arith.cmpi sge, %get3A_284, %ge3A : vector<16xi32>
          %add3A_290 = arith.constant 512 : i32
          %add3A_291 = arith.addi %min3A_250, %add3A_290 : i32
          %lt3A_292 = vector.broadcast %add3A_291 : i32 to vector<16xi32>
          %lt3A_293 = arith.cmpi slt, %get3A_284, %lt3A_292 : vector<16xi32>
          %and3A_294 = arith.andi %ge3A_289, %lt3A_293 : vector<16xi1>
          %sub3A_295 = vector.broadcast %min3A_250 : i32 to vector<16xi32>
          %sub3A_296 = arith.subi %get3A_284, %sub3A_295 : vector<16xi32>
          %swap3A_297 = arith.index_cast %while3A_280 : i32 to index
          %swap3A_298 = tpu.vector_load %arg9[%swap3A_297] masked %and3A_294 {strides = array<i32>} : memref<2064xi32, #tpu.memory_space<vmem>>, vector<16xi32>, vector<16xi1>
          tpu.vector_store %arg9[%swap3A_297], %sub3A_296 masked %and3A_294 {strides = array<i32>} : memref<2064xi32, #tpu.memory_space<vmem>>, vector<16xi32>, vector<16xi1>
          %swap3A_299 = arith.index_cast %while3A_280 : i32 to index
          %swap3A_300 = tpu.vector_load %arg10[%swap3A_299] masked %and3A_294 {strides = array<i32>} : memref<2064xi32, #tpu.memory_space<vmem>>, vector<16xi32>, vector<16xi1>
          tpu.vector_store %arg10[%swap3A_299], %get3A_288 masked %and3A_294 {strides = array<i32>} : memref<2064xi32, #tpu.memory_space<vmem>>, vector<16xi32>, vector<16xi1>
          %all_reduce_population_count3A = tpu.all_reduce %and3A_294 {dim = 0 : i64, kind = #tpu.reduction_kind<sum>} : vector<16xi1> -> vector<16xi32>
          %slice3A = vector.extract_strided_slice %all_reduce_population_count3A {offsets = [0], sizes = [1], strides = [1]} : vector<16xi32> to vector<1xi32>
          %squeeze3A = vector.extract %slice3A[0] : i32 from vector<1xi32>
          %add3A_301 = arith.addi %while3A_280, %squeeze3A : i32
          %min3A_302 = arith.constant 2048 : i32
          %min3A_303 = arith.minsi %add3A_301, %min3A_302 : i32
          scf.yield %min3A_303 : i32
        }
        %while3A_261 = arith.constant 1 : i32
        %while3A_262 = scf.for %while3A_279 = %while3A_258 to %while3A_254 step %while3A_261 iter_args(%while3A_280 = %while3A_260) -> (i32)  : i32 {
          %mul3A_281 = arith.constant 16 : i32
          %mul3A_282 = arith.muli %while3A_279, %mul3A_281 : i32
          %get3A_283 = arith.index_cast %mul3A_282 : i32 to index
          %get3A_284 = tpu.vector_load %arg7[%get3A_283] {strides = array<i32>} : memref<2064xi32, #tpu.memory_space<vmem>>, vector<16xi32>,
          %mul3A_285 = arith.constant 16 : i32
          %mul3A_286 = arith.muli %while3A_279, %mul3A_285 : i32
          %get3A_287 = arith.index_cast %mul3A_286 : i32 to index
          %get3A_288 = tpu.vector_load %arg8[%get3A_287] {strides = array<i32>} : memref<2064xi32, #tpu.memory_space<vmem>>, vector<16xi32>,
          %ge3A = vector.broadcast %min3A_250 : i32 to vector<16xi32>
          %ge3A_289 = arith.cmpi sge, %get3A_284, %ge3A : vector<16xi32>
          %add3A_290 = arith.constant 512 : i32
          %add3A_291 = arith.addi %min3A_250, %add3A_290 : i32
          %lt3A_292 = vector.broadcast %add3A_291 : i32 to vector<16xi32>
          %lt3A_293 = arith.cmpi slt, %get3A_284, %lt3A_292 : vector<16xi32>
          %and3A_294 = arith.andi %ge3A_289, %lt3A_293 : vector<16xi1>
          %sub3A_295 = vector.broadcast %min3A_250 : i32 to vector<16xi32>
          %sub3A_296 = arith.subi %get3A_284, %sub3A_295 : vector<16xi32>
          %swap3A_297 = arith.index_cast %while3A_280 : i32 to index
          %swap3A_298 = tpu.vector_load %arg9[%swap3A_297] masked %and3A_294 {strides = array<i32>} : memref<2064xi32, #tpu.memory_space<vmem>>, vector<16xi32>, vector<16xi1>
          tpu.vector_store %arg9[%swap3A_297], %sub3A_296 masked %and3A_294 {strides = array<i32>} : memref<2064xi32, #tpu.memory_space<vmem>>, vector<16xi32>, vector<16xi1>
          %swap3A_299 = arith.index_cast %while3A_280 : i32 to index
          %swap3A_300 = tpu.vector_load %arg10[%swap3A_299] masked %and3A_294 {strides = array<i32>} : memref<2064xi32, #tpu.memory_space<vmem>>, vector<16xi32>, vector<16xi1>
          tpu.vector_store %arg10[%swap3A_299], %get3A_288 masked %and3A_294 {strides = array<i32>} : memref<2064xi32, #tpu.memory_space<vmem>>, vector<16xi32>, vector<16xi1>
          %all_reduce_population_count3A = tpu.all_reduce %and3A_294 {dim = 0 : i64, kind = #tpu.reduction_kind<sum>} : vector<16xi1> -> vector<16xi32>
          %slice3A = vector.extract_strided_slice %all_reduce_population_count3A {offsets = [0], sizes = [1], strides = [1]} : vector<16xi32> to vector<1xi32>
          %squeeze3A = vector.extract %slice3A[0] : i32 from vector<1xi32>
          %add3A_301 = arith.addi %while3A_280, %squeeze3A : i32
          %min3A_302 = arith.constant 2048 : i32
          %min3A_303 = arith.minsi %add3A_301, %min3A_302 : i32
          scf.yield %min3A_303 : i32
        }
        %get3A = arith.constant 0 : index
        %get3A_263 = tpu.vector_load %arg9[%get3A] {strides = array<i32>} : memref<2064xi32, #tpu.memory_space<vmem>>, vector<16xi32>,
        %get3A_264 = arith.constant 0 : index
        %get3A_265 = tpu.vector_load %arg10[%get3A_264] {strides = array<i32>} : memref<2064xi32, #tpu.memory_space<vmem>>, vector<16xi32>,
        %gt3A_266 = arith.constant 0 : i32
        %gt3A_267 = arith.cmpi sgt, %while3A_262, %gt3A_266 : i32
        %convert_element_type3A_268 = arith.extui %gt3A_267 : i1 to i32
        %cond3A_269 = arith.constant 0 : i32
        %cond3A_270 = arith.cmpi ne, %convert_element_type3A_268, %cond3A_269 : i32
        scf.if %cond3A_270 {
          %slice3A = vector.extract_strided_slice %get3A_263 {offsets = [0], sizes = [1], strides = [1]} : vector<16xi32> to vector<1xi32>
          %squeeze3A = vector.extract %slice3A[0] : i32 from vector<1xi32>
          %broadcast_in_dim3A_279 = vector.broadcast %squeeze3A : i32 to vector<16xi32>
          %swap3A_280 = arith.index_cast %while3A_262 : i32 to index
          %swap3A_281 = tpu.vector_load %arg9[%swap3A_280] {strides = array<i32>} : memref<2064xi32, #tpu.memory_space<vmem>>, vector<16xi32>,
          tpu.vector_store %arg9[%swap3A_280], %broadcast_in_dim3A_279 {strides = array<i32>} : memref<2064xi32, #tpu.memory_space<vmem>>, vector<16xi32>,
          %slice3A_282 = vector.extract_strided_slice %get3A_265 {offsets = [0], sizes = [1], strides = [1]} : vector<16xi32> to vector<1xi32>
          %squeeze3A_283 = vector.extract %slice3A_282[0] : i32 from vector<1xi32>
          %broadcast_in_dim3A_284 = vector.broadcast %squeeze3A_283 : i32 to vector<16xi32>
          %swap3A_285 = arith.index_cast %while3A_262 : i32 to index
          %swap3A_286 = tpu.vector_load %arg10[%swap3A_285] {strides = array<i32>} : memref<2064xi32, #tpu.memory_space<vmem>>, vector<16xi32>,
          tpu.vector_store %arg10[%swap3A_285], %broadcast_in_dim3A_284 {strides = array<i32>} : memref<2064xi32, #tpu.memory_space<vmem>>, vector<16xi32>,
          %add3A_287 = arith.constant 16 : i32
          %add3A_288 = arith.addi %while3A_262, %add3A_287 : i32
          %sub3A_289 = arith.constant 1 : i32
          %sub3A_290 = arith.subi %add3A_288, %sub3A_289 : i32
          %jit3A_291 = arith.constant 16 : i32
          %div3A_292 = arith.divsi %sub3A_290, %jit3A_291 : i32
          %sign3A_293 = arith.constant 0 : i32
          %sign3A_294 = arith.cmpi sgt, %sub3A_290, %sign3A_293 : i32
          %sign3A_295 = arith.extui %sign3A_294 : i1 to i32
          %sign3A_296 = arith.constant 0 : i32
          %sign3A_297 = arith.cmpi slt, %sub3A_290, %sign3A_296 : i32
          %sign3A_298 = arith.extui %sign3A_297 : i1 to i32
          %sign3A_299 = arith.subi %sign3A_295, %sign3A_298 : i32
          %sign3A_300 = arith.constant 0 : i32
          %sign3A_301 = arith.cmpi sgt, %jit3A_291, %sign3A_300 : i32
          %sign3A_302 = arith.extui %sign3A_301 : i1 to i32
          %sign3A_303 = arith.constant 0 : i32
          %sign3A_304 = arith.cmpi slt, %jit3A_291, %sign3A_303 : i32
          %sign3A_305 = arith.extui %sign3A_304 : i1 to i32
          %sign3A_306 = arith.subi %sign3A_302, %sign3A_305 : i32
          %ne3A_307 = arith.cmpi ne, %sign3A_299, %sign3A_306 : i32
          %rem3A_308 = arith.remsi %sub3A_290, %jit3A_291 : i32
          %ne3A_309 = arith.constant 0 : i32
          %ne3A_310 = arith.cmpi ne, %rem3A_308, %ne3A_309 : i32
          %and3A_311 = arith.andi %ne3A_307, %ne3A_310 : i1
          %sub3A_312 = arith.constant 1 : i32
          %sub3A_313 = arith.subi %div3A_292, %sub3A_312 : i32
          %select_n3A_314 = arith.select %and3A_311, %sub3A_313, %div3A_292 : i32
          %while3A_315 = arith.constant 0 : i32
          %while3A_316 = arith.constant 0 : i32
          %while3A_317 = arith.subi %select_n3A_314, %while3A_315 : i32
          %while3A_318 = arith.addi %while3A_315, %while3A_317 : i32
          %while3A_319 = arith.constant 1 : i32
          %while3A_320 = arith.divsi %while3A_317, %while3A_319 : i32
          %while3A_321 = arith.muli %while3A_320, %while3A_319 : i32
          %while3A_322 = arith.addi %while3A_315, %while3A_321 : i32
          %while3A_323 = arith.constant 1 : i32
          %while3A_324 = scf.for %while3A_327 = %while3A_315 to %while3A_322 step %while3A_323 iter_args(%while3A_328 = %while3A_316) -> (i32)  : i32 {
            %mul3A_329 = arith.constant 16 : i32
            %mul3A_330 = arith.muli %while3A_327, %mul3A_329 : i32
            %get3A_331 = arith.index_cast %mul3A_330 : i32 to index
            %get3A_332 = tpu.vector_load %arg9[%get3A_331] {strides = array<i32>} : memref<2064xi32, #tpu.memory_space<vmem>>, vector<16xi32>,
            %mul3A_333 = arith.constant 16 : i32
            %mul3A_334 = arith.muli %while3A_327, %mul3A_333 : i32
            %get3A_335 = arith.index_cast %mul3A_334 : i32 to index
            %get3A_336 = tpu.vector_load %arg10[%get3A_335] {strides = array<i32>} : memref<2064xi32, #tpu.memory_space<vmem>>, vector<16xi32>,
            %scan3A_337 = arith.constant 0 : i32
            %scan3A_338 = arith.constant 0 : i32
            %scan3A_339 = arith.constant 64 : i32
            %scan3A_340 = arith.addi %scan3A_338, %scan3A_339 : i32
            %scan3A_341 = arith.constant 1 : i32
            %scan3A_342 = scf.for %scan3A_351 = %scan3A_338 to %scan3A_340 step %scan3A_341 iter_args(%scan3A_352 = %scan3A_337) -> (i32)  : i32 {
              %broadcast_in_dim3A_353 = vector.broadcast %scan3A_351 : i32 to vector<16xi32>
              %gather3A = arith.constant 0 : i32
              %gather3A_354 = arith.constant 0 : i32
              %gather3A_355 = arith.constant 0 : i32
              %gather3A_356 = tpu.memref_slice %arg11[%gather3A, %gather3A_354, %gather3A_355] : memref<3x64x512xf32, #tpu.memory_space<vmem>> -> memref<1x64x512xf32, #tpu.memory_space<vmem>>
              %gather3A_357 = tpu.memref_squeeze %gather3A_356 : memref<1x64x512xf32, #tpu.memory_space<vmem>> -> memref<64x512xf32, #tpu.memory_space<vmem>>
              %gather3A_358 = tpu.vector_load_idx %gather3A_357[%broadcast_in_dim3A_353, %get3A_332] : memref<64x512xf32, #tpu.memory_space<vmem>>[vector<16xi32>, vector<16xi32>], vector<16xf32>,
              %broadcast_in_dim3A_359 = vector.broadcast %scan3A_351 : i32 to vector<16xi32>
              tpu.vector_store_idx %arg12[%iota3A, %broadcast_in_dim3A_359], %gather3A_358 : memref<16x128xf32, #tpu.memory_space<vmem>>[vector<16xi32>, vector<16xi32>], vector<16xf32>,
              %scan3A_360 = arith.constant 0 : i32
              scf.yield %scan3A_360 : i32
            }
            %scan3A_343 = arith.constant 64 : i32
            %dma_start3A_344 = arith.constant 0 : i32
            %dma_start3A_345 = arith.constant 0 : i32
            %dma_start3A_346 = tpu.memref_slice %arg5[%dma_start3A_344, %dma_start3A_345] : memref<32768x128xf32, #tpu.memory_space<hbm>> -> memref<32768x128xf32, #tpu.memory_space<hbm>>
            tpu.enqueue_indirect_dma source(%arg12 : memref<16x128xf32, #tpu.memory_space<vmem>>) target(%dma_start3A_346 : memref<32768x128xf32, #tpu.memory_space<hbm>>) offsets(%get3A_336 : vector<16xi32>) semaphore(%arg16 : memref<!tpu.dma_semaphore, #tpu.memory_space<semaphore_mem>>)
            %dma_wait3A_347 = arith.constant 0 : i32
            %dma_wait3A_348 = arith.constant 0 : i32
            %dma_wait3A_349 = tpu.memref_slice %arg5[%dma_wait3A_347, %dma_wait3A_348] : memref<32768x128xf32, #tpu.memory_space<hbm>> -> memref<32768x128xf32, #tpu.memory_space<hbm>>
            tpu.wait_indirect_dma semaphore(%arg16 : memref<!tpu.dma_semaphore, #tpu.memory_space<semaphore_mem>>) src(%arg12 : memref<16x128xf32, #tpu.memory_space<vmem>>) dst(%dma_wait3A_349 : memref<32768x128xf32, #tpu.memory_space<hbm>>)
            %while3A_350 = arith.constant 0 : i32
            scf.yield %while3A_350 : i32
          }
          %while3A_325 = arith.constant 1 : i32
          %while3A_326 = scf.for %while3A_327 = %while3A_322 to %while3A_318 step %while3A_325 iter_args(%while3A_328 = %while3A_324) -> (i32)  : i32 {
            %mul3A_329 = arith.constant 16 : i32
            %mul3A_330 = arith.muli %while3A_327, %mul3A_329 : i32
            %get3A_331 = arith.index_cast %mul3A_330 : i32 to index
            %get3A_332 = tpu.vector_load %arg9[%get3A_331] {strides = array<i32>} : memref<2064xi32, #tpu.memory_space<vmem>>, vector<16xi32>,
            %mul3A_333 = arith.constant 16 : i32
            %mul3A_334 = arith.muli %while3A_327, %mul3A_333 : i32
            %get3A_335 = arith.index_cast %mul3A_334 : i32 to index
            %get3A_336 = tpu.vector_load %arg10[%get3A_335] {strides = array<i32>} : memref<2064xi32, #tpu.memory_space<vmem>>, vector<16xi32>,
            %scan3A_337 = arith.constant 0 : i32
            %scan3A_338 = arith.constant 0 : i32
            %scan3A_339 = arith.constant 64 : i32
            %scan3A_340 = arith.addi %scan3A_338, %scan3A_339 : i32
            %scan3A_341 = arith.constant 1 : i32
            %scan3A_342 = scf.for %scan3A_351 = %scan3A_338 to %scan3A_340 step %scan3A_341 iter_args(%scan3A_352 = %scan3A_337) -> (i32)  : i32 {
              %broadcast_in_dim3A_353 = vector.broadcast %scan3A_351 : i32 to vector<16xi32>
              %gather3A = arith.constant 0 : i32
              %gather3A_354 = arith.constant 0 : i32
              %gather3A_355 = arith.constant 0 : i32
              %gather3A_356 = tpu.memref_slice %arg11[%gather3A, %gather3A_354, %gather3A_355] : memref<3x64x512xf32, #tpu.memory_space<vmem>> -> memref<1x64x512xf32, #tpu.memory_space<vmem>>
              %gather3A_357 = tpu.memref_squeeze %gather3A_356 : memref<1x64x512xf32, #tpu.memory_space<vmem>> -> memref<64x512xf32, #tpu.memory_space<vmem>>
              %gather3A_358 = tpu.vector_load_idx %gather3A_357[%broadcast_in_dim3A_353, %get3A_332] : memref<64x512xf32, #tpu.memory_space<vmem>>[vector<16xi32>, vector<16xi32>], vector<16xf32>,
              %broadcast_in_dim3A_359 = vector.broadcast %scan3A_351 : i32 to vector<16xi32>
              tpu.vector_store_idx %arg12[%iota3A, %broadcast_in_dim3A_359], %gather3A_358 : memref<16x128xf32, #tpu.memory_space<vmem>>[vector<16xi32>, vector<16xi32>], vector<16xf32>,
              %scan3A_360 = arith.constant 0 : i32
              scf.yield %scan3A_360 : i32
            }
            %scan3A_343 = arith.constant 64 : i32
            %dma_start3A_344 = arith.constant 0 : i32
            %dma_start3A_345 = arith.constant 0 : i32
            %dma_start3A_346 = tpu.memref_slice %arg5[%dma_start3A_344, %dma_start3A_345] : memref<32768x128xf32, #tpu.memory_space<hbm>> -> memref<32768x128xf32, #tpu.memory_space<hbm>>
            tpu.enqueue_indirect_dma source(%arg12 : memref<16x128xf32, #tpu.memory_space<vmem>>) target(%dma_start3A_346 : memref<32768x128xf32, #tpu.memory_space<hbm>>) offsets(%get3A_336 : vector<16xi32>) semaphore(%arg16 : memref<!tpu.dma_semaphore, #tpu.memory_space<semaphore_mem>>)
            %dma_wait3A_347 = arith.constant 0 : i32
            %dma_wait3A_348 = arith.constant 0 : i32
            %dma_wait3A_349 = tpu.memref_slice %arg5[%dma_wait3A_347, %dma_wait3A_348] : memref<32768x128xf32, #tpu.memory_space<hbm>> -> memref<32768x128xf32, #tpu.memory_space<hbm>>
            tpu.wait_indirect_dma semaphore(%arg16 : memref<!tpu.dma_semaphore, #tpu.memory_space<semaphore_mem>>) src(%arg12 : memref<16x128xf32, #tpu.memory_space<vmem>>) dst(%dma_wait3A_349 : memref<32768x128xf32, #tpu.memory_space<hbm>>)
            %while3A_350 = arith.constant 0 : i32
            scf.yield %while3A_350 : i32
          }
        } else {
        }
        %add3A_271 = arith.constant 0 : i32
        %add3A_272 = arith.addi %mul3A_207, %add3A_271 : i32
        %add3A_273 = arith.constant 3 : i32
        %add3A_274 = arith.addi %add3A_272, %add3A_273 : i32
        %lt3A_275 = arith.cmpi slt, %add3A_274, %select_n3A_79 : i32
        %convert_element_type3A_276 = arith.extui %lt3A_275 : i1 to i32
        %cond3A_277 = arith.constant 0 : i32
        %cond3A_278 = arith.cmpi ne, %convert_element_type3A_276, %cond3A_277 : i32
        scf.if %cond3A_278 {
          %add3A_279 = arith.constant 0 : i32
          %add3A_280 = arith.addi %mul3A_207, %add3A_279 : i32
          %add3A_281 = arith.constant 3 : i32
          %add3A_282 = arith.addi %add3A_280, %add3A_281 : i32
          %mul3A_283 = arith.constant 512 : i32
          %mul3A_284 = arith.muli %add3A_282, %mul3A_283 : i32
          %sub3A_285 = arith.constant 512 : i32
          %sub3A_286 = arith.subi %sub3A_51, %sub3A_285 : i32
          %min3A_287 = arith.minsi %mul3A_284, %sub3A_286 : i32
          %add3A_288 = arith.addi %mul3A_20, %min3A_287 : i32
          %dma_start3A_289 = arith.constant 0 : i32
          %dma_start3A_290 = arith.constant 0 : i32
          %dma_start3A_291 = arith.constant 0 : i32
          %dma_start3A_292 = tpu.memref_slice %arg11[%dma_start3A_289, %dma_start3A_290, %dma_start3A_291] : memref<3x64x512xf32, #tpu.memory_space<vmem>> -> memref<1x32x512xf32, #tpu.memory_space<vmem>>
          %dma_start3A_293 = tpu.memref_squeeze %dma_start3A_292 : memref<1x32x512xf32, #tpu.memory_space<vmem>> -> memref<32x512xf32, #tpu.memory_space<vmem>>
          %dma_start3A_294 = arith.constant 0 : i32
          %dma_start3A_295 = tpu.memref_slice %arg2[%dma_start3A_294, %add3A_288] : memref<64x2000000xf32, #tpu.memory_space<hbm>> -> memref<32x512xf32, #tpu.memory_space<hbm>>
          %dma_start3A_296 = arith.constant 0 : i32
          %dma_start3A_297 = arith.constant 0 : i32
          %dma_start3A_298 = tpu.memref_slice %arg11[%dma_start3A_289, %dma_start3A_296, %dma_start3A_297] : memref<3x64x512xf32, #tpu.memory_space<vmem>> -> memref<1x32x512xf32, #tpu.memory_space<vmem>>
          %dma_start3A_299 = tpu.memref_squeeze %dma_start3A_298 : memref<1x32x512xf32, #tpu.memory_space<vmem>> -> memref<32x512xf32, #tpu.memory_space<vmem>>
          %dma_start3A_300 = arith.constant 0 : i32
          %dma_start3A_301 = tpu.memref_slice %arg2[%dma_start3A_300, %add3A_288] : memref<64x2000000xf32, #tpu.memory_space<hbm>> -> memref<32x512xf32, #tpu.memory_space<hbm>>
          tpu.enqueue_dma source(%dma_start3A_301 : memref<32x512xf32, #tpu.memory_space<hbm>>) target(%dma_start3A_299 : memref<32x512xf32, #tpu.memory_space<vmem>>) target_semaphore(%arg13 : memref<!tpu.dma_semaphore, #tpu.memory_space<semaphore_mem>>)
          %mul3A_302 = arith.constant 512 : i32
          %mul3A_303 = arith.muli %add3A_282, %mul3A_302 : i32
          %sub3A_304 = arith.constant 512 : i32
          %sub3A_305 = arith.subi %sub3A_51, %sub3A_304 : i32
          %min3A_306 = arith.minsi %mul3A_303, %sub3A_305 : i32
          %add3A_307 = arith.addi %mul3A_20, %min3A_306 : i32
          %dma_start3A_308 = arith.constant 0 : i32
          %dma_start3A_309 = arith.constant 32 : i32
          %dma_start3A_310 = arith.constant 0 : i32
          %dma_start3A_311 = tpu.memref_slice %arg11[%dma_start3A_308, %dma_start3A_309, %dma_start3A_310] : memref<3x64x512xf32, #tpu.memory_space<vmem>> -> memref<1x32x512xf32, #tpu.memory_space<vmem>>
          %dma_start3A_312 = tpu.memref_squeeze %dma_start3A_311 : memref<1x32x512xf32, #tpu.memory_space<vmem>> -> memref<32x512xf32, #tpu.memory_space<vmem>>
          %dma_start3A_313 = arith.constant 32 : i32
          %dma_start3A_314 = tpu.memref_slice %arg2[%dma_start3A_313, %add3A_307] : memref<64x2000000xf32, #tpu.memory_space<hbm>> -> memref<32x512xf32, #tpu.memory_space<hbm>>
          %dma_start3A_315 = arith.constant 32 : i32
          %dma_start3A_316 = arith.constant 0 : i32
          %dma_start3A_317 = tpu.memref_slice %arg11[%dma_start3A_308, %dma_start3A_315, %dma_start3A_316] : memref<3x64x512xf32, #tpu.memory_space<vmem>> -> memref<1x32x512xf32, #tpu.memory_space<vmem>>
          %dma_start3A_318 = tpu.memref_squeeze %dma_start3A_317 : memref<1x32x512xf32, #tpu.memory_space<vmem>> -> memref<32x512xf32, #tpu.memory_space<vmem>>
          %dma_start3A_319 = arith.constant 32 : i32
          %dma_start3A_320 = tpu.memref_slice %arg2[%dma_start3A_319, %add3A_307] : memref<64x2000000xf32, #tpu.memory_space<hbm>> -> memref<32x512xf32, #tpu.memory_space<hbm>>
          tpu.enqueue_dma source(%dma_start3A_320 : memref<32x512xf32, #tpu.memory_space<hbm>>) target(%dma_start3A_318 : memref<32x512xf32, #tpu.memory_space<vmem>>) target_semaphore(%arg13 : memref<!tpu.dma_semaphore, #tpu.memory_space<semaphore_mem>>)
        } else {
        }
      } else {
      }
      %add3A_213 = arith.constant 1 : i32
      %add3A_214 = arith.addi %mul3A_207, %add3A_213 : i32
      %lt3A_215 = arith.cmpi slt, %add3A_214, %select_n3A_79 : i32
      %convert_element_type3A_216 = arith.extui %lt3A_215 : i1 to i32
      %cond3A_217 = arith.constant 0 : i32
      %cond3A_218 = arith.cmpi ne, %convert_element_type3A_216, %cond3A_217 : i32
      scf.if %cond3A_218 {
        %add3A_226 = arith.constant 1 : i32
        %add3A_227 = arith.addi %mul3A_207, %add3A_226 : i32
        %mul3A_228 = arith.constant 512 : i32
        %mul3A_229 = arith.muli %add3A_227, %mul3A_228 : i32
        %sub3A_230 = arith.constant 512 : i32
        %sub3A_231 = arith.subi %sub3A_51, %sub3A_230 : i32
        %min3A_232 = arith.minsi %mul3A_229, %sub3A_231 : i32
        %add3A_233 = arith.addi %mul3A_20, %min3A_232 : i32
        %dma_wait3A = arith.constant 1 : i32
        %dma_wait3A_234 = arith.constant 0 : i32
        %dma_wait3A_235 = arith.constant 0 : i32
        %dma_wait3A_236 = tpu.memref_slice %arg11[%dma_wait3A, %dma_wait3A_234, %dma_wait3A_235] : memref<3x64x512xf32, #tpu.memory_space<vmem>> -> memref<1x64x512xf32, #tpu.memory_space<vmem>>
        %dma_wait3A_237 = tpu.memref_squeeze %dma_wait3A_236 : memref<1x64x512xf32, #tpu.memory_space<vmem>> -> memref<64x512xf32, #tpu.memory_space<vmem>>
        %dma_wait3A_238 = arith.constant 0 : i32
        %dma_wait3A_239 = tpu.memref_slice %arg2[%dma_wait3A_238, %add3A_233] : memref<64x2000000xf32, #tpu.memory_space<hbm>> -> memref<64x512xf32, #tpu.memory_space<hbm>>
        %dma_wait3A_240 = arith.constant 0 : i32
        %dma_wait3A_241 = arith.constant 0 : i32
        %dma_wait3A_242 = tpu.memref_slice %arg11[%dma_wait3A, %dma_wait3A_240, %dma_wait3A_241] : memref<3x64x512xf32, #tpu.memory_space<vmem>> -> memref<1x64x512xf32, #tpu.memory_space<vmem>>
        %dma_wait3A_243 = tpu.memref_squeeze %dma_wait3A_242 : memref<1x64x512xf32, #tpu.memory_space<vmem>> -> memref<64x512xf32, #tpu.memory_space<vmem>>
        %dma_wait3A_244 = arith.constant 0 : i32
        %dma_wait3A_245 = tpu.memref_slice %arg2[%dma_wait3A_244, %add3A_233] : memref<64x2000000xf32, #tpu.memory_space<hbm>> -> memref<64x512xf32, #tpu.memory_space<hbm>>
        tpu.wait_dma2 semaphore(%arg14 : memref<!tpu.dma_semaphore, #tpu.memory_space<semaphore_mem>>) src(%dma_wait3A_245 : memref<64x512xf32, #tpu.memory_space<hbm>>) dst(%dma_wait3A_243 : memref<64x512xf32, #tpu.memory_space<vmem>>)
        %mul3A_246 = arith.constant 512 : i32
        %mul3A_247 = arith.muli %add3A_227, %mul3A_246 : i32
        %sub3A_248 = arith.constant 512 : i32
        %sub3A_249 = arith.subi %sub3A_51, %sub3A_248 : i32
        %min3A_250 = arith.minsi %mul3A_247, %sub3A_249 : i32
        %while3A_251 = arith.constant 0 : i32
        %while3A_252 = arith.constant 0 : i32
        %while3A_253 = arith.subi %select_n3A_166, %while3A_251 : i32
        %while3A_254 = arith.addi %while3A_251, %while3A_253 : i32
        %while3A_255 = arith.constant 1 : i32
        %while3A_256 = arith.divsi %while3A_253, %while3A_255 : i32
        %while3A_257 = arith.muli %while3A_256, %while3A_255 : i32
        %while3A_258 = arith.addi %while3A_251, %while3A_257 : i32
        %while3A_259 = arith.constant 1 : i32
        %while3A_260 = scf.for %while3A_279 = %while3A_251 to %while3A_258 step %while3A_259 iter_args(%while3A_280 = %while3A_252) -> (i32)  : i32 {
          %mul3A_281 = arith.constant 16 : i32
          %mul3A_282 = arith.muli %while3A_279, %mul3A_281 : i32
          %get3A_283 = arith.index_cast %mul3A_282 : i32 to index
          %get3A_284 = tpu.vector_load %arg7[%get3A_283] {strides = array<i32>} : memref<2064xi32, #tpu.memory_space<vmem>>, vector<16xi32>,
          %mul3A_285 = arith.constant 16 : i32
          %mul3A_286 = arith.muli %while3A_279, %mul3A_285 : i32
          %get3A_287 = arith.index_cast %mul3A_286 : i32 to index
          %get3A_288 = tpu.vector_load %arg8[%get3A_287] {strides = array<i32>} : memref<2064xi32, #tpu.memory_space<vmem>>, vector<16xi32>,
          %ge3A = vector.broadcast %min3A_250 : i32 to vector<16xi32>
          %ge3A_289 = arith.cmpi sge, %get3A_284, %ge3A : vector<16xi32>
          %add3A_290 = arith.constant 512 : i32
          %add3A_291 = arith.addi %min3A_250, %add3A_290 : i32
          %lt3A_292 = vector.broadcast %add3A_291 : i32 to vector<16xi32>
          %lt3A_293 = arith.cmpi slt, %get3A_284, %lt3A_292 : vector<16xi32>
          %and3A_294 = arith.andi %ge3A_289, %lt3A_293 : vector<16xi1>
          %sub3A_295 = vector.broadcast %min3A_250 : i32 to vector<16xi32>
          %sub3A_296 = arith.subi %get3A_284, %sub3A_295 : vector<16xi32>
          %swap3A_297 = arith.index_cast %while3A_280 : i32 to index
          %swap3A_298 = tpu.vector_load %arg9[%swap3A_297] masked %and3A_294 {strides = array<i32>} : memref<2064xi32, #tpu.memory_space<vmem>>, vector<16xi32>, vector<16xi1>
          tpu.vector_store %arg9[%swap3A_297], %sub3A_296 masked %and3A_294 {strides = array<i32>} : memref<2064xi32, #tpu.memory_space<vmem>>, vector<16xi32>, vector<16xi1>
          %swap3A_299 = arith.index_cast %while3A_280 : i32 to index
          %swap3A_300 = tpu.vector_load %arg10[%swap3A_299] masked %and3A_294 {strides = array<i32>} : memref<2064xi32, #tpu.memory_space<vmem>>, vector<16xi32>, vector<16xi1>
          tpu.vector_store %arg10[%swap3A_299], %get3A_288 masked %and3A_294 {strides = array<i32>} : memref<2064xi32, #tpu.memory_space<vmem>>, vector<16xi32>, vector<16xi1>
          %all_reduce_population_count3A = tpu.all_reduce %and3A_294 {dim = 0 : i64, kind = #tpu.reduction_kind<sum>} : vector<16xi1> -> vector<16xi32>
          %slice3A = vector.extract_strided_slice %all_reduce_population_count3A {offsets = [0], sizes = [1], strides = [1]} : vector<16xi32> to vector<1xi32>
          %squeeze3A = vector.extract %slice3A[0] : i32 from vector<1xi32>
          %add3A_301 = arith.addi %while3A_280, %squeeze3A : i32
          %min3A_302 = arith.constant 2048 : i32
          %min3A_303 = arith.minsi %add3A_301, %min3A_302 : i32
          scf.yield %min3A_303 : i32
        }
        %while3A_261 = arith.constant 1 : i32
        %while3A_262 = scf.for %while3A_279 = %while3A_258 to %while3A_254 step %while3A_261 iter_args(%while3A_280 = %while3A_260) -> (i32)  : i32 {
          %mul3A_281 = arith.constant 16 : i32
          %mul3A_282 = arith.muli %while3A_279, %mul3A_281 : i32
          %get3A_283 = arith.index_cast %mul3A_282 : i32 to index
          %get3A_284 = tpu.vector_load %arg7[%get3A_283] {strides = array<i32>} : memref<2064xi32, #tpu.memory_space<vmem>>, vector<16xi32>,
          %mul3A_285 = arith.constant 16 : i32
          %mul3A_286 = arith.muli %while3A_279, %mul3A_285 : i32
          %get3A_287 = arith.index_cast %mul3A_286 : i32 to index
          %get3A_288 = tpu.vector_load %arg8[%get3A_287] {strides = array<i32>} : memref<2064xi32, #tpu.memory_space<vmem>>, vector<16xi32>,
          %ge3A = vector.broadcast %min3A_250 : i32 to vector<16xi32>
          %ge3A_289 = arith.cmpi sge, %get3A_284, %ge3A : vector<16xi32>
          %add3A_290 = arith.constant 512 : i32
          %add3A_291 = arith.addi %min3A_250, %add3A_290 : i32
          %lt3A_292 = vector.broadcast %add3A_291 : i32 to vector<16xi32>
          %lt3A_293 = arith.cmpi slt, %get3A_284, %lt3A_292 : vector<16xi32>
          %and3A_294 = arith.andi %ge3A_289, %lt3A_293 : vector<16xi1>
          %sub3A_295 = vector.broadcast %min3A_250 : i32 to vector<16xi32>
          %sub3A_296 = arith.subi %get3A_284, %sub3A_295 : vector<16xi32>
          %swap3A_297 = arith.index_cast %while3A_280 : i32 to index
          %swap3A_298 = tpu.vector_load %arg9[%swap3A_297] masked %and3A_294 {strides = array<i32>} : memref<2064xi32, #tpu.memory_space<vmem>>, vector<16xi32>, vector<16xi1>
          tpu.vector_store %arg9[%swap3A_297], %sub3A_296 masked %and3A_294 {strides = array<i32>} : memref<2064xi32, #tpu.memory_space<vmem>>, vector<16xi32>, vector<16xi1>
          %swap3A_299 = arith.index_cast %while3A_280 : i32 to index
          %swap3A_300 = tpu.vector_load %arg10[%swap3A_299] masked %and3A_294 {strides = array<i32>} : memref<2064xi32, #tpu.memory_space<vmem>>, vector<16xi32>, vector<16xi1>
          tpu.vector_store %arg10[%swap3A_299], %get3A_288 masked %and3A_294 {strides = array<i32>} : memref<2064xi32, #tpu.memory_space<vmem>>, vector<16xi32>, vector<16xi1>
          %all_reduce_population_count3A = tpu.all_reduce %and3A_294 {dim = 0 : i64, kind = #tpu.reduction_kind<sum>} : vector<16xi1> -> vector<16xi32>
          %slice3A = vector.extract_strided_slice %all_reduce_population_count3A {offsets = [0], sizes = [1], strides = [1]} : vector<16xi32> to vector<1xi32>
          %squeeze3A = vector.extract %slice3A[0] : i32 from vector<1xi32>
          %add3A_301 = arith.addi %while3A_280, %squeeze3A : i32
          %min3A_302 = arith.constant 2048 : i32
          %min3A_303 = arith.minsi %add3A_301, %min3A_302 : i32
          scf.yield %min3A_303 : i32
        }
        %get3A = arith.constant 0 : index
        %get3A_263 = tpu.vector_load %arg9[%get3A] {strides = array<i32>} : memref<2064xi32, #tpu.memory_space<vmem>>, vector<16xi32>,
        %get3A_264 = arith.constant 0 : index
        %get3A_265 = tpu.vector_load %arg10[%get3A_264] {strides = array<i32>} : memref<2064xi32, #tpu.memory_space<vmem>>, vector<16xi32>,
        %gt3A_266 = arith.constant 0 : i32
        %gt3A_267 = arith.cmpi sgt, %while3A_262, %gt3A_266 : i32
        %convert_element_type3A_268 = arith.extui %gt3A_267 : i1 to i32
        %cond3A_269 = arith.constant 0 : i32
        %cond3A_270 = arith.cmpi ne, %convert_element_type3A_268, %cond3A_269 : i32
        scf.if %cond3A_270 {
          %slice3A = vector.extract_strided_slice %get3A_263 {offsets = [0], sizes = [1], strides = [1]} : vector<16xi32> to vector<1xi32>
          %squeeze3A = vector.extract %slice3A[0] : i32 from vector<1xi32>
          %broadcast_in_dim3A_279 = vector.broadcast %squeeze3A : i32 to vector<16xi32>
          %swap3A_280 = arith.index_cast %while3A_262 : i32 to index
          %swap3A_281 = tpu.vector_load %arg9[%swap3A_280] {strides = array<i32>} : memref<2064xi32, #tpu.memory_space<vmem>>, vector<16xi32>,
          tpu.vector_store %arg9[%swap3A_280], %broadcast_in_dim3A_279 {strides = array<i32>} : memref<2064xi32, #tpu.memory_space<vmem>>, vector<16xi32>,
          %slice3A_282 = vector.extract_strided_slice %get3A_265 {offsets = [0], sizes = [1], strides = [1]} : vector<16xi32> to vector<1xi32>
          %squeeze3A_283 = vector.extract %slice3A_282[0] : i32 from vector<1xi32>
          %broadcast_in_dim3A_284 = vector.broadcast %squeeze3A_283 : i32 to vector<16xi32>
          %swap3A_285 = arith.index_cast %while3A_262 : i32 to index
          %swap3A_286 = tpu.vector_load %arg10[%swap3A_285] {strides = array<i32>} : memref<2064xi32, #tpu.memory_space<vmem>>, vector<16xi32>,
          tpu.vector_store %arg10[%swap3A_285], %broadcast_in_dim3A_284 {strides = array<i32>} : memref<2064xi32, #tpu.memory_space<vmem>>, vector<16xi32>,
          %add3A_287 = arith.constant 16 : i32
          %add3A_288 = arith.addi %while3A_262, %add3A_287 : i32
          %sub3A_289 = arith.constant 1 : i32
          %sub3A_290 = arith.subi %add3A_288, %sub3A_289 : i32
          %jit3A_291 = arith.constant 16 : i32
          %div3A_292 = arith.divsi %sub3A_290, %jit3A_291 : i32
          %sign3A_293 = arith.constant 0 : i32
          %sign3A_294 = arith.cmpi sgt, %sub3A_290, %sign3A_293 : i32
          %sign3A_295 = arith.extui %sign3A_294 : i1 to i32
          %sign3A_296 = arith.constant 0 : i32
          %sign3A_297 = arith.cmpi slt, %sub3A_290, %sign3A_296 : i32
          %sign3A_298 = arith.extui %sign3A_297 : i1 to i32
          %sign3A_299 = arith.subi %sign3A_295, %sign3A_298 : i32
          %sign3A_300 = arith.constant 0 : i32
          %sign3A_301 = arith.cmpi sgt, %jit3A_291, %sign3A_300 : i32
          %sign3A_302 = arith.extui %sign3A_301 : i1 to i32
          %sign3A_303 = arith.constant 0 : i32
          %sign3A_304 = arith.cmpi slt, %jit3A_291, %sign3A_303 : i32
          %sign3A_305 = arith.extui %sign3A_304 : i1 to i32
          %sign3A_306 = arith.subi %sign3A_302, %sign3A_305 : i32
          %ne3A_307 = arith.cmpi ne, %sign3A_299, %sign3A_306 : i32
          %rem3A_308 = arith.remsi %sub3A_290, %jit3A_291 : i32
          %ne3A_309 = arith.constant 0 : i32
          %ne3A_310 = arith.cmpi ne, %rem3A_308, %ne3A_309 : i32
          %and3A_311 = arith.andi %ne3A_307, %ne3A_310 : i1
          %sub3A_312 = arith.constant 1 : i32
          %sub3A_313 = arith.subi %div3A_292, %sub3A_312 : i32
          %select_n3A_314 = arith.select %and3A_311, %sub3A_313, %div3A_292 : i32
          %while3A_315 = arith.constant 0 : i32
          %while3A_316 = arith.constant 0 : i32
          %while3A_317 = arith.subi %select_n3A_314, %while3A_315 : i32
          %while3A_318 = arith.addi %while3A_315, %while3A_317 : i32
          %while3A_319 = arith.constant 1 : i32
          %while3A_320 = arith.divsi %while3A_317, %while3A_319 : i32
          %while3A_321 = arith.muli %while3A_320, %while3A_319 : i32
          %while3A_322 = arith.addi %while3A_315, %while3A_321 : i32
          %while3A_323 = arith.constant 1 : i32
          %while3A_324 = scf.for %while3A_327 = %while3A_315 to %while3A_322 step %while3A_323 iter_args(%while3A_328 = %while3A_316) -> (i32)  : i32 {
            %mul3A_329 = arith.constant 16 : i32
            %mul3A_330 = arith.muli %while3A_327, %mul3A_329 : i32
            %get3A_331 = arith.index_cast %mul3A_330 : i32 to index
            %get3A_332 = tpu.vector_load %arg9[%get3A_331] {strides = array<i32>} : memref<2064xi32, #tpu.memory_space<vmem>>, vector<16xi32>,
            %mul3A_333 = arith.constant 16 : i32
            %mul3A_334 = arith.muli %while3A_327, %mul3A_333 : i32
            %get3A_335 = arith.index_cast %mul3A_334 : i32 to index
            %get3A_336 = tpu.vector_load %arg10[%get3A_335] {strides = array<i32>} : memref<2064xi32, #tpu.memory_space<vmem>>, vector<16xi32>,
            %scan3A_337 = arith.constant 0 : i32
            %scan3A_338 = arith.constant 0 : i32
            %scan3A_339 = arith.constant 64 : i32
            %scan3A_340 = arith.addi %scan3A_338, %scan3A_339 : i32
            %scan3A_341 = arith.constant 1 : i32
            %scan3A_342 = scf.for %scan3A_351 = %scan3A_338 to %scan3A_340 step %scan3A_341 iter_args(%scan3A_352 = %scan3A_337) -> (i32)  : i32 {
              %broadcast_in_dim3A_353 = vector.broadcast %scan3A_351 : i32 to vector<16xi32>
              %gather3A = arith.constant 1 : i32
              %gather3A_354 = arith.constant 0 : i32
              %gather3A_355 = arith.constant 0 : i32
              %gather3A_356 = tpu.memref_slice %arg11[%gather3A, %gather3A_354, %gather3A_355] : memref<3x64x512xf32, #tpu.memory_space<vmem>> -> memref<1x64x512xf32, #tpu.memory_space<vmem>>
              %gather3A_357 = tpu.memref_squeeze %gather3A_356 : memref<1x64x512xf32, #tpu.memory_space<vmem>> -> memref<64x512xf32, #tpu.memory_space<vmem>>
              %gather3A_358 = tpu.vector_load_idx %gather3A_357[%broadcast_in_dim3A_353, %get3A_332] : memref<64x512xf32, #tpu.memory_space<vmem>>[vector<16xi32>, vector<16xi32>], vector<16xf32>,
              %broadcast_in_dim3A_359 = vector.broadcast %scan3A_351 : i32 to vector<16xi32>
              tpu.vector_store_idx %arg12[%iota3A, %broadcast_in_dim3A_359], %gather3A_358 : memref<16x128xf32, #tpu.memory_space<vmem>>[vector<16xi32>, vector<16xi32>], vector<16xf32>,
              %scan3A_360 = arith.constant 0 : i32
              scf.yield %scan3A_360 : i32
            }
            %scan3A_343 = arith.constant 64 : i32
            %dma_start3A_344 = arith.constant 0 : i32
            %dma_start3A_345 = arith.constant 0 : i32
            %dma_start3A_346 = tpu.memref_slice %arg5[%dma_start3A_344, %dma_start3A_345] : memref<32768x128xf32, #tpu.memory_space<hbm>> -> memref<32768x128xf32, #tpu.memory_space<hbm>>
            tpu.enqueue_indirect_dma source(%arg12 : memref<16x128xf32, #tpu.memory_space<vmem>>) target(%dma_start3A_346 : memref<32768x128xf32, #tpu.memory_space<hbm>>) offsets(%get3A_336 : vector<16xi32>) semaphore(%arg16 : memref<!tpu.dma_semaphore, #tpu.memory_space<semaphore_mem>>)
            %dma_wait3A_347 = arith.constant 0 : i32
            %dma_wait3A_348 = arith.constant 0 : i32
            %dma_wait3A_349 = tpu.memref_slice %arg5[%dma_wait3A_347, %dma_wait3A_348] : memref<32768x128xf32, #tpu.memory_space<hbm>> -> memref<32768x128xf32, #tpu.memory_space<hbm>>
            tpu.wait_indirect_dma semaphore(%arg16 : memref<!tpu.dma_semaphore, #tpu.memory_space<semaphore_mem>>) src(%arg12 : memref<16x128xf32, #tpu.memory_space<vmem>>) dst(%dma_wait3A_349 : memref<32768x128xf32, #tpu.memory_space<hbm>>)
            %while3A_350 = arith.constant 0 : i32
            scf.yield %while3A_350 : i32
          }
          %while3A_325 = arith.constant 1 : i32
          %while3A_326 = scf.for %while3A_327 = %while3A_322 to %while3A_318 step %while3A_325 iter_args(%while3A_328 = %while3A_324) -> (i32)  : i32 {
            %mul3A_329 = arith.constant 16 : i32
            %mul3A_330 = arith.muli %while3A_327, %mul3A_329 : i32
            %get3A_331 = arith.index_cast %mul3A_330 : i32 to index
            %get3A_332 = tpu.vector_load %arg9[%get3A_331] {strides = array<i32>} : memref<2064xi32, #tpu.memory_space<vmem>>, vector<16xi32>,
            %mul3A_333 = arith.constant 16 : i32
            %mul3A_334 = arith.muli %while3A_327, %mul3A_333 : i32
            %get3A_335 = arith.index_cast %mul3A_334 : i32 to index
            %get3A_336 = tpu.vector_load %arg10[%get3A_335] {strides = array<i32>} : memref<2064xi32, #tpu.memory_space<vmem>>, vector<16xi32>,
            %scan3A_337 = arith.constant 0 : i32
            %scan3A_338 = arith.constant 0 : i32
            %scan3A_339 = arith.constant 64 : i32
            %scan3A_340 = arith.addi %scan3A_338, %scan3A_339 : i32
            %scan3A_341 = arith.constant 1 : i32
            %scan3A_342 = scf.for %scan3A_351 = %scan3A_338 to %scan3A_340 step %scan3A_341 iter_args(%scan3A_352 = %scan3A_337) -> (i32)  : i32 {
              %broadcast_in_dim3A_353 = vector.broadcast %scan3A_351 : i32 to vector<16xi32>
              %gather3A = arith.constant 1 : i32
              %gather3A_354 = arith.constant 0 : i32
              %gather3A_355 = arith.constant 0 : i32
              %gather3A_356 = tpu.memref_slice %arg11[%gather3A, %gather3A_354, %gather3A_355] : memref<3x64x512xf32, #tpu.memory_space<vmem>> -> memref<1x64x512xf32, #tpu.memory_space<vmem>>
              %gather3A_357 = tpu.memref_squeeze %gather3A_356 : memref<1x64x512xf32, #tpu.memory_space<vmem>> -> memref<64x512xf32, #tpu.memory_space<vmem>>
              %gather3A_358 = tpu.vector_load_idx %gather3A_357[%broadcast_in_dim3A_353, %get3A_332] : memref<64x512xf32, #tpu.memory_space<vmem>>[vector<16xi32>, vector<16xi32>], vector<16xf32>,
              %broadcast_in_dim3A_359 = vector.broadcast %scan3A_351 : i32 to vector<16xi32>
              tpu.vector_store_idx %arg12[%iota3A, %broadcast_in_dim3A_359], %gather3A_358 : memref<16x128xf32, #tpu.memory_space<vmem>>[vector<16xi32>, vector<16xi32>], vector<16xf32>,
              %scan3A_360 = arith.constant 0 : i32
              scf.yield %scan3A_360 : i32
            }
            %scan3A_343 = arith.constant 64 : i32
            %dma_start3A_344 = arith.constant 0 : i32
            %dma_start3A_345 = arith.constant 0 : i32
            %dma_start3A_346 = tpu.memref_slice %arg5[%dma_start3A_344, %dma_start3A_345] : memref<32768x128xf32, #tpu.memory_space<hbm>> -> memref<32768x128xf32, #tpu.memory_space<hbm>>
            tpu.enqueue_indirect_dma source(%arg12 : memref<16x128xf32, #tpu.memory_space<vmem>>) target(%dma_start3A_346 : memref<32768x128xf32, #tpu.memory_space<hbm>>) offsets(%get3A_336 : vector<16xi32>) semaphore(%arg16 : memref<!tpu.dma_semaphore, #tpu.memory_space<semaphore_mem>>)
            %dma_wait3A_347 = arith.constant 0 : i32
            %dma_wait3A_348 = arith.constant 0 : i32
            %dma_wait3A_349 = tpu.memref_slice %arg5[%dma_wait3A_347, %dma_wait3A_348] : memref<32768x128xf32, #tpu.memory_space<hbm>> -> memref<32768x128xf32, #tpu.memory_space<hbm>>
            tpu.wait_indirect_dma semaphore(%arg16 : memref<!tpu.dma_semaphore, #tpu.memory_space<semaphore_mem>>) src(%arg12 : memref<16x128xf32, #tpu.memory_space<vmem>>) dst(%dma_wait3A_349 : memref<32768x128xf32, #tpu.memory_space<hbm>>)
            %while3A_350 = arith.constant 0 : i32
            scf.yield %while3A_350 : i32
          }
        } else {
        }
        %add3A_271 = arith.constant 1 : i32
        %add3A_272 = arith.addi %mul3A_207, %add3A_271 : i32
        %add3A_273 = arith.constant 3 : i32
        %add3A_274 = arith.addi %add3A_272, %add3A_273 : i32
        %lt3A_275 = arith.cmpi slt, %add3A_274, %select_n3A_79 : i32
        %convert_element_type3A_276 = arith.extui %lt3A_275 : i1 to i32
        %cond3A_277 = arith.constant 0 : i32
        %cond3A_278 = arith.cmpi ne, %convert_element_type3A_276, %cond3A_277 : i32
        scf.if %cond3A_278 {
          %add3A_279 = arith.constant 1 : i32
          %add3A_280 = arith.addi %mul3A_207, %add3A_279 : i32
          %add3A_281 = arith.constant 3 : i32
          %add3A_282 = arith.addi %add3A_280, %add3A_281 : i32
          %mul3A_283 = arith.constant 512 : i32
          %mul3A_284 = arith.muli %add3A_282, %mul3A_283 : i32
          %sub3A_285 = arith.constant 512 : i32
          %sub3A_286 = arith.subi %sub3A_51, %sub3A_285 : i32
          %min3A_287 = arith.minsi %mul3A_284, %sub3A_286 : i32
          %add3A_288 = arith.addi %mul3A_20, %min3A_287 : i32
          %dma_start3A_289 = arith.constant 1 : i32
          %dma_start3A_290 = arith.constant 0 : i32
          %dma_start3A_291 = arith.constant 0 : i32
          %dma_start3A_292 = tpu.memref_slice %arg11[%dma_start3A_289, %dma_start3A_290, %dma_start3A_291] : memref<3x64x512xf32, #tpu.memory_space<vmem>> -> memref<1x32x512xf32, #tpu.memory_space<vmem>>
          %dma_start3A_293 = tpu.memref_squeeze %dma_start3A_292 : memref<1x32x512xf32, #tpu.memory_space<vmem>> -> memref<32x512xf32, #tpu.memory_space<vmem>>
          %dma_start3A_294 = arith.constant 0 : i32
          %dma_start3A_295 = tpu.memref_slice %arg2[%dma_start3A_294, %add3A_288] : memref<64x2000000xf32, #tpu.memory_space<hbm>> -> memref<32x512xf32, #tpu.memory_space<hbm>>
          %dma_start3A_296 = arith.constant 0 : i32
          %dma_start3A_297 = arith.constant 0 : i32
          %dma_start3A_298 = tpu.memref_slice %arg11[%dma_start3A_289, %dma_start3A_296, %dma_start3A_297] : memref<3x64x512xf32, #tpu.memory_space<vmem>> -> memref<1x32x512xf32, #tpu.memory_space<vmem>>
          %dma_start3A_299 = tpu.memref_squeeze %dma_start3A_298 : memref<1x32x512xf32, #tpu.memory_space<vmem>> -> memref<32x512xf32, #tpu.memory_space<vmem>>
          %dma_start3A_300 = arith.constant 0 : i32
          %dma_start3A_301 = tpu.memref_slice %arg2[%dma_start3A_300, %add3A_288] : memref<64x2000000xf32, #tpu.memory_space<hbm>> -> memref<32x512xf32, #tpu.memory_space<hbm>>
          tpu.enqueue_dma source(%dma_start3A_301 : memref<32x512xf32, #tpu.memory_space<hbm>>) target(%dma_start3A_299 : memref<32x512xf32, #tpu.memory_space<vmem>>) target_semaphore(%arg14 : memref<!tpu.dma_semaphore, #tpu.memory_space<semaphore_mem>>)
          %mul3A_302 = arith.constant 512 : i32
          %mul3A_303 = arith.muli %add3A_282, %mul3A_302 : i32
          %sub3A_304 = arith.constant 512 : i32
          %sub3A_305 = arith.subi %sub3A_51, %sub3A_304 : i32
          %min3A_306 = arith.minsi %mul3A_303, %sub3A_305 : i32
          %add3A_307 = arith.addi %mul3A_20, %min3A_306 : i32
          %dma_start3A_308 = arith.constant 1 : i32
          %dma_start3A_309 = arith.constant 32 : i32
          %dma_start3A_310 = arith.constant 0 : i32
          %dma_start3A_311 = tpu.memref_slice %arg11[%dma_start3A_308, %dma_start3A_309, %dma_start3A_310] : memref<3x64x512xf32, #tpu.memory_space<vmem>> -> memref<1x32x512xf32, #tpu.memory_space<vmem>>
          %dma_start3A_312 = tpu.memref_squeeze %dma_start3A_311 : memref<1x32x512xf32, #tpu.memory_space<vmem>> -> memref<32x512xf32, #tpu.memory_space<vmem>>
          %dma_start3A_313 = arith.constant 32 : i32
          %dma_start3A_314 = tpu.memref_slice %arg2[%dma_start3A_313, %add3A_307] : memref<64x2000000xf32, #tpu.memory_space<hbm>> -> memref<32x512xf32, #tpu.memory_space<hbm>>
          %dma_start3A_315 = arith.constant 32 : i32
          %dma_start3A_316 = arith.constant 0 : i32
          %dma_start3A_317 = tpu.memref_slice %arg11[%dma_start3A_308, %dma_start3A_315, %dma_start3A_316] : memref<3x64x512xf32, #tpu.memory_space<vmem>> -> memref<1x32x512xf32, #tpu.memory_space<vmem>>
          %dma_start3A_318 = tpu.memref_squeeze %dma_start3A_317 : memref<1x32x512xf32, #tpu.memory_space<vmem>> -> memref<32x512xf32, #tpu.memory_space<vmem>>
          %dma_start3A_319 = arith.constant 32 : i32
          %dma_start3A_320 = tpu.memref_slice %arg2[%dma_start3A_319, %add3A_307] : memref<64x2000000xf32, #tpu.memory_space<hbm>> -> memref<32x512xf32, #tpu.memory_space<hbm>>
          tpu.enqueue_dma source(%dma_start3A_320 : memref<32x512xf32, #tpu.memory_space<hbm>>) target(%dma_start3A_318 : memref<32x512xf32, #tpu.memory_space<vmem>>) target_semaphore(%arg14 : memref<!tpu.dma_semaphore, #tpu.memory_space<semaphore_mem>>)
        } else {
        }
      } else {
      }
      %add3A_219 = arith.constant 2 : i32
      %add3A_220 = arith.addi %mul3A_207, %add3A_219 : i32
      %lt3A_221 = arith.cmpi slt, %add3A_220, %select_n3A_79 : i32
      %convert_element_type3A_222 = arith.extui %lt3A_221 : i1 to i32
      %cond3A_223 = arith.constant 0 : i32
      %cond3A_224 = arith.cmpi ne, %convert_element_type3A_222, %cond3A_223 : i32
      scf.if %cond3A_224 {
        %add3A_226 = arith.constant 2 : i32
        %add3A_227 = arith.addi %mul3A_207, %add3A_226 : i32
        %mul3A_228 = arith.constant 512 : i32
        %mul3A_229 = arith.muli %add3A_227, %mul3A_228 : i32
        %sub3A_230 = arith.constant 512 : i32
        %sub3A_231 = arith.subi %sub3A_51, %sub3A_230 : i32
        %min3A_232 = arith.minsi %mul3A_229, %sub3A_231 : i32
        %add3A_233 = arith.addi %mul3A_20, %min3A_232 : i32
        %dma_wait3A = arith.constant 2 : i32
        %dma_wait3A_234 = arith.constant 0 : i32
        %dma_wait3A_235 = arith.constant 0 : i32
        %dma_wait3A_236 = tpu.memref_slice %arg11[%dma_wait3A, %dma_wait3A_234, %dma_wait3A_235] : memref<3x64x512xf32, #tpu.memory_space<vmem>> -> memref<1x64x512xf32, #tpu.memory_space<vmem>>
        %dma_wait3A_237 = tpu.memref_squeeze %dma_wait3A_236 : memref<1x64x512xf32, #tpu.memory_space<vmem>> -> memref<64x512xf32, #tpu.memory_space<vmem>>
        %dma_wait3A_238 = arith.constant 0 : i32
        %dma_wait3A_239 = tpu.memref_slice %arg2[%dma_wait3A_238, %add3A_233] : memref<64x2000000xf32, #tpu.memory_space<hbm>> -> memref<64x512xf32, #tpu.memory_space<hbm>>
        %dma_wait3A_240 = arith.constant 0 : i32
        %dma_wait3A_241 = arith.constant 0 : i32
        %dma_wait3A_242 = tpu.memref_slice %arg11[%dma_wait3A, %dma_wait3A_240, %dma_wait3A_241] : memref<3x64x512xf32, #tpu.memory_space<vmem>> -> memref<1x64x512xf32, #tpu.memory_space<vmem>>
        %dma_wait3A_243 = tpu.memref_squeeze %dma_wait3A_242 : memref<1x64x512xf32, #tpu.memory_space<vmem>> -> memref<64x512xf32, #tpu.memory_space<vmem>>
        %dma_wait3A_244 = arith.constant 0 : i32
        %dma_wait3A_245 = tpu.memref_slice %arg2[%dma_wait3A_244, %add3A_233] : memref<64x2000000xf32, #tpu.memory_space<hbm>> -> memref<64x512xf32, #tpu.memory_space<hbm>>
        tpu.wait_dma2 semaphore(%arg15 : memref<!tpu.dma_semaphore, #tpu.memory_space<semaphore_mem>>) src(%dma_wait3A_245 : memref<64x512xf32, #tpu.memory_space<hbm>>) dst(%dma_wait3A_243 : memref<64x512xf32, #tpu.memory_space<vmem>>)
        %mul3A_246 = arith.constant 512 : i32
        %mul3A_247 = arith.muli %add3A_227, %mul3A_246 : i32
        %sub3A_248 = arith.constant 512 : i32
        %sub3A_249 = arith.subi %sub3A_51, %sub3A_248 : i32
        %min3A_250 = arith.minsi %mul3A_247, %sub3A_249 : i32
        %while3A_251 = arith.constant 0 : i32
        %while3A_252 = arith.constant 0 : i32
        %while3A_253 = arith.subi %select_n3A_166, %while3A_251 : i32
        %while3A_254 = arith.addi %while3A_251, %while3A_253 : i32
        %while3A_255 = arith.constant 1 : i32
        %while3A_256 = arith.divsi %while3A_253, %while3A_255 : i32
        %while3A_257 = arith.muli %while3A_256, %while3A_255 : i32
        %while3A_258 = arith.addi %while3A_251, %while3A_257 : i32
        %while3A_259 = arith.constant 1 : i32
        %while3A_260 = scf.for %while3A_279 = %while3A_251 to %while3A_258 step %while3A_259 iter_args(%while3A_280 = %while3A_252) -> (i32)  : i32 {
          %mul3A_281 = arith.constant 16 : i32
          %mul3A_282 = arith.muli %while3A_279, %mul3A_281 : i32
          %get3A_283 = arith.index_cast %mul3A_282 : i32 to index
          %get3A_284 = tpu.vector_load %arg7[%get3A_283] {strides = array<i32>} : memref<2064xi32, #tpu.memory_space<vmem>>, vector<16xi32>,
          %mul3A_285 = arith.constant 16 : i32
          %mul3A_286 = arith.muli %while3A_279, %mul3A_285 : i32
          %get3A_287 = arith.index_cast %mul3A_286 : i32 to index
          %get3A_288 = tpu.vector_load %arg8[%get3A_287] {strides = array<i32>} : memref<2064xi32, #tpu.memory_space<vmem>>, vector<16xi32>,
          %ge3A = vector.broadcast %min3A_250 : i32 to vector<16xi32>
          %ge3A_289 = arith.cmpi sge, %get3A_284, %ge3A : vector<16xi32>
          %add3A_290 = arith.constant 512 : i32
          %add3A_291 = arith.addi %min3A_250, %add3A_290 : i32
          %lt3A_292 = vector.broadcast %add3A_291 : i32 to vector<16xi32>
          %lt3A_293 = arith.cmpi slt, %get3A_284, %lt3A_292 : vector<16xi32>
          %and3A_294 = arith.andi %ge3A_289, %lt3A_293 : vector<16xi1>
          %sub3A_295 = vector.broadcast %min3A_250 : i32 to vector<16xi32>
          %sub3A_296 = arith.subi %get3A_284, %sub3A_295 : vector<16xi32>
          %swap3A_297 = arith.index_cast %while3A_280 : i32 to index
          %swap3A_298 = tpu.vector_load %arg9[%swap3A_297] masked %and3A_294 {strides = array<i32>} : memref<2064xi32, #tpu.memory_space<vmem>>, vector<16xi32>, vector<16xi1>
          tpu.vector_store %arg9[%swap3A_297], %sub3A_296 masked %and3A_294 {strides = array<i32>} : memref<2064xi32, #tpu.memory_space<vmem>>, vector<16xi32>, vector<16xi1>
          %swap3A_299 = arith.index_cast %while3A_280 : i32 to index
          %swap3A_300 = tpu.vector_load %arg10[%swap3A_299] masked %and3A_294 {strides = array<i32>} : memref<2064xi32, #tpu.memory_space<vmem>>, vector<16xi32>, vector<16xi1>
          tpu.vector_store %arg10[%swap3A_299], %get3A_288 masked %and3A_294 {strides = array<i32>} : memref<2064xi32, #tpu.memory_space<vmem>>, vector<16xi32>, vector<16xi1>
          %all_reduce_population_count3A = tpu.all_reduce %and3A_294 {dim = 0 : i64, kind = #tpu.reduction_kind<sum>} : vector<16xi1> -> vector<16xi32>
          %slice3A = vector.extract_strided_slice %all_reduce_population_count3A {offsets = [0], sizes = [1], strides = [1]} : vector<16xi32> to vector<1xi32>
          %squeeze3A = vector.extract %slice3A[0] : i32 from vector<1xi32>
          %add3A_301 = arith.addi %while3A_280, %squeeze3A : i32
          %min3A_302 = arith.constant 2048 : i32
          %min3A_303 = arith.minsi %add3A_301, %min3A_302 : i32
          scf.yield %min3A_303 : i32
        }
        %while3A_261 = arith.constant 1 : i32
        %while3A_262 = scf.for %while3A_279 = %while3A_258 to %while3A_254 step %while3A_261 iter_args(%while3A_280 = %while3A_260) -> (i32)  : i32 {
          %mul3A_281 = arith.constant 16 : i32
          %mul3A_282 = arith.muli %while3A_279, %mul3A_281 : i32
          %get3A_283 = arith.index_cast %mul3A_282 : i32 to index
          %get3A_284 = tpu.vector_load %arg7[%get3A_283] {strides = array<i32>} : memref<2064xi32, #tpu.memory_space<vmem>>, vector<16xi32>,
          %mul3A_285 = arith.constant 16 : i32
          %mul3A_286 = arith.muli %while3A_279, %mul3A_285 : i32
          %get3A_287 = arith.index_cast %mul3A_286 : i32 to index
          %get3A_288 = tpu.vector_load %arg8[%get3A_287] {strides = array<i32>} : memref<2064xi32, #tpu.memory_space<vmem>>, vector<16xi32>,
          %ge3A = vector.broadcast %min3A_250 : i32 to vector<16xi32>
          %ge3A_289 = arith.cmpi sge, %get3A_284, %ge3A : vector<16xi32>
          %add3A_290 = arith.constant 512 : i32
          %add3A_291 = arith.addi %min3A_250, %add3A_290 : i32
          %lt3A_292 = vector.broadcast %add3A_291 : i32 to vector<16xi32>
          %lt3A_293 = arith.cmpi slt, %get3A_284, %lt3A_292 : vector<16xi32>
          %and3A_294 = arith.andi %ge3A_289, %lt3A_293 : vector<16xi1>
          %sub3A_295 = vector.broadcast %min3A_250 : i32 to vector<16xi32>
          %sub3A_296 = arith.subi %get3A_284, %sub3A_295 : vector<16xi32>
          %swap3A_297 = arith.index_cast %while3A_280 : i32 to index
          %swap3A_298 = tpu.vector_load %arg9[%swap3A_297] masked %and3A_294 {strides = array<i32>} : memref<2064xi32, #tpu.memory_space<vmem>>, vector<16xi32>, vector<16xi1>
          tpu.vector_store %arg9[%swap3A_297], %sub3A_296 masked %and3A_294 {strides = array<i32>} : memref<2064xi32, #tpu.memory_space<vmem>>, vector<16xi32>, vector<16xi1>
          %swap3A_299 = arith.index_cast %while3A_280 : i32 to index
          %swap3A_300 = tpu.vector_load %arg10[%swap3A_299] masked %and3A_294 {strides = array<i32>} : memref<2064xi32, #tpu.memory_space<vmem>>, vector<16xi32>, vector<16xi1>
          tpu.vector_store %arg10[%swap3A_299], %get3A_288 masked %and3A_294 {strides = array<i32>} : memref<2064xi32, #tpu.memory_space<vmem>>, vector<16xi32>, vector<16xi1>
          %all_reduce_population_count3A = tpu.all_reduce %and3A_294 {dim = 0 : i64, kind = #tpu.reduction_kind<sum>} : vector<16xi1> -> vector<16xi32>
          %slice3A = vector.extract_strided_slice %all_reduce_population_count3A {offsets = [0], sizes = [1], strides = [1]} : vector<16xi32> to vector<1xi32>
          %squeeze3A = vector.extract %slice3A[0] : i32 from vector<1xi32>
          %add3A_301 = arith.addi %while3A_280, %squeeze3A : i32
          %min3A_302 = arith.constant 2048 : i32
          %min3A_303 = arith.minsi %add3A_301, %min3A_302 : i32
          scf.yield %min3A_303 : i32
        }
        %get3A = arith.constant 0 : index
        %get3A_263 = tpu.vector_load %arg9[%get3A] {strides = array<i32>} : memref<2064xi32, #tpu.memory_space<vmem>>, vector<16xi32>,
        %get3A_264 = arith.constant 0 : index
        %get3A_265 = tpu.vector_load %arg10[%get3A_264] {strides = array<i32>} : memref<2064xi32, #tpu.memory_space<vmem>>, vector<16xi32>,
        %gt3A_266 = arith.constant 0 : i32
        %gt3A_267 = arith.cmpi sgt, %while3A_262, %gt3A_266 : i32
        %convert_element_type3A_268 = arith.extui %gt3A_267 : i1 to i32
        %cond3A_269 = arith.constant 0 : i32
        %cond3A_270 = arith.cmpi ne, %convert_element_type3A_268, %cond3A_269 : i32
        scf.if %cond3A_270 {
          %slice3A = vector.extract_strided_slice %get3A_263 {offsets = [0], sizes = [1], strides = [1]} : vector<16xi32> to vector<1xi32>
          %squeeze3A = vector.extract %slice3A[0] : i32 from vector<1xi32>
          %broadcast_in_dim3A_279 = vector.broadcast %squeeze3A : i32 to vector<16xi32>
          %swap3A_280 = arith.index_cast %while3A_262 : i32 to index
          %swap3A_281 = tpu.vector_load %arg9[%swap3A_280] {strides = array<i32>} : memref<2064xi32, #tpu.memory_space<vmem>>, vector<16xi32>,
          tpu.vector_store %arg9[%swap3A_280], %broadcast_in_dim3A_279 {strides = array<i32>} : memref<2064xi32, #tpu.memory_space<vmem>>, vector<16xi32>,
          %slice3A_282 = vector.extract_strided_slice %get3A_265 {offsets = [0], sizes = [1], strides = [1]} : vector<16xi32> to vector<1xi32>
          %squeeze3A_283 = vector.extract %slice3A_282[0] : i32 from vector<1xi32>
          %broadcast_in_dim3A_284 = vector.broadcast %squeeze3A_283 : i32 to vector<16xi32>
          %swap3A_285 = arith.index_cast %while3A_262 : i32 to index
          %swap3A_286 = tpu.vector_load %arg10[%swap3A_285] {strides = array<i32>} : memref<2064xi32, #tpu.memory_space<vmem>>, vector<16xi32>,
          tpu.vector_store %arg10[%swap3A_285], %broadcast_in_dim3A_284 {strides = array<i32>} : memref<2064xi32, #tpu.memory_space<vmem>>, vector<16xi32>,
          %add3A_287 = arith.constant 16 : i32
          %add3A_288 = arith.addi %while3A_262, %add3A_287 : i32
          %sub3A_289 = arith.constant 1 : i32
          %sub3A_290 = arith.subi %add3A_288, %sub3A_289 : i32
          %jit3A_291 = arith.constant 16 : i32
          %div3A_292 = arith.divsi %sub3A_290, %jit3A_291 : i32
          %sign3A_293 = arith.constant 0 : i32
          %sign3A_294 = arith.cmpi sgt, %sub3A_290, %sign3A_293 : i32
          %sign3A_295 = arith.extui %sign3A_294 : i1 to i32
          %sign3A_296 = arith.constant 0 : i32
          %sign3A_297 = arith.cmpi slt, %sub3A_290, %sign3A_296 : i32
          %sign3A_298 = arith.extui %sign3A_297 : i1 to i32
          %sign3A_299 = arith.subi %sign3A_295, %sign3A_298 : i32
          %sign3A_300 = arith.constant 0 : i32
          %sign3A_301 = arith.cmpi sgt, %jit3A_291, %sign3A_300 : i32
          %sign3A_302 = arith.extui %sign3A_301 : i1 to i32
          %sign3A_303 = arith.constant 0 : i32
          %sign3A_304 = arith.cmpi slt, %jit3A_291, %sign3A_303 : i32
          %sign3A_305 = arith.extui %sign3A_304 : i1 to i32
          %sign3A_306 = arith.subi %sign3A_302, %sign3A_305 : i32
          %ne3A_307 = arith.cmpi ne, %sign3A_299, %sign3A_306 : i32
          %rem3A_308 = arith.remsi %sub3A_290, %jit3A_291 : i32
          %ne3A_309 = arith.constant 0 : i32
          %ne3A_310 = arith.cmpi ne, %rem3A_308, %ne3A_309 : i32
          %and3A_311 = arith.andi %ne3A_307, %ne3A_310 : i1
          %sub3A_312 = arith.constant 1 : i32
          %sub3A_313 = arith.subi %div3A_292, %sub3A_312 : i32
          %select_n3A_314 = arith.select %and3A_311, %sub3A_313, %div3A_292 : i32
          %while3A_315 = arith.constant 0 : i32
          %while3A_316 = arith.constant 0 : i32
          %while3A_317 = arith.subi %select_n3A_314, %while3A_315 : i32
          %while3A_318 = arith.addi %while3A_315, %while3A_317 : i32
          %while3A_319 = arith.constant 1 : i32
          %while3A_320 = arith.divsi %while3A_317, %while3A_319 : i32
          %while3A_321 = arith.muli %while3A_320, %while3A_319 : i32
          %while3A_322 = arith.addi %while3A_315, %while3A_321 : i32
          %while3A_323 = arith.constant 1 : i32
          %while3A_324 = scf.for %while3A_327 = %while3A_315 to %while3A_322 step %while3A_323 iter_args(%while3A_328 = %while3A_316) -> (i32)  : i32 {
            %mul3A_329 = arith.constant 16 : i32
            %mul3A_330 = arith.muli %while3A_327, %mul3A_329 : i32
            %get3A_331 = arith.index_cast %mul3A_330 : i32 to index
            %get3A_332 = tpu.vector_load %arg9[%get3A_331] {strides = array<i32>} : memref<2064xi32, #tpu.memory_space<vmem>>, vector<16xi32>,
            %mul3A_333 = arith.constant 16 : i32
            %mul3A_334 = arith.muli %while3A_327, %mul3A_333 : i32
            %get3A_335 = arith.index_cast %mul3A_334 : i32 to index
            %get3A_336 = tpu.vector_load %arg10[%get3A_335] {strides = array<i32>} : memref<2064xi32, #tpu.memory_space<vmem>>, vector<16xi32>,
            %scan3A_337 = arith.constant 0 : i32
            %scan3A_338 = arith.constant 0 : i32
            %scan3A_339 = arith.constant 64 : i32
            %scan3A_340 = arith.addi %scan3A_338, %scan3A_339 : i32
            %scan3A_341 = arith.constant 1 : i32
            %scan3A_342 = scf.for %scan3A_351 = %scan3A_338 to %scan3A_340 step %scan3A_341 iter_args(%scan3A_352 = %scan3A_337) -> (i32)  : i32 {
              %broadcast_in_dim3A_353 = vector.broadcast %scan3A_351 : i32 to vector<16xi32>
              %gather3A = arith.constant 2 : i32
              %gather3A_354 = arith.constant 0 : i32
              %gather3A_355 = arith.constant 0 : i32
              %gather3A_356 = tpu.memref_slice %arg11[%gather3A, %gather3A_354, %gather3A_355] : memref<3x64x512xf32, #tpu.memory_space<vmem>> -> memref<1x64x512xf32, #tpu.memory_space<vmem>>
              %gather3A_357 = tpu.memref_squeeze %gather3A_356 : memref<1x64x512xf32, #tpu.memory_space<vmem>> -> memref<64x512xf32, #tpu.memory_space<vmem>>
              %gather3A_358 = tpu.vector_load_idx %gather3A_357[%broadcast_in_dim3A_353, %get3A_332] : memref<64x512xf32, #tpu.memory_space<vmem>>[vector<16xi32>, vector<16xi32>], vector<16xf32>,
              %broadcast_in_dim3A_359 = vector.broadcast %scan3A_351 : i32 to vector<16xi32>
              tpu.vector_store_idx %arg12[%iota3A, %broadcast_in_dim3A_359], %gather3A_358 : memref<16x128xf32, #tpu.memory_space<vmem>>[vector<16xi32>, vector<16xi32>], vector<16xf32>,
              %scan3A_360 = arith.constant 0 : i32
              scf.yield %scan3A_360 : i32
            }
            %scan3A_343 = arith.constant 64 : i32
            %dma_start3A_344 = arith.constant 0 : i32
            %dma_start3A_345 = arith.constant 0 : i32
            %dma_start3A_346 = tpu.memref_slice %arg5[%dma_start3A_344, %dma_start3A_345] : memref<32768x128xf32, #tpu.memory_space<hbm>> -> memref<32768x128xf32, #tpu.memory_space<hbm>>
            tpu.enqueue_indirect_dma source(%arg12 : memref<16x128xf32, #tpu.memory_space<vmem>>) target(%dma_start3A_346 : memref<32768x128xf32, #tpu.memory_space<hbm>>) offsets(%get3A_336 : vector<16xi32>) semaphore(%arg16 : memref<!tpu.dma_semaphore, #tpu.memory_space<semaphore_mem>>)
            %dma_wait3A_347 = arith.constant 0 : i32
            %dma_wait3A_348 = arith.constant 0 : i32
            %dma_wait3A_349 = tpu.memref_slice %arg5[%dma_wait3A_347, %dma_wait3A_348] : memref<32768x128xf32, #tpu.memory_space<hbm>> -> memref<32768x128xf32, #tpu.memory_space<hbm>>
            tpu.wait_indirect_dma semaphore(%arg16 : memref<!tpu.dma_semaphore, #tpu.memory_space<semaphore_mem>>) src(%arg12 : memref<16x128xf32, #tpu.memory_space<vmem>>) dst(%dma_wait3A_349 : memref<32768x128xf32, #tpu.memory_space<hbm>>)
            %while3A_350 = arith.constant 0 : i32
            scf.yield %while3A_350 : i32
          }
          %while3A_325 = arith.constant 1 : i32
          %while3A_326 = scf.for %while3A_327 = %while3A_322 to %while3A_318 step %while3A_325 iter_args(%while3A_328 = %while3A_324) -> (i32)  : i32 {
            %mul3A_329 = arith.constant 16 : i32
            %mul3A_330 = arith.muli %while3A_327, %mul3A_329 : i32
            %get3A_331 = arith.index_cast %mul3A_330 : i32 to index
            %get3A_332 = tpu.vector_load %arg9[%get3A_331] {strides = array<i32>} : memref<2064xi32, #tpu.memory_space<vmem>>, vector<16xi32>,
            %mul3A_333 = arith.constant 16 : i32
            %mul3A_334 = arith.muli %while3A_327, %mul3A_333 : i32
            %get3A_335 = arith.index_cast %mul3A_334 : i32 to index
            %get3A_336 = tpu.vector_load %arg10[%get3A_335] {strides = array<i32>} : memref<2064xi32, #tpu.memory_space<vmem>>, vector<16xi32>,
            %scan3A_337 = arith.constant 0 : i32
            %scan3A_338 = arith.constant 0 : i32
            %scan3A_339 = arith.constant 64 : i32
            %scan3A_340 = arith.addi %scan3A_338, %scan3A_339 : i32
            %scan3A_341 = arith.constant 1 : i32
            %scan3A_342 = scf.for %scan3A_351 = %scan3A_338 to %scan3A_340 step %scan3A_341 iter_args(%scan3A_352 = %scan3A_337) -> (i32)  : i32 {
              %broadcast_in_dim3A_353 = vector.broadcast %scan3A_351 : i32 to vector<16xi32>
              %gather3A = arith.constant 2 : i32
              %gather3A_354 = arith.constant 0 : i32
              %gather3A_355 = arith.constant 0 : i32
              %gather3A_356 = tpu.memref_slice %arg11[%gather3A, %gather3A_354, %gather3A_355] : memref<3x64x512xf32, #tpu.memory_space<vmem>> -> memref<1x64x512xf32, #tpu.memory_space<vmem>>
              %gather3A_357 = tpu.memref_squeeze %gather3A_356 : memref<1x64x512xf32, #tpu.memory_space<vmem>> -> memref<64x512xf32, #tpu.memory_space<vmem>>
              %gather3A_358 = tpu.vector_load_idx %gather3A_357[%broadcast_in_dim3A_353, %get3A_332] : memref<64x512xf32, #tpu.memory_space<vmem>>[vector<16xi32>, vector<16xi32>], vector<16xf32>,
              %broadcast_in_dim3A_359 = vector.broadcast %scan3A_351 : i32 to vector<16xi32>
              tpu.vector_store_idx %arg12[%iota3A, %broadcast_in_dim3A_359], %gather3A_358 : memref<16x128xf32, #tpu.memory_space<vmem>>[vector<16xi32>, vector<16xi32>], vector<16xf32>,
              %scan3A_360 = arith.constant 0 : i32
              scf.yield %scan3A_360 : i32
            }
            %scan3A_343 = arith.constant 64 : i32
            %dma_start3A_344 = arith.constant 0 : i32
            %dma_start3A_345 = arith.constant 0 : i32
            %dma_start3A_346 = tpu.memref_slice %arg5[%dma_start3A_344, %dma_start3A_345] : memref<32768x128xf32, #tpu.memory_space<hbm>> -> memref<32768x128xf32, #tpu.memory_space<hbm>>
            tpu.enqueue_indirect_dma source(%arg12 : memref<16x128xf32, #tpu.memory_space<vmem>>) target(%dma_start3A_346 : memref<32768x128xf32, #tpu.memory_space<hbm>>) offsets(%get3A_336 : vector<16xi32>) semaphore(%arg16 : memref<!tpu.dma_semaphore, #tpu.memory_space<semaphore_mem>>)
            %dma_wait3A_347 = arith.constant 0 : i32
            %dma_wait3A_348 = arith.constant 0 : i32
            %dma_wait3A_349 = tpu.memref_slice %arg5[%dma_wait3A_347, %dma_wait3A_348] : memref<32768x128xf32, #tpu.memory_space<hbm>> -> memref<32768x128xf32, #tpu.memory_space<hbm>>
            tpu.wait_indirect_dma semaphore(%arg16 : memref<!tpu.dma_semaphore, #tpu.memory_space<semaphore_mem>>) src(%arg12 : memref<16x128xf32, #tpu.memory_space<vmem>>) dst(%dma_wait3A_349 : memref<32768x128xf32, #tpu.memory_space<hbm>>)
            %while3A_350 = arith.constant 0 : i32
            scf.yield %while3A_350 : i32
          }
        } else {
        }
        %add3A_271 = arith.constant 2 : i32
        %add3A_272 = arith.addi %mul3A_207, %add3A_271 : i32
        %add3A_273 = arith.constant 3 : i32
        %add3A_274 = arith.addi %add3A_272, %add3A_273 : i32
        %lt3A_275 = arith.cmpi slt, %add3A_274, %select_n3A_79 : i32
        %convert_element_type3A_276 = arith.extui %lt3A_275 : i1 to i32
        %cond3A_277 = arith.constant 0 : i32
        %cond3A_278 = arith.cmpi ne, %convert_element_type3A_276, %cond3A_277 : i32
        scf.if %cond3A_278 {
          %add3A_279 = arith.constant 2 : i32
          %add3A_280 = arith.addi %mul3A_207, %add3A_279 : i32
          %add3A_281 = arith.constant 3 : i32
          %add3A_282 = arith.addi %add3A_280, %add3A_281 : i32
          %mul3A_283 = arith.constant 512 : i32
          %mul3A_284 = arith.muli %add3A_282, %mul3A_283 : i32
          %sub3A_285 = arith.constant 512 : i32
          %sub3A_286 = arith.subi %sub3A_51, %sub3A_285 : i32
          %min3A_287 = arith.minsi %mul3A_284, %sub3A_286 : i32
          %add3A_288 = arith.addi %mul3A_20, %min3A_287 : i32
          %dma_start3A_289 = arith.constant 2 : i32
          %dma_start3A_290 = arith.constant 0 : i32
          %dma_start3A_291 = arith.constant 0 : i32
          %dma_start3A_292 = tpu.memref_slice %arg11[%dma_start3A_289, %dma_start3A_290, %dma_start3A_291] : memref<3x64x512xf32, #tpu.memory_space<vmem>> -> memref<1x32x512xf32, #tpu.memory_space<vmem>>
          %dma_start3A_293 = tpu.memref_squeeze %dma_start3A_292 : memref<1x32x512xf32, #tpu.memory_space<vmem>> -> memref<32x512xf32, #tpu.memory_space<vmem>>
          %dma_start3A_294 = arith.constant 0 : i32
          %dma_start3A_295 = tpu.memref_slice %arg2[%dma_start3A_294, %add3A_288] : memref<64x2000000xf32, #tpu.memory_space<hbm>> -> memref<32x512xf32, #tpu.memory_space<hbm>>
          %dma_start3A_296 = arith.constant 0 : i32
          %dma_start3A_297 = arith.constant 0 : i32
          %dma_start3A_298 = tpu.memref_slice %arg11[%dma_start3A_289, %dma_start3A_296, %dma_start3A_297] : memref<3x64x512xf32, #tpu.memory_space<vmem>> -> memref<1x32x512xf32, #tpu.memory_space<vmem>>
          %dma_start3A_299 = tpu.memref_squeeze %dma_start3A_298 : memref<1x32x512xf32, #tpu.memory_space<vmem>> -> memref<32x512xf32, #tpu.memory_space<vmem>>
          %dma_start3A_300 = arith.constant 0 : i32
          %dma_start3A_301 = tpu.memref_slice %arg2[%dma_start3A_300, %add3A_288] : memref<64x2000000xf32, #tpu.memory_space<hbm>> -> memref<32x512xf32, #tpu.memory_space<hbm>>
          tpu.enqueue_dma source(%dma_start3A_301 : memref<32x512xf32, #tpu.memory_space<hbm>>) target(%dma_start3A_299 : memref<32x512xf32, #tpu.memory_space<vmem>>) target_semaphore(%arg15 : memref<!tpu.dma_semaphore, #tpu.memory_space<semaphore_mem>>)
          %mul3A_302 = arith.constant 512 : i32
          %mul3A_303 = arith.muli %add3A_282, %mul3A_302 : i32
          %sub3A_304 = arith.constant 512 : i32
          %sub3A_305 = arith.subi %sub3A_51, %sub3A_304 : i32
          %min3A_306 = arith.minsi %mul3A_303, %sub3A_305 : i32
          %add3A_307 = arith.addi %mul3A_20, %min3A_306 : i32
          %dma_start3A_308 = arith.constant 2 : i32
          %dma_start3A_309 = arith.constant 32 : i32
          %dma_start3A_310 = arith.constant 0 : i32
          %dma_start3A_311 = tpu.memref_slice %arg11[%dma_start3A_308, %dma_start3A_309, %dma_start3A_310] : memref<3x64x512xf32, #tpu.memory_space<vmem>> -> memref<1x32x512xf32, #tpu.memory_space<vmem>>
          %dma_start3A_312 = tpu.memref_squeeze %dma_start3A_311 : memref<1x32x512xf32, #tpu.memory_space<vmem>> -> memref<32x512xf32, #tpu.memory_space<vmem>>
          %dma_start3A_313 = arith.constant 32 : i32
          %dma_start3A_314 = tpu.memref_slice %arg2[%dma_start3A_313, %add3A_307] : memref<64x2000000xf32, #tpu.memory_space<hbm>> -> memref<32x512xf32, #tpu.memory_space<hbm>>
          %dma_start3A_315 = arith.constant 32 : i32
          %dma_start3A_316 = arith.constant 0 : i32
          %dma_start3A_317 = tpu.memref_slice %arg11[%dma_start3A_308, %dma_start3A_315, %dma_start3A_316] : memref<3x64x512xf32, #tpu.memory_space<vmem>> -> memref<1x32x512xf32, #tpu.memory_space<vmem>>
          %dma_start3A_318 = tpu.memref_squeeze %dma_start3A_317 : memref<1x32x512xf32, #tpu.memory_space<vmem>> -> memref<32x512xf32, #tpu.memory_space<vmem>>
          %dma_start3A_319 = arith.constant 32 : i32
          %dma_start3A_320 = tpu.memref_slice %arg2[%dma_start3A_319, %add3A_307] : memref<64x2000000xf32, #tpu.memory_space<hbm>> -> memref<32x512xf32, #tpu.memory_space<hbm>>
          tpu.enqueue_dma source(%dma_start3A_320 : memref<32x512xf32, #tpu.memory_space<hbm>>) target(%dma_start3A_318 : memref<32x512xf32, #tpu.memory_space<vmem>>) target_semaphore(%arg15 : memref<!tpu.dma_semaphore, #tpu.memory_space<semaphore_mem>>)
        } else {
        }
      } else {
      }
      %while3A_225 = arith.constant 0 : i32
      scf.yield %while3A_225 : i32
    }
    %while3A_202 = arith.constant 1 : i32
    %while3A_203 = scf.for %while3A_204 = %while3A_199 to %while3A_195 step %while3A_202 iter_args(%while3A_205 = %while3A_201) -> (i32)  : i32 {
      %mul3A_206 = arith.constant 3 : i32
      %mul3A_207 = arith.muli %mul3A_206, %while3A_204 : i32
      %add3A_208 = arith.constant 0 : i32
      %add3A_209 = arith.addi %mul3A_207, %add3A_208 : i32
      %lt3A = arith.cmpi slt, %add3A_209, %select_n3A_79 : i32
      %convert_element_type3A_210 = arith.extui %lt3A : i1 to i32
      %cond3A_211 = arith.constant 0 : i32
      %cond3A_212 = arith.cmpi ne, %convert_element_type3A_210, %cond3A_211 : i32
      scf.if %cond3A_212 {
        %add3A_226 = arith.constant 0 : i32
        %add3A_227 = arith.addi %mul3A_207, %add3A_226 : i32
        %mul3A_228 = arith.constant 512 : i32
        %mul3A_229 = arith.muli %add3A_227, %mul3A_228 : i32
        %sub3A_230 = arith.constant 512 : i32
        %sub3A_231 = arith.subi %sub3A_51, %sub3A_230 : i32
        %min3A_232 = arith.minsi %mul3A_229, %sub3A_231 : i32
        %add3A_233 = arith.addi %mul3A_20, %min3A_232 : i32
        %dma_wait3A = arith.constant 0 : i32
        %dma_wait3A_234 = arith.constant 0 : i32
        %dma_wait3A_235 = arith.constant 0 : i32
        %dma_wait3A_236 = tpu.memref_slice %arg11[%dma_wait3A, %dma_wait3A_234, %dma_wait3A_235] : memref<3x64x512xf32, #tpu.memory_space<vmem>> -> memref<1x64x512xf32, #tpu.memory_space<vmem>>
        %dma_wait3A_237 = tpu.memref_squeeze %dma_wait3A_236 : memref<1x64x512xf32, #tpu.memory_space<vmem>> -> memref<64x512xf32, #tpu.memory_space<vmem>>
        %dma_wait3A_238 = arith.constant 0 : i32
        %dma_wait3A_239 = tpu.memref_slice %arg2[%dma_wait3A_238, %add3A_233] : memref<64x2000000xf32, #tpu.memory_space<hbm>> -> memref<64x512xf32, #tpu.memory_space<hbm>>
        %dma_wait3A_240 = arith.constant 0 : i32
        %dma_wait3A_241 = arith.constant 0 : i32
        %dma_wait3A_242 = tpu.memref_slice %arg11[%dma_wait3A, %dma_wait3A_240, %dma_wait3A_241] : memref<3x64x512xf32, #tpu.memory_space<vmem>> -> memref<1x64x512xf32, #tpu.memory_space<vmem>>
        %dma_wait3A_243 = tpu.memref_squeeze %dma_wait3A_242 : memref<1x64x512xf32, #tpu.memory_space<vmem>> -> memref<64x512xf32, #tpu.memory_space<vmem>>
        %dma_wait3A_244 = arith.constant 0 : i32
        %dma_wait3A_245 = tpu.memref_slice %arg2[%dma_wait3A_244, %add3A_233] : memref<64x2000000xf32, #tpu.memory_space<hbm>> -> memref<64x512xf32, #tpu.memory_space<hbm>>
        tpu.wait_dma2 semaphore(%arg13 : memref<!tpu.dma_semaphore, #tpu.memory_space<semaphore_mem>>) src(%dma_wait3A_245 : memref<64x512xf32, #tpu.memory_space<hbm>>) dst(%dma_wait3A_243 : memref<64x512xf32, #tpu.memory_space<vmem>>)
        %mul3A_246 = arith.constant 512 : i32
        %mul3A_247 = arith.muli %add3A_227, %mul3A_246 : i32
        %sub3A_248 = arith.constant 512 : i32
        %sub3A_249 = arith.subi %sub3A_51, %sub3A_248 : i32
        %min3A_250 = arith.minsi %mul3A_247, %sub3A_249 : i32
        %while3A_251 = arith.constant 0 : i32
        %while3A_252 = arith.constant 0 : i32
        %while3A_253 = arith.subi %select_n3A_166, %while3A_251 : i32
        %while3A_254 = arith.addi %while3A_251, %while3A_253 : i32
        %while3A_255 = arith.constant 1 : i32
        %while3A_256 = arith.divsi %while3A_253, %while3A_255 : i32
        %while3A_257 = arith.muli %while3A_256, %while3A_255 : i32
        %while3A_258 = arith.addi %while3A_251, %while3A_257 : i32
        %while3A_259 = arith.constant 1 : i32
        %while3A_260 = scf.for %while3A_279 = %while3A_251 to %while3A_258 step %while3A_259 iter_args(%while3A_280 = %while3A_252) -> (i32)  : i32 {
          %mul3A_281 = arith.constant 16 : i32
          %mul3A_282 = arith.muli %while3A_279, %mul3A_281 : i32
          %get3A_283 = arith.index_cast %mul3A_282 : i32 to index
          %get3A_284 = tpu.vector_load %arg7[%get3A_283] {strides = array<i32>} : memref<2064xi32, #tpu.memory_space<vmem>>, vector<16xi32>,
          %mul3A_285 = arith.constant 16 : i32
          %mul3A_286 = arith.muli %while3A_279, %mul3A_285 : i32
          %get3A_287 = arith.index_cast %mul3A_286 : i32 to index
          %get3A_288 = tpu.vector_load %arg8[%get3A_287] {strides = array<i32>} : memref<2064xi32, #tpu.memory_space<vmem>>, vector<16xi32>,
          %ge3A = vector.broadcast %min3A_250 : i32 to vector<16xi32>
          %ge3A_289 = arith.cmpi sge, %get3A_284, %ge3A : vector<16xi32>
          %add3A_290 = arith.constant 512 : i32
          %add3A_291 = arith.addi %min3A_250, %add3A_290 : i32
          %lt3A_292 = vector.broadcast %add3A_291 : i32 to vector<16xi32>
          %lt3A_293 = arith.cmpi slt, %get3A_284, %lt3A_292 : vector<16xi32>
          %and3A_294 = arith.andi %ge3A_289, %lt3A_293 : vector<16xi1>
          %sub3A_295 = vector.broadcast %min3A_250 : i32 to vector<16xi32>
          %sub3A_296 = arith.subi %get3A_284, %sub3A_295 : vector<16xi32>
          %swap3A_297 = arith.index_cast %while3A_280 : i32 to index
          %swap3A_298 = tpu.vector_load %arg9[%swap3A_297] masked %and3A_294 {strides = array<i32>} : memref<2064xi32, #tpu.memory_space<vmem>>, vector<16xi32>, vector<16xi1>
          tpu.vector_store %arg9[%swap3A_297], %sub3A_296 masked %and3A_294 {strides = array<i32>} : memref<2064xi32, #tpu.memory_space<vmem>>, vector<16xi32>, vector<16xi1>
          %swap3A_299 = arith.index_cast %while3A_280 : i32 to index
          %swap3A_300 = tpu.vector_load %arg10[%swap3A_299] masked %and3A_294 {strides = array<i32>} : memref<2064xi32, #tpu.memory_space<vmem>>, vector<16xi32>, vector<16xi1>
          tpu.vector_store %arg10[%swap3A_299], %get3A_288 masked %and3A_294 {strides = array<i32>} : memref<2064xi32, #tpu.memory_space<vmem>>, vector<16xi32>, vector<16xi1>
          %all_reduce_population_count3A = tpu.all_reduce %and3A_294 {dim = 0 : i64, kind = #tpu.reduction_kind<sum>} : vector<16xi1> -> vector<16xi32>
          %slice3A = vector.extract_strided_slice %all_reduce_population_count3A {offsets = [0], sizes = [1], strides = [1]} : vector<16xi32> to vector<1xi32>
          %squeeze3A = vector.extract %slice3A[0] : i32 from vector<1xi32>
          %add3A_301 = arith.addi %while3A_280, %squeeze3A : i32
          %min3A_302 = arith.constant 2048 : i32
          %min3A_303 = arith.minsi %add3A_301, %min3A_302 : i32
          scf.yield %min3A_303 : i32
        }
        %while3A_261 = arith.constant 1 : i32
        %while3A_262 = scf.for %while3A_279 = %while3A_258 to %while3A_254 step %while3A_261 iter_args(%while3A_280 = %while3A_260) -> (i32)  : i32 {
          %mul3A_281 = arith.constant 16 : i32
          %mul3A_282 = arith.muli %while3A_279, %mul3A_281 : i32
          %get3A_283 = arith.index_cast %mul3A_282 : i32 to index
          %get3A_284 = tpu.vector_load %arg7[%get3A_283] {strides = array<i32>} : memref<2064xi32, #tpu.memory_space<vmem>>, vector<16xi32>,
          %mul3A_285 = arith.constant 16 : i32
          %mul3A_286 = arith.muli %while3A_279, %mul3A_285 : i32
          %get3A_287 = arith.index_cast %mul3A_286 : i32 to index
          %get3A_288 = tpu.vector_load %arg8[%get3A_287] {strides = array<i32>} : memref<2064xi32, #tpu.memory_space<vmem>>, vector<16xi32>,
          %ge3A = vector.broadcast %min3A_250 : i32 to vector<16xi32>
          %ge3A_289 = arith.cmpi sge, %get3A_284, %ge3A : vector<16xi32>
          %add3A_290 = arith.constant 512 : i32
          %add3A_291 = arith.addi %min3A_250, %add3A_290 : i32
          %lt3A_292 = vector.broadcast %add3A_291 : i32 to vector<16xi32>
          %lt3A_293 = arith.cmpi slt, %get3A_284, %lt3A_292 : vector<16xi32>
          %and3A_294 = arith.andi %ge3A_289, %lt3A_293 : vector<16xi1>
          %sub3A_295 = vector.broadcast %min3A_250 : i32 to vector<16xi32>
          %sub3A_296 = arith.subi %get3A_284, %sub3A_295 : vector<16xi32>
          %swap3A_297 = arith.index_cast %while3A_280 : i32 to index
          %swap3A_298 = tpu.vector_load %arg9[%swap3A_297] masked %and3A_294 {strides = array<i32>} : memref<2064xi32, #tpu.memory_space<vmem>>, vector<16xi32>, vector<16xi1>
          tpu.vector_store %arg9[%swap3A_297], %sub3A_296 masked %and3A_294 {strides = array<i32>} : memref<2064xi32, #tpu.memory_space<vmem>>, vector<16xi32>, vector<16xi1>
          %swap3A_299 = arith.index_cast %while3A_280 : i32 to index
          %swap3A_300 = tpu.vector_load %arg10[%swap3A_299] masked %and3A_294 {strides = array<i32>} : memref<2064xi32, #tpu.memory_space<vmem>>, vector<16xi32>, vector<16xi1>
          tpu.vector_store %arg10[%swap3A_299], %get3A_288 masked %and3A_294 {strides = array<i32>} : memref<2064xi32, #tpu.memory_space<vmem>>, vector<16xi32>, vector<16xi1>
          %all_reduce_population_count3A = tpu.all_reduce %and3A_294 {dim = 0 : i64, kind = #tpu.reduction_kind<sum>} : vector<16xi1> -> vector<16xi32>
          %slice3A = vector.extract_strided_slice %all_reduce_population_count3A {offsets = [0], sizes = [1], strides = [1]} : vector<16xi32> to vector<1xi32>
          %squeeze3A = vector.extract %slice3A[0] : i32 from vector<1xi32>
          %add3A_301 = arith.addi %while3A_280, %squeeze3A : i32
          %min3A_302 = arith.constant 2048 : i32
          %min3A_303 = arith.minsi %add3A_301, %min3A_302 : i32
          scf.yield %min3A_303 : i32
        }
        %get3A = arith.constant 0 : index
        %get3A_263 = tpu.vector_load %arg9[%get3A] {strides = array<i32>} : memref<2064xi32, #tpu.memory_space<vmem>>, vector<16xi32>,
        %get3A_264 = arith.constant 0 : index
        %get3A_265 = tpu.vector_load %arg10[%get3A_264] {strides = array<i32>} : memref<2064xi32, #tpu.memory_space<vmem>>, vector<16xi32>,
        %gt3A_266 = arith.constant 0 : i32
        %gt3A_267 = arith.cmpi sgt, %while3A_262, %gt3A_266 : i32
        %convert_element_type3A_268 = arith.extui %gt3A_267 : i1 to i32
        %cond3A_269 = arith.constant 0 : i32
        %cond3A_270 = arith.cmpi ne, %convert_element_type3A_268, %cond3A_269 : i32
        scf.if %cond3A_270 {
          %slice3A = vector.extract_strided_slice %get3A_263 {offsets = [0], sizes = [1], strides = [1]} : vector<16xi32> to vector<1xi32>
          %squeeze3A = vector.extract %slice3A[0] : i32 from vector<1xi32>
          %broadcast_in_dim3A_279 = vector.broadcast %squeeze3A : i32 to vector<16xi32>
          %swap3A_280 = arith.index_cast %while3A_262 : i32 to index
          %swap3A_281 = tpu.vector_load %arg9[%swap3A_280] {strides = array<i32>} : memref<2064xi32, #tpu.memory_space<vmem>>, vector<16xi32>,
          tpu.vector_store %arg9[%swap3A_280], %broadcast_in_dim3A_279 {strides = array<i32>} : memref<2064xi32, #tpu.memory_space<vmem>>, vector<16xi32>,
          %slice3A_282 = vector.extract_strided_slice %get3A_265 {offsets = [0], sizes = [1], strides = [1]} : vector<16xi32> to vector<1xi32>
          %squeeze3A_283 = vector.extract %slice3A_282[0] : i32 from vector<1xi32>
          %broadcast_in_dim3A_284 = vector.broadcast %squeeze3A_283 : i32 to vector<16xi32>
          %swap3A_285 = arith.index_cast %while3A_262 : i32 to index
          %swap3A_286 = tpu.vector_load %arg10[%swap3A_285] {strides = array<i32>} : memref<2064xi32, #tpu.memory_space<vmem>>, vector<16xi32>,
          tpu.vector_store %arg10[%swap3A_285], %broadcast_in_dim3A_284 {strides = array<i32>} : memref<2064xi32, #tpu.memory_space<vmem>>, vector<16xi32>,
          %add3A_287 = arith.constant 16 : i32
          %add3A_288 = arith.addi %while3A_262, %add3A_287 : i32
          %sub3A_289 = arith.constant 1 : i32
          %sub3A_290 = arith.subi %add3A_288, %sub3A_289 : i32
          %jit3A_291 = arith.constant 16 : i32
          %div3A_292 = arith.divsi %sub3A_290, %jit3A_291 : i32
          %sign3A_293 = arith.constant 0 : i32
          %sign3A_294 = arith.cmpi sgt, %sub3A_290, %sign3A_293 : i32
          %sign3A_295 = arith.extui %sign3A_294 : i1 to i32
          %sign3A_296 = arith.constant 0 : i32
          %sign3A_297 = arith.cmpi slt, %sub3A_290, %sign3A_296 : i32
          %sign3A_298 = arith.extui %sign3A_297 : i1 to i32
          %sign3A_299 = arith.subi %sign3A_295, %sign3A_298 : i32
          %sign3A_300 = arith.constant 0 : i32
          %sign3A_301 = arith.cmpi sgt, %jit3A_291, %sign3A_300 : i32
          %sign3A_302 = arith.extui %sign3A_301 : i1 to i32
          %sign3A_303 = arith.constant 0 : i32
          %sign3A_304 = arith.cmpi slt, %jit3A_291, %sign3A_303 : i32
          %sign3A_305 = arith.extui %sign3A_304 : i1 to i32
          %sign3A_306 = arith.subi %sign3A_302, %sign3A_305 : i32
          %ne3A_307 = arith.cmpi ne, %sign3A_299, %sign3A_306 : i32
          %rem3A_308 = arith.remsi %sub3A_290, %jit3A_291 : i32
          %ne3A_309 = arith.constant 0 : i32
          %ne3A_310 = arith.cmpi ne, %rem3A_308, %ne3A_309 : i32
          %and3A_311 = arith.andi %ne3A_307, %ne3A_310 : i1
          %sub3A_312 = arith.constant 1 : i32
          %sub3A_313 = arith.subi %div3A_292, %sub3A_312 : i32
          %select_n3A_314 = arith.select %and3A_311, %sub3A_313, %div3A_292 : i32
          %while3A_315 = arith.constant 0 : i32
          %while3A_316 = arith.constant 0 : i32
          %while3A_317 = arith.subi %select_n3A_314, %while3A_315 : i32
          %while3A_318 = arith.addi %while3A_315, %while3A_317 : i32
          %while3A_319 = arith.constant 1 : i32
          %while3A_320 = arith.divsi %while3A_317, %while3A_319 : i32
          %while3A_321 = arith.muli %while3A_320, %while3A_319 : i32
          %while3A_322 = arith.addi %while3A_315, %while3A_321 : i32
          %while3A_323 = arith.constant 1 : i32
          %while3A_324 = scf.for %while3A_327 = %while3A_315 to %while3A_322 step %while3A_323 iter_args(%while3A_328 = %while3A_316) -> (i32)  : i32 {
            %mul3A_329 = arith.constant 16 : i32
            %mul3A_330 = arith.muli %while3A_327, %mul3A_329 : i32
            %get3A_331 = arith.index_cast %mul3A_330 : i32 to index
            %get3A_332 = tpu.vector_load %arg9[%get3A_331] {strides = array<i32>} : memref<2064xi32, #tpu.memory_space<vmem>>, vector<16xi32>,
            %mul3A_333 = arith.constant 16 : i32
            %mul3A_334 = arith.muli %while3A_327, %mul3A_333 : i32
            %get3A_335 = arith.index_cast %mul3A_334 : i32 to index
            %get3A_336 = tpu.vector_load %arg10[%get3A_335] {strides = array<i32>} : memref<2064xi32, #tpu.memory_space<vmem>>, vector<16xi32>,
            %scan3A_337 = arith.constant 0 : i32
            %scan3A_338 = arith.constant 0 : i32
            %scan3A_339 = arith.constant 64 : i32
            %scan3A_340 = arith.addi %scan3A_338, %scan3A_339 : i32
            %scan3A_341 = arith.constant 1 : i32
            %scan3A_342 = scf.for %scan3A_351 = %scan3A_338 to %scan3A_340 step %scan3A_341 iter_args(%scan3A_352 = %scan3A_337) -> (i32)  : i32 {
              %broadcast_in_dim3A_353 = vector.broadcast %scan3A_351 : i32 to vector<16xi32>
              %gather3A = arith.constant 0 : i32
              %gather3A_354 = arith.constant 0 : i32
              %gather3A_355 = arith.constant 0 : i32
              %gather3A_356 = tpu.memref_slice %arg11[%gather3A, %gather3A_354, %gather3A_355] : memref<3x64x512xf32, #tpu.memory_space<vmem>> -> memref<1x64x512xf32, #tpu.memory_space<vmem>>
              %gather3A_357 = tpu.memref_squeeze %gather3A_356 : memref<1x64x512xf32, #tpu.memory_space<vmem>> -> memref<64x512xf32, #tpu.memory_space<vmem>>
              %gather3A_358 = tpu.vector_load_idx %gather3A_357[%broadcast_in_dim3A_353, %get3A_332] : memref<64x512xf32, #tpu.memory_space<vmem>>[vector<16xi32>, vector<16xi32>], vector<16xf32>,
              %broadcast_in_dim3A_359 = vector.broadcast %scan3A_351 : i32 to vector<16xi32>
              tpu.vector_store_idx %arg12[%iota3A, %broadcast_in_dim3A_359], %gather3A_358 : memref<16x128xf32, #tpu.memory_space<vmem>>[vector<16xi32>, vector<16xi32>], vector<16xf32>,
              %scan3A_360 = arith.constant 0 : i32
              scf.yield %scan3A_360 : i32
            }
            %scan3A_343 = arith.constant 64 : i32
            %dma_start3A_344 = arith.constant 0 : i32
            %dma_start3A_345 = arith.constant 0 : i32
            %dma_start3A_346 = tpu.memref_slice %arg5[%dma_start3A_344, %dma_start3A_345] : memref<32768x128xf32, #tpu.memory_space<hbm>> -> memref<32768x128xf32, #tpu.memory_space<hbm>>
            tpu.enqueue_indirect_dma source(%arg12 : memref<16x128xf32, #tpu.memory_space<vmem>>) target(%dma_start3A_346 : memref<32768x128xf32, #tpu.memory_space<hbm>>) offsets(%get3A_336 : vector<16xi32>) semaphore(%arg16 : memref<!tpu.dma_semaphore, #tpu.memory_space<semaphore_mem>>)
            %dma_wait3A_347 = arith.constant 0 : i32
            %dma_wait3A_348 = arith.constant 0 : i32
            %dma_wait3A_349 = tpu.memref_slice %arg5[%dma_wait3A_347, %dma_wait3A_348] : memref<32768x128xf32, #tpu.memory_space<hbm>> -> memref<32768x128xf32, #tpu.memory_space<hbm>>
            tpu.wait_indirect_dma semaphore(%arg16 : memref<!tpu.dma_semaphore, #tpu.memory_space<semaphore_mem>>) src(%arg12 : memref<16x128xf32, #tpu.memory_space<vmem>>) dst(%dma_wait3A_349 : memref<32768x128xf32, #tpu.memory_space<hbm>>)
            %while3A_350 = arith.constant 0 : i32
            scf.yield %while3A_350 : i32
          }
          %while3A_325 = arith.constant 1 : i32
          %while3A_326 = scf.for %while3A_327 = %while3A_322 to %while3A_318 step %while3A_325 iter_args(%while3A_328 = %while3A_324) -> (i32)  : i32 {
            %mul3A_329 = arith.constant 16 : i32
            %mul3A_330 = arith.muli %while3A_327, %mul3A_329 : i32
            %get3A_331 = arith.index_cast %mul3A_330 : i32 to index
            %get3A_332 = tpu.vector_load %arg9[%get3A_331] {strides = array<i32>} : memref<2064xi32, #tpu.memory_space<vmem>>, vector<16xi32>,
            %mul3A_333 = arith.constant 16 : i32
            %mul3A_334 = arith.muli %while3A_327, %mul3A_333 : i32
            %get3A_335 = arith.index_cast %mul3A_334 : i32 to index
            %get3A_336 = tpu.vector_load %arg10[%get3A_335] {strides = array<i32>} : memref<2064xi32, #tpu.memory_space<vmem>>, vector<16xi32>,
            %scan3A_337 = arith.constant 0 : i32
            %scan3A_338 = arith.constant 0 : i32
            %scan3A_339 = arith.constant 64 : i32
            %scan3A_340 = arith.addi %scan3A_338, %scan3A_339 : i32
            %scan3A_341 = arith.constant 1 : i32
            %scan3A_342 = scf.for %scan3A_351 = %scan3A_338 to %scan3A_340 step %scan3A_341 iter_args(%scan3A_352 = %scan3A_337) -> (i32)  : i32 {
              %broadcast_in_dim3A_353 = vector.broadcast %scan3A_351 : i32 to vector<16xi32>
              %gather3A = arith.constant 0 : i32
              %gather3A_354 = arith.constant 0 : i32
              %gather3A_355 = arith.constant 0 : i32
              %gather3A_356 = tpu.memref_slice %arg11[%gather3A, %gather3A_354, %gather3A_355] : memref<3x64x512xf32, #tpu.memory_space<vmem>> -> memref<1x64x512xf32, #tpu.memory_space<vmem>>
              %gather3A_357 = tpu.memref_squeeze %gather3A_356 : memref<1x64x512xf32, #tpu.memory_space<vmem>> -> memref<64x512xf32, #tpu.memory_space<vmem>>
              %gather3A_358 = tpu.vector_load_idx %gather3A_357[%broadcast_in_dim3A_353, %get3A_332] : memref<64x512xf32, #tpu.memory_space<vmem>>[vector<16xi32>, vector<16xi32>], vector<16xf32>,
              %broadcast_in_dim3A_359 = vector.broadcast %scan3A_351 : i32 to vector<16xi32>
              tpu.vector_store_idx %arg12[%iota3A, %broadcast_in_dim3A_359], %gather3A_358 : memref<16x128xf32, #tpu.memory_space<vmem>>[vector<16xi32>, vector<16xi32>], vector<16xf32>,
              %scan3A_360 = arith.constant 0 : i32
              scf.yield %scan3A_360 : i32
            }
            %scan3A_343 = arith.constant 64 : i32
            %dma_start3A_344 = arith.constant 0 : i32
            %dma_start3A_345 = arith.constant 0 : i32
            %dma_start3A_346 = tpu.memref_slice %arg5[%dma_start3A_344, %dma_start3A_345] : memref<32768x128xf32, #tpu.memory_space<hbm>> -> memref<32768x128xf32, #tpu.memory_space<hbm>>
            tpu.enqueue_indirect_dma source(%arg12 : memref<16x128xf32, #tpu.memory_space<vmem>>) target(%dma_start3A_346 : memref<32768x128xf32, #tpu.memory_space<hbm>>) offsets(%get3A_336 : vector<16xi32>) semaphore(%arg16 : memref<!tpu.dma_semaphore, #tpu.memory_space<semaphore_mem>>)
            %dma_wait3A_347 = arith.constant 0 : i32
            %dma_wait3A_348 = arith.constant 0 : i32
            %dma_wait3A_349 = tpu.memref_slice %arg5[%dma_wait3A_347, %dma_wait3A_348] : memref<32768x128xf32, #tpu.memory_space<hbm>> -> memref<32768x128xf32, #tpu.memory_space<hbm>>
            tpu.wait_indirect_dma semaphore(%arg16 : memref<!tpu.dma_semaphore, #tpu.memory_space<semaphore_mem>>) src(%arg12 : memref<16x128xf32, #tpu.memory_space<vmem>>) dst(%dma_wait3A_349 : memref<32768x128xf32, #tpu.memory_space<hbm>>)
            %while3A_350 = arith.constant 0 : i32
            scf.yield %while3A_350 : i32
          }
        } else {
        }
        %add3A_271 = arith.constant 0 : i32
        %add3A_272 = arith.addi %mul3A_207, %add3A_271 : i32
        %add3A_273 = arith.constant 3 : i32
        %add3A_274 = arith.addi %add3A_272, %add3A_273 : i32
        %lt3A_275 = arith.cmpi slt, %add3A_274, %select_n3A_79 : i32
        %convert_element_type3A_276 = arith.extui %lt3A_275 : i1 to i32
        %cond3A_277 = arith.constant 0 : i32
        %cond3A_278 = arith.cmpi ne, %convert_element_type3A_276, %cond3A_277 : i32
        scf.if %cond3A_278 {
          %add3A_279 = arith.constant 0 : i32
          %add3A_280 = arith.addi %mul3A_207, %add3A_279 : i32
          %add3A_281 = arith.constant 3 : i32
          %add3A_282 = arith.addi %add3A_280, %add3A_281 : i32
          %mul3A_283 = arith.constant 512 : i32
          %mul3A_284 = arith.muli %add3A_282, %mul3A_283 : i32
          %sub3A_285 = arith.constant 512 : i32
          %sub3A_286 = arith.subi %sub3A_51, %sub3A_285 : i32
          %min3A_287 = arith.minsi %mul3A_284, %sub3A_286 : i32
          %add3A_288 = arith.addi %mul3A_20, %min3A_287 : i32
          %dma_start3A_289 = arith.constant 0 : i32
          %dma_start3A_290 = arith.constant 0 : i32
          %dma_start3A_291 = arith.constant 0 : i32
          %dma_start3A_292 = tpu.memref_slice %arg11[%dma_start3A_289, %dma_start3A_290, %dma_start3A_291] : memref<3x64x512xf32, #tpu.memory_space<vmem>> -> memref<1x32x512xf32, #tpu.memory_space<vmem>>
          %dma_start3A_293 = tpu.memref_squeeze %dma_start3A_292 : memref<1x32x512xf32, #tpu.memory_space<vmem>> -> memref<32x512xf32, #tpu.memory_space<vmem>>
          %dma_start3A_294 = arith.constant 0 : i32
          %dma_start3A_295 = tpu.memref_slice %arg2[%dma_start3A_294, %add3A_288] : memref<64x2000000xf32, #tpu.memory_space<hbm>> -> memref<32x512xf32, #tpu.memory_space<hbm>>
          %dma_start3A_296 = arith.constant 0 : i32
          %dma_start3A_297 = arith.constant 0 : i32
          %dma_start3A_298 = tpu.memref_slice %arg11[%dma_start3A_289, %dma_start3A_296, %dma_start3A_297] : memref<3x64x512xf32, #tpu.memory_space<vmem>> -> memref<1x32x512xf32, #tpu.memory_space<vmem>>
          %dma_start3A_299 = tpu.memref_squeeze %dma_start3A_298 : memref<1x32x512xf32, #tpu.memory_space<vmem>> -> memref<32x512xf32, #tpu.memory_space<vmem>>
          %dma_start3A_300 = arith.constant 0 : i32
          %dma_start3A_301 = tpu.memref_slice %arg2[%dma_start3A_300, %add3A_288] : memref<64x2000000xf32, #tpu.memory_space<hbm>> -> memref<32x512xf32, #tpu.memory_space<hbm>>
          tpu.enqueue_dma source(%dma_start3A_301 : memref<32x512xf32, #tpu.memory_space<hbm>>) target(%dma_start3A_299 : memref<32x512xf32, #tpu.memory_space<vmem>>) target_semaphore(%arg13 : memref<!tpu.dma_semaphore, #tpu.memory_space<semaphore_mem>>)
          %mul3A_302 = arith.constant 512 : i32
          %mul3A_303 = arith.muli %add3A_282, %mul3A_302 : i32
          %sub3A_304 = arith.constant 512 : i32
          %sub3A_305 = arith.subi %sub3A_51, %sub3A_304 : i32
          %min3A_306 = arith.minsi %mul3A_303, %sub3A_305 : i32
          %add3A_307 = arith.addi %mul3A_20, %min3A_306 : i32
          %dma_start3A_308 = arith.constant 0 : i32
          %dma_start3A_309 = arith.constant 32 : i32
          %dma_start3A_310 = arith.constant 0 : i32
          %dma_start3A_311 = tpu.memref_slice %arg11[%dma_start3A_308, %dma_start3A_309, %dma_start3A_310] : memref<3x64x512xf32, #tpu.memory_space<vmem>> -> memref<1x32x512xf32, #tpu.memory_space<vmem>>
          %dma_start3A_312 = tpu.memref_squeeze %dma_start3A_311 : memref<1x32x512xf32, #tpu.memory_space<vmem>> -> memref<32x512xf32, #tpu.memory_space<vmem>>
          %dma_start3A_313 = arith.constant 32 : i32
          %dma_start3A_314 = tpu.memref_slice %arg2[%dma_start3A_313, %add3A_307] : memref<64x2000000xf32, #tpu.memory_space<hbm>> -> memref<32x512xf32, #tpu.memory_space<hbm>>
          %dma_start3A_315 = arith.constant 32 : i32
          %dma_start3A_316 = arith.constant 0 : i32
          %dma_start3A_317 = tpu.memref_slice %arg11[%dma_start3A_308, %dma_start3A_315, %dma_start3A_316] : memref<3x64x512xf32, #tpu.memory_space<vmem>> -> memref<1x32x512xf32, #tpu.memory_space<vmem>>
          %dma_start3A_318 = tpu.memref_squeeze %dma_start3A_317 : memref<1x32x512xf32, #tpu.memory_space<vmem>> -> memref<32x512xf32, #tpu.memory_space<vmem>>
          %dma_start3A_319 = arith.constant 32 : i32
          %dma_start3A_320 = tpu.memref_slice %arg2[%dma_start3A_319, %add3A_307] : memref<64x2000000xf32, #tpu.memory_space<hbm>> -> memref<32x512xf32, #tpu.memory_space<hbm>>
          tpu.enqueue_dma source(%dma_start3A_320 : memref<32x512xf32, #tpu.memory_space<hbm>>) target(%dma_start3A_318 : memref<32x512xf32, #tpu.memory_space<vmem>>) target_semaphore(%arg13 : memref<!tpu.dma_semaphore, #tpu.memory_space<semaphore_mem>>)
        } else {
        }
      } else {
      }
      %add3A_213 = arith.constant 1 : i32
      %add3A_214 = arith.addi %mul3A_207, %add3A_213 : i32
      %lt3A_215 = arith.cmpi slt, %add3A_214, %select_n3A_79 : i32
      %convert_element_type3A_216 = arith.extui %lt3A_215 : i1 to i32
      %cond3A_217 = arith.constant 0 : i32
      %cond3A_218 = arith.cmpi ne, %convert_element_type3A_216, %cond3A_217 : i32
      scf.if %cond3A_218 {
        %add3A_226 = arith.constant 1 : i32
        %add3A_227 = arith.addi %mul3A_207, %add3A_226 : i32
        %mul3A_228 = arith.constant 512 : i32
        %mul3A_229 = arith.muli %add3A_227, %mul3A_228 : i32
        %sub3A_230 = arith.constant 512 : i32
        %sub3A_231 = arith.subi %sub3A_51, %sub3A_230 : i32
        %min3A_232 = arith.minsi %mul3A_229, %sub3A_231 : i32
        %add3A_233 = arith.addi %mul3A_20, %min3A_232 : i32
        %dma_wait3A = arith.constant 1 : i32
        %dma_wait3A_234 = arith.constant 0 : i32
        %dma_wait3A_235 = arith.constant 0 : i32
        %dma_wait3A_236 = tpu.memref_slice %arg11[%dma_wait3A, %dma_wait3A_234, %dma_wait3A_235] : memref<3x64x512xf32, #tpu.memory_space<vmem>> -> memref<1x64x512xf32, #tpu.memory_space<vmem>>
        %dma_wait3A_237 = tpu.memref_squeeze %dma_wait3A_236 : memref<1x64x512xf32, #tpu.memory_space<vmem>> -> memref<64x512xf32, #tpu.memory_space<vmem>>
        %dma_wait3A_238 = arith.constant 0 : i32
        %dma_wait3A_239 = tpu.memref_slice %arg2[%dma_wait3A_238, %add3A_233] : memref<64x2000000xf32, #tpu.memory_space<hbm>> -> memref<64x512xf32, #tpu.memory_space<hbm>>
        %dma_wait3A_240 = arith.constant 0 : i32
        %dma_wait3A_241 = arith.constant 0 : i32
        %dma_wait3A_242 = tpu.memref_slice %arg11[%dma_wait3A, %dma_wait3A_240, %dma_wait3A_241] : memref<3x64x512xf32, #tpu.memory_space<vmem>> -> memref<1x64x512xf32, #tpu.memory_space<vmem>>
        %dma_wait3A_243 = tpu.memref_squeeze %dma_wait3A_242 : memref<1x64x512xf32, #tpu.memory_space<vmem>> -> memref<64x512xf32, #tpu.memory_space<vmem>>
        %dma_wait3A_244 = arith.constant 0 : i32
        %dma_wait3A_245 = tpu.memref_slice %arg2[%dma_wait3A_244, %add3A_233] : memref<64x2000000xf32, #tpu.memory_space<hbm>> -> memref<64x512xf32, #tpu.memory_space<hbm>>
        tpu.wait_dma2 semaphore(%arg14 : memref<!tpu.dma_semaphore, #tpu.memory_space<semaphore_mem>>) src(%dma_wait3A_245 : memref<64x512xf32, #tpu.memory_space<hbm>>) dst(%dma_wait3A_243 : memref<64x512xf32, #tpu.memory_space<vmem>>)
        %mul3A_246 = arith.constant 512 : i32
        %mul3A_247 = arith.muli %add3A_227, %mul3A_246 : i32
        %sub3A_248 = arith.constant 512 : i32
        %sub3A_249 = arith.subi %sub3A_51, %sub3A_248 : i32
        %min3A_250 = arith.minsi %mul3A_247, %sub3A_249 : i32
        %while3A_251 = arith.constant 0 : i32
        %while3A_252 = arith.constant 0 : i32
        %while3A_253 = arith.subi %select_n3A_166, %while3A_251 : i32
        %while3A_254 = arith.addi %while3A_251, %while3A_253 : i32
        %while3A_255 = arith.constant 1 : i32
        %while3A_256 = arith.divsi %while3A_253, %while3A_255 : i32
        %while3A_257 = arith.muli %while3A_256, %while3A_255 : i32
        %while3A_258 = arith.addi %while3A_251, %while3A_257 : i32
        %while3A_259 = arith.constant 1 : i32
        %while3A_260 = scf.for %while3A_279 = %while3A_251 to %while3A_258 step %while3A_259 iter_args(%while3A_280 = %while3A_252) -> (i32)  : i32 {
          %mul3A_281 = arith.constant 16 : i32
          %mul3A_282 = arith.muli %while3A_279, %mul3A_281 : i32
          %get3A_283 = arith.index_cast %mul3A_282 : i32 to index
          %get3A_284 = tpu.vector_load %arg7[%get3A_283] {strides = array<i32>} : memref<2064xi32, #tpu.memory_space<vmem>>, vector<16xi32>,
          %mul3A_285 = arith.constant 16 : i32
          %mul3A_286 = arith.muli %while3A_279, %mul3A_285 : i32
          %get3A_287 = arith.index_cast %mul3A_286 : i32 to index
          %get3A_288 = tpu.vector_load %arg8[%get3A_287] {strides = array<i32>} : memref<2064xi32, #tpu.memory_space<vmem>>, vector<16xi32>,
          %ge3A = vector.broadcast %min3A_250 : i32 to vector<16xi32>
          %ge3A_289 = arith.cmpi sge, %get3A_284, %ge3A : vector<16xi32>
          %add3A_290 = arith.constant 512 : i32
          %add3A_291 = arith.addi %min3A_250, %add3A_290 : i32
          %lt3A_292 = vector.broadcast %add3A_291 : i32 to vector<16xi32>
          %lt3A_293 = arith.cmpi slt, %get3A_284, %lt3A_292 : vector<16xi32>
          %and3A_294 = arith.andi %ge3A_289, %lt3A_293 : vector<16xi1>
          %sub3A_295 = vector.broadcast %min3A_250 : i32 to vector<16xi32>
          %sub3A_296 = arith.subi %get3A_284, %sub3A_295 : vector<16xi32>
          %swap3A_297 = arith.index_cast %while3A_280 : i32 to index
          %swap3A_298 = tpu.vector_load %arg9[%swap3A_297] masked %and3A_294 {strides = array<i32>} : memref<2064xi32, #tpu.memory_space<vmem>>, vector<16xi32>, vector<16xi1>
          tpu.vector_store %arg9[%swap3A_297], %sub3A_296 masked %and3A_294 {strides = array<i32>} : memref<2064xi32, #tpu.memory_space<vmem>>, vector<16xi32>, vector<16xi1>
          %swap3A_299 = arith.index_cast %while3A_280 : i32 to index
          %swap3A_300 = tpu.vector_load %arg10[%swap3A_299] masked %and3A_294 {strides = array<i32>} : memref<2064xi32, #tpu.memory_space<vmem>>, vector<16xi32>, vector<16xi1>
          tpu.vector_store %arg10[%swap3A_299], %get3A_288 masked %and3A_294 {strides = array<i32>} : memref<2064xi32, #tpu.memory_space<vmem>>, vector<16xi32>, vector<16xi1>
          %all_reduce_population_count3A = tpu.all_reduce %and3A_294 {dim = 0 : i64, kind = #tpu.reduction_kind<sum>} : vector<16xi1> -> vector<16xi32>
          %slice3A = vector.extract_strided_slice %all_reduce_population_count3A {offsets = [0], sizes = [1], strides = [1]} : vector<16xi32> to vector<1xi32>
          %squeeze3A = vector.extract %slice3A[0] : i32 from vector<1xi32>
          %add3A_301 = arith.addi %while3A_280, %squeeze3A : i32
          %min3A_302 = arith.constant 2048 : i32
          %min3A_303 = arith.minsi %add3A_301, %min3A_302 : i32
          scf.yield %min3A_303 : i32
        }
        %while3A_261 = arith.constant 1 : i32
        %while3A_262 = scf.for %while3A_279 = %while3A_258 to %while3A_254 step %while3A_261 iter_args(%while3A_280 = %while3A_260) -> (i32)  : i32 {
          %mul3A_281 = arith.constant 16 : i32
          %mul3A_282 = arith.muli %while3A_279, %mul3A_281 : i32
          %get3A_283 = arith.index_cast %mul3A_282 : i32 to index
          %get3A_284 = tpu.vector_load %arg7[%get3A_283] {strides = array<i32>} : memref<2064xi32, #tpu.memory_space<vmem>>, vector<16xi32>,
          %mul3A_285 = arith.constant 16 : i32
          %mul3A_286 = arith.muli %while3A_279, %mul3A_285 : i32
          %get3A_287 = arith.index_cast %mul3A_286 : i32 to index
          %get3A_288 = tpu.vector_load %arg8[%get3A_287] {strides = array<i32>} : memref<2064xi32, #tpu.memory_space<vmem>>, vector<16xi32>,
          %ge3A = vector.broadcast %min3A_250 : i32 to vector<16xi32>
          %ge3A_289 = arith.cmpi sge, %get3A_284, %ge3A : vector<16xi32>
          %add3A_290 = arith.constant 512 : i32
          %add3A_291 = arith.addi %min3A_250, %add3A_290 : i32
          %lt3A_292 = vector.broadcast %add3A_291 : i32 to vector<16xi32>
          %lt3A_293 = arith.cmpi slt, %get3A_284, %lt3A_292 : vector<16xi32>
          %and3A_294 = arith.andi %ge3A_289, %lt3A_293 : vector<16xi1>
          %sub3A_295 = vector.broadcast %min3A_250 : i32 to vector<16xi32>
          %sub3A_296 = arith.subi %get3A_284, %sub3A_295 : vector<16xi32>
          %swap3A_297 = arith.index_cast %while3A_280 : i32 to index
          %swap3A_298 = tpu.vector_load %arg9[%swap3A_297] masked %and3A_294 {strides = array<i32>} : memref<2064xi32, #tpu.memory_space<vmem>>, vector<16xi32>, vector<16xi1>
          tpu.vector_store %arg9[%swap3A_297], %sub3A_296 masked %and3A_294 {strides = array<i32>} : memref<2064xi32, #tpu.memory_space<vmem>>, vector<16xi32>, vector<16xi1>
          %swap3A_299 = arith.index_cast %while3A_280 : i32 to index
          %swap3A_300 = tpu.vector_load %arg10[%swap3A_299] masked %and3A_294 {strides = array<i32>} : memref<2064xi32, #tpu.memory_space<vmem>>, vector<16xi32>, vector<16xi1>
          tpu.vector_store %arg10[%swap3A_299], %get3A_288 masked %and3A_294 {strides = array<i32>} : memref<2064xi32, #tpu.memory_space<vmem>>, vector<16xi32>, vector<16xi1>
          %all_reduce_population_count3A = tpu.all_reduce %and3A_294 {dim = 0 : i64, kind = #tpu.reduction_kind<sum>} : vector<16xi1> -> vector<16xi32>
          %slice3A = vector.extract_strided_slice %all_reduce_population_count3A {offsets = [0], sizes = [1], strides = [1]} : vector<16xi32> to vector<1xi32>
          %squeeze3A = vector.extract %slice3A[0] : i32 from vector<1xi32>
          %add3A_301 = arith.addi %while3A_280, %squeeze3A : i32
          %min3A_302 = arith.constant 2048 : i32
          %min3A_303 = arith.minsi %add3A_301, %min3A_302 : i32
          scf.yield %min3A_303 : i32
        }
        %get3A = arith.constant 0 : index
        %get3A_263 = tpu.vector_load %arg9[%get3A] {strides = array<i32>} : memref<2064xi32, #tpu.memory_space<vmem>>, vector<16xi32>,
        %get3A_264 = arith.constant 0 : index
        %get3A_265 = tpu.vector_load %arg10[%get3A_264] {strides = array<i32>} : memref<2064xi32, #tpu.memory_space<vmem>>, vector<16xi32>,
        %gt3A_266 = arith.constant 0 : i32
        %gt3A_267 = arith.cmpi sgt, %while3A_262, %gt3A_266 : i32
        %convert_element_type3A_268 = arith.extui %gt3A_267 : i1 to i32
        %cond3A_269 = arith.constant 0 : i32
        %cond3A_270 = arith.cmpi ne, %convert_element_type3A_268, %cond3A_269 : i32
        scf.if %cond3A_270 {
          %slice3A = vector.extract_strided_slice %get3A_263 {offsets = [0], sizes = [1], strides = [1]} : vector<16xi32> to vector<1xi32>
          %squeeze3A = vector.extract %slice3A[0] : i32 from vector<1xi32>
          %broadcast_in_dim3A_279 = vector.broadcast %squeeze3A : i32 to vector<16xi32>
          %swap3A_280 = arith.index_cast %while3A_262 : i32 to index
          %swap3A_281 = tpu.vector_load %arg9[%swap3A_280] {strides = array<i32>} : memref<2064xi32, #tpu.memory_space<vmem>>, vector<16xi32>,
          tpu.vector_store %arg9[%swap3A_280], %broadcast_in_dim3A_279 {strides = array<i32>} : memref<2064xi32, #tpu.memory_space<vmem>>, vector<16xi32>,
          %slice3A_282 = vector.extract_strided_slice %get3A_265 {offsets = [0], sizes = [1], strides = [1]} : vector<16xi32> to vector<1xi32>
          %squeeze3A_283 = vector.extract %slice3A_282[0] : i32 from vector<1xi32>
          %broadcast_in_dim3A_284 = vector.broadcast %squeeze3A_283 : i32 to vector<16xi32>
          %swap3A_285 = arith.index_cast %while3A_262 : i32 to index
          %swap3A_286 = tpu.vector_load %arg10[%swap3A_285] {strides = array<i32>} : memref<2064xi32, #tpu.memory_space<vmem>>, vector<16xi32>,
          tpu.vector_store %arg10[%swap3A_285], %broadcast_in_dim3A_284 {strides = array<i32>} : memref<2064xi32, #tpu.memory_space<vmem>>, vector<16xi32>,
          %add3A_287 = arith.constant 16 : i32
          %add3A_288 = arith.addi %while3A_262, %add3A_287 : i32
          %sub3A_289 = arith.constant 1 : i32
          %sub3A_290 = arith.subi %add3A_288, %sub3A_289 : i32
          %jit3A_291 = arith.constant 16 : i32
          %div3A_292 = arith.divsi %sub3A_290, %jit3A_291 : i32
          %sign3A_293 = arith.constant 0 : i32
          %sign3A_294 = arith.cmpi sgt, %sub3A_290, %sign3A_293 : i32
          %sign3A_295 = arith.extui %sign3A_294 : i1 to i32
          %sign3A_296 = arith.constant 0 : i32
          %sign3A_297 = arith.cmpi slt, %sub3A_290, %sign3A_296 : i32
          %sign3A_298 = arith.extui %sign3A_297 : i1 to i32
          %sign3A_299 = arith.subi %sign3A_295, %sign3A_298 : i32
          %sign3A_300 = arith.constant 0 : i32
          %sign3A_301 = arith.cmpi sgt, %jit3A_291, %sign3A_300 : i32
          %sign3A_302 = arith.extui %sign3A_301 : i1 to i32
          %sign3A_303 = arith.constant 0 : i32
          %sign3A_304 = arith.cmpi slt, %jit3A_291, %sign3A_303 : i32
          %sign3A_305 = arith.extui %sign3A_304 : i1 to i32
          %sign3A_306 = arith.subi %sign3A_302, %sign3A_305 : i32
          %ne3A_307 = arith.cmpi ne, %sign3A_299, %sign3A_306 : i32
          %rem3A_308 = arith.remsi %sub3A_290, %jit3A_291 : i32
          %ne3A_309 = arith.constant 0 : i32
          %ne3A_310 = arith.cmpi ne, %rem3A_308, %ne3A_309 : i32
          %and3A_311 = arith.andi %ne3A_307, %ne3A_310 : i1
          %sub3A_312 = arith.constant 1 : i32
          %sub3A_313 = arith.subi %div3A_292, %sub3A_312 : i32
          %select_n3A_314 = arith.select %and3A_311, %sub3A_313, %div3A_292 : i32
          %while3A_315 = arith.constant 0 : i32
          %while3A_316 = arith.constant 0 : i32
          %while3A_317 = arith.subi %select_n3A_314, %while3A_315 : i32
          %while3A_318 = arith.addi %while3A_315, %while3A_317 : i32
          %while3A_319 = arith.constant 1 : i32
          %while3A_320 = arith.divsi %while3A_317, %while3A_319 : i32
          %while3A_321 = arith.muli %while3A_320, %while3A_319 : i32
          %while3A_322 = arith.addi %while3A_315, %while3A_321 : i32
          %while3A_323 = arith.constant 1 : i32
          %while3A_324 = scf.for %while3A_327 = %while3A_315 to %while3A_322 step %while3A_323 iter_args(%while3A_328 = %while3A_316) -> (i32)  : i32 {
            %mul3A_329 = arith.constant 16 : i32
            %mul3A_330 = arith.muli %while3A_327, %mul3A_329 : i32
            %get3A_331 = arith.index_cast %mul3A_330 : i32 to index
            %get3A_332 = tpu.vector_load %arg9[%get3A_331] {strides = array<i32>} : memref<2064xi32, #tpu.memory_space<vmem>>, vector<16xi32>,
            %mul3A_333 = arith.constant 16 : i32
            %mul3A_334 = arith.muli %while3A_327, %mul3A_333 : i32
            %get3A_335 = arith.index_cast %mul3A_334 : i32 to index
            %get3A_336 = tpu.vector_load %arg10[%get3A_335] {strides = array<i32>} : memref<2064xi32, #tpu.memory_space<vmem>>, vector<16xi32>,
            %scan3A_337 = arith.constant 0 : i32
            %scan3A_338 = arith.constant 0 : i32
            %scan3A_339 = arith.constant 64 : i32
            %scan3A_340 = arith.addi %scan3A_338, %scan3A_339 : i32
            %scan3A_341 = arith.constant 1 : i32
            %scan3A_342 = scf.for %scan3A_351 = %scan3A_338 to %scan3A_340 step %scan3A_341 iter_args(%scan3A_352 = %scan3A_337) -> (i32)  : i32 {
              %broadcast_in_dim3A_353 = vector.broadcast %scan3A_351 : i32 to vector<16xi32>
              %gather3A = arith.constant 1 : i32
              %gather3A_354 = arith.constant 0 : i32
              %gather3A_355 = arith.constant 0 : i32
              %gather3A_356 = tpu.memref_slice %arg11[%gather3A, %gather3A_354, %gather3A_355] : memref<3x64x512xf32, #tpu.memory_space<vmem>> -> memref<1x64x512xf32, #tpu.memory_space<vmem>>
              %gather3A_357 = tpu.memref_squeeze %gather3A_356 : memref<1x64x512xf32, #tpu.memory_space<vmem>> -> memref<64x512xf32, #tpu.memory_space<vmem>>
              %gather3A_358 = tpu.vector_load_idx %gather3A_357[%broadcast_in_dim3A_353, %get3A_332] : memref<64x512xf32, #tpu.memory_space<vmem>>[vector<16xi32>, vector<16xi32>], vector<16xf32>,
              %broadcast_in_dim3A_359 = vector.broadcast %scan3A_351 : i32 to vector<16xi32>
              tpu.vector_store_idx %arg12[%iota3A, %broadcast_in_dim3A_359], %gather3A_358 : memref<16x128xf32, #tpu.memory_space<vmem>>[vector<16xi32>, vector<16xi32>], vector<16xf32>,
              %scan3A_360 = arith.constant 0 : i32
              scf.yield %scan3A_360 : i32
            }
            %scan3A_343 = arith.constant 64 : i32
            %dma_start3A_344 = arith.constant 0 : i32
            %dma_start3A_345 = arith.constant 0 : i32
            %dma_start3A_346 = tpu.memref_slice %arg5[%dma_start3A_344, %dma_start3A_345] : memref<32768x128xf32, #tpu.memory_space<hbm>> -> memref<32768x128xf32, #tpu.memory_space<hbm>>
            tpu.enqueue_indirect_dma source(%arg12 : memref<16x128xf32, #tpu.memory_space<vmem>>) target(%dma_start3A_346 : memref<32768x128xf32, #tpu.memory_space<hbm>>) offsets(%get3A_336 : vector<16xi32>) semaphore(%arg16 : memref<!tpu.dma_semaphore, #tpu.memory_space<semaphore_mem>>)
            %dma_wait3A_347 = arith.constant 0 : i32
            %dma_wait3A_348 = arith.constant 0 : i32
            %dma_wait3A_349 = tpu.memref_slice %arg5[%dma_wait3A_347, %dma_wait3A_348] : memref<32768x128xf32, #tpu.memory_space<hbm>> -> memref<32768x128xf32, #tpu.memory_space<hbm>>
            tpu.wait_indirect_dma semaphore(%arg16 : memref<!tpu.dma_semaphore, #tpu.memory_space<semaphore_mem>>) src(%arg12 : memref<16x128xf32, #tpu.memory_space<vmem>>) dst(%dma_wait3A_349 : memref<32768x128xf32, #tpu.memory_space<hbm>>)
            %while3A_350 = arith.constant 0 : i32
            scf.yield %while3A_350 : i32
          }
          %while3A_325 = arith.constant 1 : i32
          %while3A_326 = scf.for %while3A_327 = %while3A_322 to %while3A_318 step %while3A_325 iter_args(%while3A_328 = %while3A_324) -> (i32)  : i32 {
            %mul3A_329 = arith.constant 16 : i32
            %mul3A_330 = arith.muli %while3A_327, %mul3A_329 : i32
            %get3A_331 = arith.index_cast %mul3A_330 : i32 to index
            %get3A_332 = tpu.vector_load %arg9[%get3A_331] {strides = array<i32>} : memref<2064xi32, #tpu.memory_space<vmem>>, vector<16xi32>,
            %mul3A_333 = arith.constant 16 : i32
            %mul3A_334 = arith.muli %while3A_327, %mul3A_333 : i32
            %get3A_335 = arith.index_cast %mul3A_334 : i32 to index
            %get3A_336 = tpu.vector_load %arg10[%get3A_335] {strides = array<i32>} : memref<2064xi32, #tpu.memory_space<vmem>>, vector<16xi32>,
            %scan3A_337 = arith.constant 0 : i32
            %scan3A_338 = arith.constant 0 : i32
            %scan3A_339 = arith.constant 64 : i32
            %scan3A_340 = arith.addi %scan3A_338, %scan3A_339 : i32
            %scan3A_341 = arith.constant 1 : i32
            %scan3A_342 = scf.for %scan3A_351 = %scan3A_338 to %scan3A_340 step %scan3A_341 iter_args(%scan3A_352 = %scan3A_337) -> (i32)  : i32 {
              %broadcast_in_dim3A_353 = vector.broadcast %scan3A_351 : i32 to vector<16xi32>
              %gather3A = arith.constant 1 : i32
              %gather3A_354 = arith.constant 0 : i32
              %gather3A_355 = arith.constant 0 : i32
              %gather3A_356 = tpu.memref_slice %arg11[%gather3A, %gather3A_354, %gather3A_355] : memref<3x64x512xf32, #tpu.memory_space<vmem>> -> memref<1x64x512xf32, #tpu.memory_space<vmem>>
              %gather3A_357 = tpu.memref_squeeze %gather3A_356 : memref<1x64x512xf32, #tpu.memory_space<vmem>> -> memref<64x512xf32, #tpu.memory_space<vmem>>
              %gather3A_358 = tpu.vector_load_idx %gather3A_357[%broadcast_in_dim3A_353, %get3A_332] : memref<64x512xf32, #tpu.memory_space<vmem>>[vector<16xi32>, vector<16xi32>], vector<16xf32>,
              %broadcast_in_dim3A_359 = vector.broadcast %scan3A_351 : i32 to vector<16xi32>
              tpu.vector_store_idx %arg12[%iota3A, %broadcast_in_dim3A_359], %gather3A_358 : memref<16x128xf32, #tpu.memory_space<vmem>>[vector<16xi32>, vector<16xi32>], vector<16xf32>,
              %scan3A_360 = arith.constant 0 : i32
              scf.yield %scan3A_360 : i32
            }
            %scan3A_343 = arith.constant 64 : i32
            %dma_start3A_344 = arith.constant 0 : i32
            %dma_start3A_345 = arith.constant 0 : i32
            %dma_start3A_346 = tpu.memref_slice %arg5[%dma_start3A_344, %dma_start3A_345] : memref<32768x128xf32, #tpu.memory_space<hbm>> -> memref<32768x128xf32, #tpu.memory_space<hbm>>
            tpu.enqueue_indirect_dma source(%arg12 : memref<16x128xf32, #tpu.memory_space<vmem>>) target(%dma_start3A_346 : memref<32768x128xf32, #tpu.memory_space<hbm>>) offsets(%get3A_336 : vector<16xi32>) semaphore(%arg16 : memref<!tpu.dma_semaphore, #tpu.memory_space<semaphore_mem>>)
            %dma_wait3A_347 = arith.constant 0 : i32
            %dma_wait3A_348 = arith.constant 0 : i32
            %dma_wait3A_349 = tpu.memref_slice %arg5[%dma_wait3A_347, %dma_wait3A_348] : memref<32768x128xf32, #tpu.memory_space<hbm>> -> memref<32768x128xf32, #tpu.memory_space<hbm>>
            tpu.wait_indirect_dma semaphore(%arg16 : memref<!tpu.dma_semaphore, #tpu.memory_space<semaphore_mem>>) src(%arg12 : memref<16x128xf32, #tpu.memory_space<vmem>>) dst(%dma_wait3A_349 : memref<32768x128xf32, #tpu.memory_space<hbm>>)
            %while3A_350 = arith.constant 0 : i32
            scf.yield %while3A_350 : i32
          }
        } else {
        }
        %add3A_271 = arith.constant 1 : i32
        %add3A_272 = arith.addi %mul3A_207, %add3A_271 : i32
        %add3A_273 = arith.constant 3 : i32
        %add3A_274 = arith.addi %add3A_272, %add3A_273 : i32
        %lt3A_275 = arith.cmpi slt, %add3A_274, %select_n3A_79 : i32
        %convert_element_type3A_276 = arith.extui %lt3A_275 : i1 to i32
        %cond3A_277 = arith.constant 0 : i32
        %cond3A_278 = arith.cmpi ne, %convert_element_type3A_276, %cond3A_277 : i32
        scf.if %cond3A_278 {
          %add3A_279 = arith.constant 1 : i32
          %add3A_280 = arith.addi %mul3A_207, %add3A_279 : i32
          %add3A_281 = arith.constant 3 : i32
          %add3A_282 = arith.addi %add3A_280, %add3A_281 : i32
          %mul3A_283 = arith.constant 512 : i32
          %mul3A_284 = arith.muli %add3A_282, %mul3A_283 : i32
          %sub3A_285 = arith.constant 512 : i32
          %sub3A_286 = arith.subi %sub3A_51, %sub3A_285 : i32
          %min3A_287 = arith.minsi %mul3A_284, %sub3A_286 : i32
          %add3A_288 = arith.addi %mul3A_20, %min3A_287 : i32
          %dma_start3A_289 = arith.constant 1 : i32
          %dma_start3A_290 = arith.constant 0 : i32
          %dma_start3A_291 = arith.constant 0 : i32
          %dma_start3A_292 = tpu.memref_slice %arg11[%dma_start3A_289, %dma_start3A_290, %dma_start3A_291] : memref<3x64x512xf32, #tpu.memory_space<vmem>> -> memref<1x32x512xf32, #tpu.memory_space<vmem>>
          %dma_start3A_293 = tpu.memref_squeeze %dma_start3A_292 : memref<1x32x512xf32, #tpu.memory_space<vmem>> -> memref<32x512xf32, #tpu.memory_space<vmem>>
          %dma_start3A_294 = arith.constant 0 : i32
          %dma_start3A_295 = tpu.memref_slice %arg2[%dma_start3A_294, %add3A_288] : memref<64x2000000xf32, #tpu.memory_space<hbm>> -> memref<32x512xf32, #tpu.memory_space<hbm>>
          %dma_start3A_296 = arith.constant 0 : i32
          %dma_start3A_297 = arith.constant 0 : i32
          %dma_start3A_298 = tpu.memref_slice %arg11[%dma_start3A_289, %dma_start3A_296, %dma_start3A_297] : memref<3x64x512xf32, #tpu.memory_space<vmem>> -> memref<1x32x512xf32, #tpu.memory_space<vmem>>
          %dma_start3A_299 = tpu.memref_squeeze %dma_start3A_298 : memref<1x32x512xf32, #tpu.memory_space<vmem>> -> memref<32x512xf32, #tpu.memory_space<vmem>>
          %dma_start3A_300 = arith.constant 0 : i32
          %dma_start3A_301 = tpu.memref_slice %arg2[%dma_start3A_300, %add3A_288] : memref<64x2000000xf32, #tpu.memory_space<hbm>> -> memref<32x512xf32, #tpu.memory_space<hbm>>
          tpu.enqueue_dma source(%dma_start3A_301 : memref<32x512xf32, #tpu.memory_space<hbm>>) target(%dma_start3A_299 : memref<32x512xf32, #tpu.memory_space<vmem>>) target_semaphore(%arg14 : memref<!tpu.dma_semaphore, #tpu.memory_space<semaphore_mem>>)
          %mul3A_302 = arith.constant 512 : i32
          %mul3A_303 = arith.muli %add3A_282, %mul3A_302 : i32
          %sub3A_304 = arith.constant 512 : i32
          %sub3A_305 = arith.subi %sub3A_51, %sub3A_304 : i32
          %min3A_306 = arith.minsi %mul3A_303, %sub3A_305 : i32
          %add3A_307 = arith.addi %mul3A_20, %min3A_306 : i32
          %dma_start3A_308 = arith.constant 1 : i32
          %dma_start3A_309 = arith.constant 32 : i32
          %dma_start3A_310 = arith.constant 0 : i32
          %dma_start3A_311 = tpu.memref_slice %arg11[%dma_start3A_308, %dma_start3A_309, %dma_start3A_310] : memref<3x64x512xf32, #tpu.memory_space<vmem>> -> memref<1x32x512xf32, #tpu.memory_space<vmem>>
          %dma_start3A_312 = tpu.memref_squeeze %dma_start3A_311 : memref<1x32x512xf32, #tpu.memory_space<vmem>> -> memref<32x512xf32, #tpu.memory_space<vmem>>
          %dma_start3A_313 = arith.constant 32 : i32
          %dma_start3A_314 = tpu.memref_slice %arg2[%dma_start3A_313, %add3A_307] : memref<64x2000000xf32, #tpu.memory_space<hbm>> -> memref<32x512xf32, #tpu.memory_space<hbm>>
          %dma_start3A_315 = arith.constant 32 : i32
          %dma_start3A_316 = arith.constant 0 : i32
          %dma_start3A_317 = tpu.memref_slice %arg11[%dma_start3A_308, %dma_start3A_315, %dma_start3A_316] : memref<3x64x512xf32, #tpu.memory_space<vmem>> -> memref<1x32x512xf32, #tpu.memory_space<vmem>>
          %dma_start3A_318 = tpu.memref_squeeze %dma_start3A_317 : memref<1x32x512xf32, #tpu.memory_space<vmem>> -> memref<32x512xf32, #tpu.memory_space<vmem>>
          %dma_start3A_319 = arith.constant 32 : i32
          %dma_start3A_320 = tpu.memref_slice %arg2[%dma_start3A_319, %add3A_307] : memref<64x2000000xf32, #tpu.memory_space<hbm>> -> memref<32x512xf32, #tpu.memory_space<hbm>>
          tpu.enqueue_dma source(%dma_start3A_320 : memref<32x512xf32, #tpu.memory_space<hbm>>) target(%dma_start3A_318 : memref<32x512xf32, #tpu.memory_space<vmem>>) target_semaphore(%arg14 : memref<!tpu.dma_semaphore, #tpu.memory_space<semaphore_mem>>)
        } else {
        }
      } else {
      }
      %add3A_219 = arith.constant 2 : i32
      %add3A_220 = arith.addi %mul3A_207, %add3A_219 : i32
      %lt3A_221 = arith.cmpi slt, %add3A_220, %select_n3A_79 : i32
      %convert_element_type3A_222 = arith.extui %lt3A_221 : i1 to i32
      %cond3A_223 = arith.constant 0 : i32
      %cond3A_224 = arith.cmpi ne, %convert_element_type3A_222, %cond3A_223 : i32
      scf.if %cond3A_224 {
        %add3A_226 = arith.constant 2 : i32
        %add3A_227 = arith.addi %mul3A_207, %add3A_226 : i32
        %mul3A_228 = arith.constant 512 : i32
        %mul3A_229 = arith.muli %add3A_227, %mul3A_228 : i32
        %sub3A_230 = arith.constant 512 : i32
        %sub3A_231 = arith.subi %sub3A_51, %sub3A_230 : i32
        %min3A_232 = arith.minsi %mul3A_229, %sub3A_231 : i32
        %add3A_233 = arith.addi %mul3A_20, %min3A_232 : i32
        %dma_wait3A = arith.constant 2 : i32
        %dma_wait3A_234 = arith.constant 0 : i32
        %dma_wait3A_235 = arith.constant 0 : i32
        %dma_wait3A_236 = tpu.memref_slice %arg11[%dma_wait3A, %dma_wait3A_234, %dma_wait3A_235] : memref<3x64x512xf32, #tpu.memory_space<vmem>> -> memref<1x64x512xf32, #tpu.memory_space<vmem>>
        %dma_wait3A_237 = tpu.memref_squeeze %dma_wait3A_236 : memref<1x64x512xf32, #tpu.memory_space<vmem>> -> memref<64x512xf32, #tpu.memory_space<vmem>>
        %dma_wait3A_238 = arith.constant 0 : i32
        %dma_wait3A_239 = tpu.memref_slice %arg2[%dma_wait3A_238, %add3A_233] : memref<64x2000000xf32, #tpu.memory_space<hbm>> -> memref<64x512xf32, #tpu.memory_space<hbm>>
        %dma_wait3A_240 = arith.constant 0 : i32
        %dma_wait3A_241 = arith.constant 0 : i32
        %dma_wait3A_242 = tpu.memref_slice %arg11[%dma_wait3A, %dma_wait3A_240, %dma_wait3A_241] : memref<3x64x512xf32, #tpu.memory_space<vmem>> -> memref<1x64x512xf32, #tpu.memory_space<vmem>>
        %dma_wait3A_243 = tpu.memref_squeeze %dma_wait3A_242 : memref<1x64x512xf32, #tpu.memory_space<vmem>> -> memref<64x512xf32, #tpu.memory_space<vmem>>
        %dma_wait3A_244 = arith.constant 0 : i32
        %dma_wait3A_245 = tpu.memref_slice %arg2[%dma_wait3A_244, %add3A_233] : memref<64x2000000xf32, #tpu.memory_space<hbm>> -> memref<64x512xf32, #tpu.memory_space<hbm>>
        tpu.wait_dma2 semaphore(%arg15 : memref<!tpu.dma_semaphore, #tpu.memory_space<semaphore_mem>>) src(%dma_wait3A_245 : memref<64x512xf32, #tpu.memory_space<hbm>>) dst(%dma_wait3A_243 : memref<64x512xf32, #tpu.memory_space<vmem>>)
        %mul3A_246 = arith.constant 512 : i32
        %mul3A_247 = arith.muli %add3A_227, %mul3A_246 : i32
        %sub3A_248 = arith.constant 512 : i32
        %sub3A_249 = arith.subi %sub3A_51, %sub3A_248 : i32
        %min3A_250 = arith.minsi %mul3A_247, %sub3A_249 : i32
        %while3A_251 = arith.constant 0 : i32
        %while3A_252 = arith.constant 0 : i32
        %while3A_253 = arith.subi %select_n3A_166, %while3A_251 : i32
        %while3A_254 = arith.addi %while3A_251, %while3A_253 : i32
        %while3A_255 = arith.constant 1 : i32
        %while3A_256 = arith.divsi %while3A_253, %while3A_255 : i32
        %while3A_257 = arith.muli %while3A_256, %while3A_255 : i32
        %while3A_258 = arith.addi %while3A_251, %while3A_257 : i32
        %while3A_259 = arith.constant 1 : i32
        %while3A_260 = scf.for %while3A_279 = %while3A_251 to %while3A_258 step %while3A_259 iter_args(%while3A_280 = %while3A_252) -> (i32)  : i32 {
          %mul3A_281 = arith.constant 16 : i32
          %mul3A_282 = arith.muli %while3A_279, %mul3A_281 : i32
          %get3A_283 = arith.index_cast %mul3A_282 : i32 to index
          %get3A_284 = tpu.vector_load %arg7[%get3A_283] {strides = array<i32>} : memref<2064xi32, #tpu.memory_space<vmem>>, vector<16xi32>,
          %mul3A_285 = arith.constant 16 : i32
          %mul3A_286 = arith.muli %while3A_279, %mul3A_285 : i32
          %get3A_287 = arith.index_cast %mul3A_286 : i32 to index
          %get3A_288 = tpu.vector_load %arg8[%get3A_287] {strides = array<i32>} : memref<2064xi32, #tpu.memory_space<vmem>>, vector<16xi32>,
          %ge3A = vector.broadcast %min3A_250 : i32 to vector<16xi32>
          %ge3A_289 = arith.cmpi sge, %get3A_284, %ge3A : vector<16xi32>
          %add3A_290 = arith.constant 512 : i32
          %add3A_291 = arith.addi %min3A_250, %add3A_290 : i32
          %lt3A_292 = vector.broadcast %add3A_291 : i32 to vector<16xi32>
          %lt3A_293 = arith.cmpi slt, %get3A_284, %lt3A_292 : vector<16xi32>
          %and3A_294 = arith.andi %ge3A_289, %lt3A_293 : vector<16xi1>
          %sub3A_295 = vector.broadcast %min3A_250 : i32 to vector<16xi32>
          %sub3A_296 = arith.subi %get3A_284, %sub3A_295 : vector<16xi32>
          %swap3A_297 = arith.index_cast %while3A_280 : i32 to index
          %swap3A_298 = tpu.vector_load %arg9[%swap3A_297] masked %and3A_294 {strides = array<i32>} : memref<2064xi32, #tpu.memory_space<vmem>>, vector<16xi32>, vector<16xi1>
          tpu.vector_store %arg9[%swap3A_297], %sub3A_296 masked %and3A_294 {strides = array<i32>} : memref<2064xi32, #tpu.memory_space<vmem>>, vector<16xi32>, vector<16xi1>
          %swap3A_299 = arith.index_cast %while3A_280 : i32 to index
          %swap3A_300 = tpu.vector_load %arg10[%swap3A_299] masked %and3A_294 {strides = array<i32>} : memref<2064xi32, #tpu.memory_space<vmem>>, vector<16xi32>, vector<16xi1>
          tpu.vector_store %arg10[%swap3A_299], %get3A_288 masked %and3A_294 {strides = array<i32>} : memref<2064xi32, #tpu.memory_space<vmem>>, vector<16xi32>, vector<16xi1>
          %all_reduce_population_count3A = tpu.all_reduce %and3A_294 {dim = 0 : i64, kind = #tpu.reduction_kind<sum>} : vector<16xi1> -> vector<16xi32>
          %slice3A = vector.extract_strided_slice %all_reduce_population_count3A {offsets = [0], sizes = [1], strides = [1]} : vector<16xi32> to vector<1xi32>
          %squeeze3A = vector.extract %slice3A[0] : i32 from vector<1xi32>
          %add3A_301 = arith.addi %while3A_280, %squeeze3A : i32
          %min3A_302 = arith.constant 2048 : i32
          %min3A_303 = arith.minsi %add3A_301, %min3A_302 : i32
          scf.yield %min3A_303 : i32
        }
        %while3A_261 = arith.constant 1 : i32
        %while3A_262 = scf.for %while3A_279 = %while3A_258 to %while3A_254 step %while3A_261 iter_args(%while3A_280 = %while3A_260) -> (i32)  : i32 {
          %mul3A_281 = arith.constant 16 : i32
          %mul3A_282 = arith.muli %while3A_279, %mul3A_281 : i32
          %get3A_283 = arith.index_cast %mul3A_282 : i32 to index
          %get3A_284 = tpu.vector_load %arg7[%get3A_283] {strides = array<i32>} : memref<2064xi32, #tpu.memory_space<vmem>>, vector<16xi32>,
          %mul3A_285 = arith.constant 16 : i32
          %mul3A_286 = arith.muli %while3A_279, %mul3A_285 : i32
          %get3A_287 = arith.index_cast %mul3A_286 : i32 to index
          %get3A_288 = tpu.vector_load %arg8[%get3A_287] {strides = array<i32>} : memref<2064xi32, #tpu.memory_space<vmem>>, vector<16xi32>,
          %ge3A = vector.broadcast %min3A_250 : i32 to vector<16xi32>
          %ge3A_289 = arith.cmpi sge, %get3A_284, %ge3A : vector<16xi32>
          %add3A_290 = arith.constant 512 : i32
          %add3A_291 = arith.addi %min3A_250, %add3A_290 : i32
          %lt3A_292 = vector.broadcast %add3A_291 : i32 to vector<16xi32>
          %lt3A_293 = arith.cmpi slt, %get3A_284, %lt3A_292 : vector<16xi32>
          %and3A_294 = arith.andi %ge3A_289, %lt3A_293 : vector<16xi1>
          %sub3A_295 = vector.broadcast %min3A_250 : i32 to vector<16xi32>
          %sub3A_296 = arith.subi %get3A_284, %sub3A_295 : vector<16xi32>
          %swap3A_297 = arith.index_cast %while3A_280 : i32 to index
          %swap3A_298 = tpu.vector_load %arg9[%swap3A_297] masked %and3A_294 {strides = array<i32>} : memref<2064xi32, #tpu.memory_space<vmem>>, vector<16xi32>, vector<16xi1>
          tpu.vector_store %arg9[%swap3A_297], %sub3A_296 masked %and3A_294 {strides = array<i32>} : memref<2064xi32, #tpu.memory_space<vmem>>, vector<16xi32>, vector<16xi1>
          %swap3A_299 = arith.index_cast %while3A_280 : i32 to index
          %swap3A_300 = tpu.vector_load %arg10[%swap3A_299] masked %and3A_294 {strides = array<i32>} : memref<2064xi32, #tpu.memory_space<vmem>>, vector<16xi32>, vector<16xi1>
          tpu.vector_store %arg10[%swap3A_299], %get3A_288 masked %and3A_294 {strides = array<i32>} : memref<2064xi32, #tpu.memory_space<vmem>>, vector<16xi32>, vector<16xi1>
          %all_reduce_population_count3A = tpu.all_reduce %and3A_294 {dim = 0 : i64, kind = #tpu.reduction_kind<sum>} : vector<16xi1> -> vector<16xi32>
          %slice3A = vector.extract_strided_slice %all_reduce_population_count3A {offsets = [0], sizes = [1], strides = [1]} : vector<16xi32> to vector<1xi32>
          %squeeze3A = vector.extract %slice3A[0] : i32 from vector<1xi32>
          %add3A_301 = arith.addi %while3A_280, %squeeze3A : i32
          %min3A_302 = arith.constant 2048 : i32
          %min3A_303 = arith.minsi %add3A_301, %min3A_302 : i32
          scf.yield %min3A_303 : i32
        }
        %get3A = arith.constant 0 : index
        %get3A_263 = tpu.vector_load %arg9[%get3A] {strides = array<i32>} : memref<2064xi32, #tpu.memory_space<vmem>>, vector<16xi32>,
        %get3A_264 = arith.constant 0 : index
        %get3A_265 = tpu.vector_load %arg10[%get3A_264] {strides = array<i32>} : memref<2064xi32, #tpu.memory_space<vmem>>, vector<16xi32>,
        %gt3A_266 = arith.constant 0 : i32
        %gt3A_267 = arith.cmpi sgt, %while3A_262, %gt3A_266 : i32
        %convert_element_type3A_268 = arith.extui %gt3A_267 : i1 to i32
        %cond3A_269 = arith.constant 0 : i32
        %cond3A_270 = arith.cmpi ne, %convert_element_type3A_268, %cond3A_269 : i32
        scf.if %cond3A_270 {
          %slice3A = vector.extract_strided_slice %get3A_263 {offsets = [0], sizes = [1], strides = [1]} : vector<16xi32> to vector<1xi32>
          %squeeze3A = vector.extract %slice3A[0] : i32 from vector<1xi32>
          %broadcast_in_dim3A_279 = vector.broadcast %squeeze3A : i32 to vector<16xi32>
          %swap3A_280 = arith.index_cast %while3A_262 : i32 to index
          %swap3A_281 = tpu.vector_load %arg9[%swap3A_280] {strides = array<i32>} : memref<2064xi32, #tpu.memory_space<vmem>>, vector<16xi32>,
          tpu.vector_store %arg9[%swap3A_280], %broadcast_in_dim3A_279 {strides = array<i32>} : memref<2064xi32, #tpu.memory_space<vmem>>, vector<16xi32>,
          %slice3A_282 = vector.extract_strided_slice %get3A_265 {offsets = [0], sizes = [1], strides = [1]} : vector<16xi32> to vector<1xi32>
          %squeeze3A_283 = vector.extract %slice3A_282[0] : i32 from vector<1xi32>
          %broadcast_in_dim3A_284 = vector.broadcast %squeeze3A_283 : i32 to vector<16xi32>
          %swap3A_285 = arith.index_cast %while3A_262 : i32 to index
          %swap3A_286 = tpu.vector_load %arg10[%swap3A_285] {strides = array<i32>} : memref<2064xi32, #tpu.memory_space<vmem>>, vector<16xi32>,
          tpu.vector_store %arg10[%swap3A_285], %broadcast_in_dim3A_284 {strides = array<i32>} : memref<2064xi32, #tpu.memory_space<vmem>>, vector<16xi32>,
          %add3A_287 = arith.constant 16 : i32
          %add3A_288 = arith.addi %while3A_262, %add3A_287 : i32
          %sub3A_289 = arith.constant 1 : i32
          %sub3A_290 = arith.subi %add3A_288, %sub3A_289 : i32
          %jit3A_291 = arith.constant 16 : i32
          %div3A_292 = arith.divsi %sub3A_290, %jit3A_291 : i32
          %sign3A_293 = arith.constant 0 : i32
          %sign3A_294 = arith.cmpi sgt, %sub3A_290, %sign3A_293 : i32
          %sign3A_295 = arith.extui %sign3A_294 : i1 to i32
          %sign3A_296 = arith.constant 0 : i32
          %sign3A_297 = arith.cmpi slt, %sub3A_290, %sign3A_296 : i32
          %sign3A_298 = arith.extui %sign3A_297 : i1 to i32
          %sign3A_299 = arith.subi %sign3A_295, %sign3A_298 : i32
          %sign3A_300 = arith.constant 0 : i32
          %sign3A_301 = arith.cmpi sgt, %jit3A_291, %sign3A_300 : i32
          %sign3A_302 = arith.extui %sign3A_301 : i1 to i32
          %sign3A_303 = arith.constant 0 : i32
          %sign3A_304 = arith.cmpi slt, %jit3A_291, %sign3A_303 : i32
          %sign3A_305 = arith.extui %sign3A_304 : i1 to i32
          %sign3A_306 = arith.subi %sign3A_302, %sign3A_305 : i32
          %ne3A_307 = arith.cmpi ne, %sign3A_299, %sign3A_306 : i32
          %rem3A_308 = arith.remsi %sub3A_290, %jit3A_291 : i32
          %ne3A_309 = arith.constant 0 : i32
          %ne3A_310 = arith.cmpi ne, %rem3A_308, %ne3A_309 : i32
          %and3A_311 = arith.andi %ne3A_307, %ne3A_310 : i1
          %sub3A_312 = arith.constant 1 : i32
          %sub3A_313 = arith.subi %div3A_292, %sub3A_312 : i32
          %select_n3A_314 = arith.select %and3A_311, %sub3A_313, %div3A_292 : i32
          %while3A_315 = arith.constant 0 : i32
          %while3A_316 = arith.constant 0 : i32
          %while3A_317 = arith.subi %select_n3A_314, %while3A_315 : i32
          %while3A_318 = arith.addi %while3A_315, %while3A_317 : i32
          %while3A_319 = arith.constant 1 : i32
          %while3A_320 = arith.divsi %while3A_317, %while3A_319 : i32
          %while3A_321 = arith.muli %while3A_320, %while3A_319 : i32
          %while3A_322 = arith.addi %while3A_315, %while3A_321 : i32
          %while3A_323 = arith.constant 1 : i32
          %while3A_324 = scf.for %while3A_327 = %while3A_315 to %while3A_322 step %while3A_323 iter_args(%while3A_328 = %while3A_316) -> (i32)  : i32 {
            %mul3A_329 = arith.constant 16 : i32
            %mul3A_330 = arith.muli %while3A_327, %mul3A_329 : i32
            %get3A_331 = arith.index_cast %mul3A_330 : i32 to index
            %get3A_332 = tpu.vector_load %arg9[%get3A_331] {strides = array<i32>} : memref<2064xi32, #tpu.memory_space<vmem>>, vector<16xi32>,
            %mul3A_333 = arith.constant 16 : i32
            %mul3A_334 = arith.muli %while3A_327, %mul3A_333 : i32
            %get3A_335 = arith.index_cast %mul3A_334 : i32 to index
            %get3A_336 = tpu.vector_load %arg10[%get3A_335] {strides = array<i32>} : memref<2064xi32, #tpu.memory_space<vmem>>, vector<16xi32>,
            %scan3A_337 = arith.constant 0 : i32
            %scan3A_338 = arith.constant 0 : i32
            %scan3A_339 = arith.constant 64 : i32
            %scan3A_340 = arith.addi %scan3A_338, %scan3A_339 : i32
            %scan3A_341 = arith.constant 1 : i32
            %scan3A_342 = scf.for %scan3A_351 = %scan3A_338 to %scan3A_340 step %scan3A_341 iter_args(%scan3A_352 = %scan3A_337) -> (i32)  : i32 {
              %broadcast_in_dim3A_353 = vector.broadcast %scan3A_351 : i32 to vector<16xi32>
              %gather3A = arith.constant 2 : i32
              %gather3A_354 = arith.constant 0 : i32
              %gather3A_355 = arith.constant 0 : i32
              %gather3A_356 = tpu.memref_slice %arg11[%gather3A, %gather3A_354, %gather3A_355] : memref<3x64x512xf32, #tpu.memory_space<vmem>> -> memref<1x64x512xf32, #tpu.memory_space<vmem>>
              %gather3A_357 = tpu.memref_squeeze %gather3A_356 : memref<1x64x512xf32, #tpu.memory_space<vmem>> -> memref<64x512xf32, #tpu.memory_space<vmem>>
              %gather3A_358 = tpu.vector_load_idx %gather3A_357[%broadcast_in_dim3A_353, %get3A_332] : memref<64x512xf32, #tpu.memory_space<vmem>>[vector<16xi32>, vector<16xi32>], vector<16xf32>,
              %broadcast_in_dim3A_359 = vector.broadcast %scan3A_351 : i32 to vector<16xi32>
              tpu.vector_store_idx %arg12[%iota3A, %broadcast_in_dim3A_359], %gather3A_358 : memref<16x128xf32, #tpu.memory_space<vmem>>[vector<16xi32>, vector<16xi32>], vector<16xf32>,
              %scan3A_360 = arith.constant 0 : i32
              scf.yield %scan3A_360 : i32
            }
            %scan3A_343 = arith.constant 64 : i32
            %dma_start3A_344 = arith.constant 0 : i32
            %dma_start3A_345 = arith.constant 0 : i32
            %dma_start3A_346 = tpu.memref_slice %arg5[%dma_start3A_344, %dma_start3A_345] : memref<32768x128xf32, #tpu.memory_space<hbm>> -> memref<32768x128xf32, #tpu.memory_space<hbm>>
            tpu.enqueue_indirect_dma source(%arg12 : memref<16x128xf32, #tpu.memory_space<vmem>>) target(%dma_start3A_346 : memref<32768x128xf32, #tpu.memory_space<hbm>>) offsets(%get3A_336 : vector<16xi32>) semaphore(%arg16 : memref<!tpu.dma_semaphore, #tpu.memory_space<semaphore_mem>>)
            %dma_wait3A_347 = arith.constant 0 : i32
            %dma_wait3A_348 = arith.constant 0 : i32
            %dma_wait3A_349 = tpu.memref_slice %arg5[%dma_wait3A_347, %dma_wait3A_348] : memref<32768x128xf32, #tpu.memory_space<hbm>> -> memref<32768x128xf32, #tpu.memory_space<hbm>>
            tpu.wait_indirect_dma semaphore(%arg16 : memref<!tpu.dma_semaphore, #tpu.memory_space<semaphore_mem>>) src(%arg12 : memref<16x128xf32, #tpu.memory_space<vmem>>) dst(%dma_wait3A_349 : memref<32768x128xf32, #tpu.memory_space<hbm>>)
            %while3A_350 = arith.constant 0 : i32
            scf.yield %while3A_350 : i32
          }
          %while3A_325 = arith.constant 1 : i32
          %while3A_326 = scf.for %while3A_327 = %while3A_322 to %while3A_318 step %while3A_325 iter_args(%while3A_328 = %while3A_324) -> (i32)  : i32 {
            %mul3A_329 = arith.constant 16 : i32
            %mul3A_330 = arith.muli %while3A_327, %mul3A_329 : i32
            %get3A_331 = arith.index_cast %mul3A_330 : i32 to index
            %get3A_332 = tpu.vector_load %arg9[%get3A_331] {strides = array<i32>} : memref<2064xi32, #tpu.memory_space<vmem>>, vector<16xi32>,
            %mul3A_333 = arith.constant 16 : i32
            %mul3A_334 = arith.muli %while3A_327, %mul3A_333 : i32
            %get3A_335 = arith.index_cast %mul3A_334 : i32 to index
            %get3A_336 = tpu.vector_load %arg10[%get3A_335] {strides = array<i32>} : memref<2064xi32, #tpu.memory_space<vmem>>, vector<16xi32>,
            %scan3A_337 = arith.constant 0 : i32
            %scan3A_338 = arith.constant 0 : i32
            %scan3A_339 = arith.constant 64 : i32
            %scan3A_340 = arith.addi %scan3A_338, %scan3A_339 : i32
            %scan3A_341 = arith.constant 1 : i32
            %scan3A_342 = scf.for %scan3A_351 = %scan3A_338 to %scan3A_340 step %scan3A_341 iter_args(%scan3A_352 = %scan3A_337) -> (i32)  : i32 {
              %broadcast_in_dim3A_353 = vector.broadcast %scan3A_351 : i32 to vector<16xi32>
              %gather3A = arith.constant 2 : i32
              %gather3A_354 = arith.constant 0 : i32
              %gather3A_355 = arith.constant 0 : i32
              %gather3A_356 = tpu.memref_slice %arg11[%gather3A, %gather3A_354, %gather3A_355] : memref<3x64x512xf32, #tpu.memory_space<vmem>> -> memref<1x64x512xf32, #tpu.memory_space<vmem>>
              %gather3A_357 = tpu.memref_squeeze %gather3A_356 : memref<1x64x512xf32, #tpu.memory_space<vmem>> -> memref<64x512xf32, #tpu.memory_space<vmem>>
              %gather3A_358 = tpu.vector_load_idx %gather3A_357[%broadcast_in_dim3A_353, %get3A_332] : memref<64x512xf32, #tpu.memory_space<vmem>>[vector<16xi32>, vector<16xi32>], vector<16xf32>,
              %broadcast_in_dim3A_359 = vector.broadcast %scan3A_351 : i32 to vector<16xi32>
              tpu.vector_store_idx %arg12[%iota3A, %broadcast_in_dim3A_359], %gather3A_358 : memref<16x128xf32, #tpu.memory_space<vmem>>[vector<16xi32>, vector<16xi32>], vector<16xf32>,
              %scan3A_360 = arith.constant 0 : i32
              scf.yield %scan3A_360 : i32
            }
            %scan3A_343 = arith.constant 64 : i32
            %dma_start3A_344 = arith.constant 0 : i32
            %dma_start3A_345 = arith.constant 0 : i32
            %dma_start3A_346 = tpu.memref_slice %arg5[%dma_start3A_344, %dma_start3A_345] : memref<32768x128xf32, #tpu.memory_space<hbm>> -> memref<32768x128xf32, #tpu.memory_space<hbm>>
            tpu.enqueue_indirect_dma source(%arg12 : memref<16x128xf32, #tpu.memory_space<vmem>>) target(%dma_start3A_346 : memref<32768x128xf32, #tpu.memory_space<hbm>>) offsets(%get3A_336 : vector<16xi32>) semaphore(%arg16 : memref<!tpu.dma_semaphore, #tpu.memory_space<semaphore_mem>>)
            %dma_wait3A_347 = arith.constant 0 : i32
            %dma_wait3A_348 = arith.constant 0 : i32
            %dma_wait3A_349 = tpu.memref_slice %arg5[%dma_wait3A_347, %dma_wait3A_348] : memref<32768x128xf32, #tpu.memory_space<hbm>> -> memref<32768x128xf32, #tpu.memory_space<hbm>>
            tpu.wait_indirect_dma semaphore(%arg16 : memref<!tpu.dma_semaphore, #tpu.memory_space<semaphore_mem>>) src(%arg12 : memref<16x128xf32, #tpu.memory_space<vmem>>) dst(%dma_wait3A_349 : memref<32768x128xf32, #tpu.memory_space<hbm>>)
            %while3A_350 = arith.constant 0 : i32
            scf.yield %while3A_350 : i32
          }
        } else {
        }
        %add3A_271 = arith.constant 2 : i32
        %add3A_272 = arith.addi %mul3A_207, %add3A_271 : i32
        %add3A_273 = arith.constant 3 : i32
        %add3A_274 = arith.addi %add3A_272, %add3A_273 : i32
        %lt3A_275 = arith.cmpi slt, %add3A_274, %select_n3A_79 : i32
        %convert_element_type3A_276 = arith.extui %lt3A_275 : i1 to i32
        %cond3A_277 = arith.constant 0 : i32
        %cond3A_278 = arith.cmpi ne, %convert_element_type3A_276, %cond3A_277 : i32
        scf.if %cond3A_278 {
          %add3A_279 = arith.constant 2 : i32
          %add3A_280 = arith.addi %mul3A_207, %add3A_279 : i32
          %add3A_281 = arith.constant 3 : i32
          %add3A_282 = arith.addi %add3A_280, %add3A_281 : i32
          %mul3A_283 = arith.constant 512 : i32
          %mul3A_284 = arith.muli %add3A_282, %mul3A_283 : i32
          %sub3A_285 = arith.constant 512 : i32
          %sub3A_286 = arith.subi %sub3A_51, %sub3A_285 : i32
          %min3A_287 = arith.minsi %mul3A_284, %sub3A_286 : i32
          %add3A_288 = arith.addi %mul3A_20, %min3A_287 : i32
          %dma_start3A_289 = arith.constant 2 : i32
          %dma_start3A_290 = arith.constant 0 : i32
          %dma_start3A_291 = arith.constant 0 : i32
          %dma_start3A_292 = tpu.memref_slice %arg11[%dma_start3A_289, %dma_start3A_290, %dma_start3A_291] : memref<3x64x512xf32, #tpu.memory_space<vmem>> -> memref<1x32x512xf32, #tpu.memory_space<vmem>>
          %dma_start3A_293 = tpu.memref_squeeze %dma_start3A_292 : memref<1x32x512xf32, #tpu.memory_space<vmem>> -> memref<32x512xf32, #tpu.memory_space<vmem>>
          %dma_start3A_294 = arith.constant 0 : i32
          %dma_start3A_295 = tpu.memref_slice %arg2[%dma_start3A_294, %add3A_288] : memref<64x2000000xf32, #tpu.memory_space<hbm>> -> memref<32x512xf32, #tpu.memory_space<hbm>>
          %dma_start3A_296 = arith.constant 0 : i32
          %dma_start3A_297 = arith.constant 0 : i32
          %dma_start3A_298 = tpu.memref_slice %arg11[%dma_start3A_289, %dma_start3A_296, %dma_start3A_297] : memref<3x64x512xf32, #tpu.memory_space<vmem>> -> memref<1x32x512xf32, #tpu.memory_space<vmem>>
          %dma_start3A_299 = tpu.memref_squeeze %dma_start3A_298 : memref<1x32x512xf32, #tpu.memory_space<vmem>> -> memref<32x512xf32, #tpu.memory_space<vmem>>
          %dma_start3A_300 = arith.constant 0 : i32
          %dma_start3A_301 = tpu.memref_slice %arg2[%dma_start3A_300, %add3A_288] : memref<64x2000000xf32, #tpu.memory_space<hbm>> -> memref<32x512xf32, #tpu.memory_space<hbm>>
          tpu.enqueue_dma source(%dma_start3A_301 : memref<32x512xf32, #tpu.memory_space<hbm>>) target(%dma_start3A_299 : memref<32x512xf32, #tpu.memory_space<vmem>>) target_semaphore(%arg15 : memref<!tpu.dma_semaphore, #tpu.memory_space<semaphore_mem>>)
          %mul3A_302 = arith.constant 512 : i32
          %mul3A_303 = arith.muli %add3A_282, %mul3A_302 : i32
          %sub3A_304 = arith.constant 512 : i32
          %sub3A_305 = arith.subi %sub3A_51, %sub3A_304 : i32
          %min3A_306 = arith.minsi %mul3A_303, %sub3A_305 : i32
          %add3A_307 = arith.addi %mul3A_20, %min3A_306 : i32
          %dma_start3A_308 = arith.constant 2 : i32
          %dma_start3A_309 = arith.constant 32 : i32
          %dma_start3A_310 = arith.constant 0 : i32
          %dma_start3A_311 = tpu.memref_slice %arg11[%dma_start3A_308, %dma_start3A_309, %dma_start3A_310] : memref<3x64x512xf32, #tpu.memory_space<vmem>> -> memref<1x32x512xf32, #tpu.memory_space<vmem>>
          %dma_start3A_312 = tpu.memref_squeeze %dma_start3A_311 : memref<1x32x512xf32, #tpu.memory_space<vmem>> -> memref<32x512xf32, #tpu.memory_space<vmem>>
          %dma_start3A_313 = arith.constant 32 : i32
          %dma_start3A_314 = tpu.memref_slice %arg2[%dma_start3A_313, %add3A_307] : memref<64x2000000xf32, #tpu.memory_space<hbm>> -> memref<32x512xf32, #tpu.memory_space<hbm>>
          %dma_start3A_315 = arith.constant 32 : i32
          %dma_start3A_316 = arith.constant 0 : i32
          %dma_start3A_317 = tpu.memref_slice %arg11[%dma_start3A_308, %dma_start3A_315, %dma_start3A_316] : memref<3x64x512xf32, #tpu.memory_space<vmem>> -> memref<1x32x512xf32, #tpu.memory_space<vmem>>
          %dma_start3A_318 = tpu.memref_squeeze %dma_start3A_317 : memref<1x32x512xf32, #tpu.memory_space<vmem>> -> memref<32x512xf32, #tpu.memory_space<vmem>>
          %dma_start3A_319 = arith.constant 32 : i32
          %dma_start3A_320 = tpu.memref_slice %arg2[%dma_start3A_319, %add3A_307] : memref<64x2000000xf32, #tpu.memory_space<hbm>> -> memref<32x512xf32, #tpu.memory_space<hbm>>
          tpu.enqueue_dma source(%dma_start3A_320 : memref<32x512xf32, #tpu.memory_space<hbm>>) target(%dma_start3A_318 : memref<32x512xf32, #tpu.memory_space<vmem>>) target_semaphore(%arg15 : memref<!tpu.dma_semaphore, #tpu.memory_space<semaphore_mem>>)
        } else {
        }
      } else {
      }
      %while3A_225 = arith.constant 0 : i32
      scf.yield %while3A_225 : i32
    }
    return
  }
}

#map = affine_map<(d0, d1) -> (0, 0)>
#map1 = affine_map<(d0, d1) -> (0)>
module attributes {stable_mosaic.version = 14 : i64} {
  func.func @_gmf_body(%arg0: i32, %arg1: i32, %arg2: memref<32768x128xf32, #tpu.memory_space<hbm>>, %arg3: memref<80xf32, #tpu.memory_space<hbm>>, %arg4: memref<16384xf32, #tpu.memory_space<hbm>>, %arg5: memref<2x128x128xf32, #tpu.memory_space<vmem>>, %arg6: memref<2x128x128xf32, #tpu.memory_space<vmem>>, %arg7: memref<80xf32, #tpu.memory_space<vmem>>, %arg8: memref<256xf32, #tpu.memory_space<vmem>>, %arg9: memref<512xf32, #tpu.memory_space<vmem>>, %arg10: memref<!tpu.dma_semaphore, #tpu.memory_space<semaphore_mem>>, %arg11: memref<!tpu.dma_semaphore, #tpu.memory_space<semaphore_mem>>) attributes {dimension_semantics = [#tpu.dimension_semantics<core_parallel>, #tpu.dimension_semantics<subcore_parallel>], iteration_bounds = array<i64: 2, 16>, scalar_prefetch = 0 : i64, scratch_operands = 7 : i64, tpu.core_type = #tpu.core_type<sc_vector_subcore>, window_params = [{transform_indices = #map}, {transform_indices = #map1}, {transform_indices = #map1}]} {
    %mul3A = arith.constant 2 : i32
    %mul3A_0 = arith.muli %arg1, %mul3A : i32
    %add3A = arith.addi %mul3A_0, %arg0 : i32
    %mul3A_1 = arith.constant 512 : i32
    %mul3A_2 = arith.muli %add3A, %mul3A_1 : i32
    %iota3A = tpu.iota {dimensions = array<i32: 0>} : vector<16xi32>
    "tpu.region"() ({
      %run_scoped3A = tpu.sem_alloc : memref<!tpu.dma_semaphore, #tpu.memory_space<semaphore_mem>>
      tpu.enqueue_dma source(%arg3 : memref<80xf32, #tpu.memory_space<hbm>>) target(%arg7 : memref<80xf32, #tpu.memory_space<vmem>>) target_semaphore(%run_scoped3A : memref<!tpu.dma_semaphore, #tpu.memory_space<semaphore_mem>>)
      tpu.wait_dma2 semaphore(%run_scoped3A : memref<!tpu.dma_semaphore, #tpu.memory_space<semaphore_mem>>) src(%arg3 : memref<80xf32, #tpu.memory_space<hbm>>) dst(%arg7 : memref<80xf32, #tpu.memory_space<vmem>>)
      tpu.yield
    }) : () -> ()
    %add3A_3 = arith.constant 0 : i32
    %add3A_4 = arith.addi %mul3A_2, %add3A_3 : i32
    %dma_start3A = arith.constant 0 : i32
    %dma_start3A_5 = arith.constant 0 : i32
    %dma_start3A_6 = arith.constant 0 : i32
    %dma_start3A_7 = tpu.memref_slice %arg5[%dma_start3A, %dma_start3A_5, %dma_start3A_6] : memref<2x128x128xf32, #tpu.memory_space<vmem>> -> memref<1x128x128xf32, #tpu.memory_space<vmem>>
    %dma_start3A_8 = tpu.memref_squeeze %dma_start3A_7 : memref<1x128x128xf32, #tpu.memory_space<vmem>> -> memref<128x128xf32, #tpu.memory_space<vmem>>
    %dma_start3A_9 = arith.constant 0 : i32
    %dma_start3A_10 = tpu.memref_slice %arg2[%add3A_4, %dma_start3A_9] : memref<32768x128xf32, #tpu.memory_space<hbm>> -> memref<128x128xf32, #tpu.memory_space<hbm>>
    %dma_start3A_11 = arith.constant 0 : i32
    %dma_start3A_12 = arith.constant 0 : i32
    %dma_start3A_13 = tpu.memref_slice %arg5[%dma_start3A, %dma_start3A_11, %dma_start3A_12] : memref<2x128x128xf32, #tpu.memory_space<vmem>> -> memref<1x128x128xf32, #tpu.memory_space<vmem>>
    %dma_start3A_14 = tpu.memref_squeeze %dma_start3A_13 : memref<1x128x128xf32, #tpu.memory_space<vmem>> -> memref<128x128xf32, #tpu.memory_space<vmem>>
    %dma_start3A_15 = arith.constant 0 : i32
    %dma_start3A_16 = tpu.memref_slice %arg2[%add3A_4, %dma_start3A_15] : memref<32768x128xf32, #tpu.memory_space<hbm>> -> memref<128x128xf32, #tpu.memory_space<hbm>>
    tpu.enqueue_dma source(%dma_start3A_16 : memref<128x128xf32, #tpu.memory_space<hbm>>) target(%dma_start3A_14 : memref<128x128xf32, #tpu.memory_space<vmem>>) target_semaphore(%arg10 : memref<!tpu.dma_semaphore, #tpu.memory_space<semaphore_mem>>)
    %add3A_17 = arith.constant 16384 : i32
    %add3A_18 = arith.addi %add3A_17, %mul3A_2 : i32
    %add3A_19 = arith.constant 0 : i32
    %add3A_20 = arith.addi %add3A_18, %add3A_19 : i32
    %dma_start3A_21 = arith.constant 0 : i32
    %dma_start3A_22 = arith.constant 0 : i32
    %dma_start3A_23 = arith.constant 0 : i32
    %dma_start3A_24 = tpu.memref_slice %arg6[%dma_start3A_21, %dma_start3A_22, %dma_start3A_23] : memref<2x128x128xf32, #tpu.memory_space<vmem>> -> memref<1x128x128xf32, #tpu.memory_space<vmem>>
    %dma_start3A_25 = tpu.memref_squeeze %dma_start3A_24 : memref<1x128x128xf32, #tpu.memory_space<vmem>> -> memref<128x128xf32, #tpu.memory_space<vmem>>
    %dma_start3A_26 = arith.constant 0 : i32
    %dma_start3A_27 = tpu.memref_slice %arg2[%add3A_20, %dma_start3A_26] : memref<32768x128xf32, #tpu.memory_space<hbm>> -> memref<128x128xf32, #tpu.memory_space<hbm>>
    %dma_start3A_28 = arith.constant 0 : i32
    %dma_start3A_29 = arith.constant 0 : i32
    %dma_start3A_30 = tpu.memref_slice %arg6[%dma_start3A_21, %dma_start3A_28, %dma_start3A_29] : memref<2x128x128xf32, #tpu.memory_space<vmem>> -> memref<1x128x128xf32, #tpu.memory_space<vmem>>
    %dma_start3A_31 = tpu.memref_squeeze %dma_start3A_30 : memref<1x128x128xf32, #tpu.memory_space<vmem>> -> memref<128x128xf32, #tpu.memory_space<vmem>>
    %dma_start3A_32 = arith.constant 0 : i32
    %dma_start3A_33 = tpu.memref_slice %arg2[%add3A_20, %dma_start3A_32] : memref<32768x128xf32, #tpu.memory_space<hbm>> -> memref<128x128xf32, #tpu.memory_space<hbm>>
    tpu.enqueue_dma source(%dma_start3A_33 : memref<128x128xf32, #tpu.memory_space<hbm>>) target(%dma_start3A_31 : memref<128x128xf32, #tpu.memory_space<vmem>>) target_semaphore(%arg10 : memref<!tpu.dma_semaphore, #tpu.memory_space<semaphore_mem>>)
    %add3A_34 = arith.constant 128 : i32
    %add3A_35 = arith.addi %mul3A_2, %add3A_34 : i32
    %dma_start3A_36 = arith.constant 1 : i32
    %dma_start3A_37 = arith.constant 0 : i32
    %dma_start3A_38 = arith.constant 0 : i32
    %dma_start3A_39 = tpu.memref_slice %arg5[%dma_start3A_36, %dma_start3A_37, %dma_start3A_38] : memref<2x128x128xf32, #tpu.memory_space<vmem>> -> memref<1x128x128xf32, #tpu.memory_space<vmem>>
    %dma_start3A_40 = tpu.memref_squeeze %dma_start3A_39 : memref<1x128x128xf32, #tpu.memory_space<vmem>> -> memref<128x128xf32, #tpu.memory_space<vmem>>
    %dma_start3A_41 = arith.constant 0 : i32
    %dma_start3A_42 = tpu.memref_slice %arg2[%add3A_35, %dma_start3A_41] : memref<32768x128xf32, #tpu.memory_space<hbm>> -> memref<128x128xf32, #tpu.memory_space<hbm>>
    %dma_start3A_43 = arith.constant 0 : i32
    %dma_start3A_44 = arith.constant 0 : i32
    %dma_start3A_45 = tpu.memref_slice %arg5[%dma_start3A_36, %dma_start3A_43, %dma_start3A_44] : memref<2x128x128xf32, #tpu.memory_space<vmem>> -> memref<1x128x128xf32, #tpu.memory_space<vmem>>
    %dma_start3A_46 = tpu.memref_squeeze %dma_start3A_45 : memref<1x128x128xf32, #tpu.memory_space<vmem>> -> memref<128x128xf32, #tpu.memory_space<vmem>>
    %dma_start3A_47 = arith.constant 0 : i32
    %dma_start3A_48 = tpu.memref_slice %arg2[%add3A_35, %dma_start3A_47] : memref<32768x128xf32, #tpu.memory_space<hbm>> -> memref<128x128xf32, #tpu.memory_space<hbm>>
    tpu.enqueue_dma source(%dma_start3A_48 : memref<128x128xf32, #tpu.memory_space<hbm>>) target(%dma_start3A_46 : memref<128x128xf32, #tpu.memory_space<vmem>>) target_semaphore(%arg11 : memref<!tpu.dma_semaphore, #tpu.memory_space<semaphore_mem>>)
    %add3A_49 = arith.constant 16384 : i32
    %add3A_50 = arith.addi %add3A_49, %mul3A_2 : i32
    %add3A_51 = arith.constant 128 : i32
    %add3A_52 = arith.addi %add3A_50, %add3A_51 : i32
    %dma_start3A_53 = arith.constant 1 : i32
    %dma_start3A_54 = arith.constant 0 : i32
    %dma_start3A_55 = arith.constant 0 : i32
    %dma_start3A_56 = tpu.memref_slice %arg6[%dma_start3A_53, %dma_start3A_54, %dma_start3A_55] : memref<2x128x128xf32, #tpu.memory_space<vmem>> -> memref<1x128x128xf32, #tpu.memory_space<vmem>>
    %dma_start3A_57 = tpu.memref_squeeze %dma_start3A_56 : memref<1x128x128xf32, #tpu.memory_space<vmem>> -> memref<128x128xf32, #tpu.memory_space<vmem>>
    %dma_start3A_58 = arith.constant 0 : i32
    %dma_start3A_59 = tpu.memref_slice %arg2[%add3A_52, %dma_start3A_58] : memref<32768x128xf32, #tpu.memory_space<hbm>> -> memref<128x128xf32, #tpu.memory_space<hbm>>
    %dma_start3A_60 = arith.constant 0 : i32
    %dma_start3A_61 = arith.constant 0 : i32
    %dma_start3A_62 = tpu.memref_slice %arg6[%dma_start3A_53, %dma_start3A_60, %dma_start3A_61] : memref<2x128x128xf32, #tpu.memory_space<vmem>> -> memref<1x128x128xf32, #tpu.memory_space<vmem>>
    %dma_start3A_63 = tpu.memref_squeeze %dma_start3A_62 : memref<1x128x128xf32, #tpu.memory_space<vmem>> -> memref<128x128xf32, #tpu.memory_space<vmem>>
    %dma_start3A_64 = arith.constant 0 : i32
    %dma_start3A_65 = tpu.memref_slice %arg2[%add3A_52, %dma_start3A_64] : memref<32768x128xf32, #tpu.memory_space<hbm>> -> memref<128x128xf32, #tpu.memory_space<hbm>>
    tpu.enqueue_dma source(%dma_start3A_65 : memref<128x128xf32, #tpu.memory_space<hbm>>) target(%dma_start3A_63 : memref<128x128xf32, #tpu.memory_space<vmem>>) target_semaphore(%arg11 : memref<!tpu.dma_semaphore, #tpu.memory_space<semaphore_mem>>)
    %get3A = arith.constant 0 : index
    %get3A_66 = tpu.vector_load %arg7[%get3A] {strides = array<i32>} : memref<80xf32, #tpu.memory_space<vmem>>, vector<16xf32>,
    %get3A_67 = arith.constant 16 : index
    %get3A_68 = tpu.vector_load %arg7[%get3A_67] {strides = array<i32>} : memref<80xf32, #tpu.memory_space<vmem>>, vector<16xf32>,
    %get3A_69 = arith.constant 32 : index
    %get3A_70 = tpu.vector_load %arg7[%get3A_69] {strides = array<i32>} : memref<80xf32, #tpu.memory_space<vmem>>, vector<16xf32>,
    %get3A_71 = arith.constant 48 : index
    %get3A_72 = tpu.vector_load %arg7[%get3A_71] {strides = array<i32>} : memref<80xf32, #tpu.memory_space<vmem>>, vector<16xf32>,
    %get3A_73 = arith.constant 64 : index
    %get3A_74 = tpu.vector_load %arg7[%get3A_73] {strides = array<i32>} : memref<80xf32, #tpu.memory_space<vmem>>, vector<16xf32>,
    %scan3A = arith.constant 0 : i32
    %scan3A_75 = arith.constant 0 : i32
    %scan3A_76 = arith.constant 2 : i32
    %scan3A_77 = arith.addi %scan3A_75, %scan3A_76 : i32
    %scan3A_78 = arith.constant 1 : i32
    %scan3A_79 = scf.for %scan3A_81 = %scan3A_75 to %scan3A_77 step %scan3A_78 iter_args(%scan3A_82 = %scan3A) -> (i32)  : i32 {
      %mul3A_83 = arith.constant 2 : i32
      %mul3A_84 = arith.muli %mul3A_83, %scan3A_81 : i32
      %mul3A_85 = arith.constant 128 : i32
      %mul3A_86 = arith.muli %mul3A_84, %mul3A_85 : i32
      %add3A_87 = arith.addi %mul3A_2, %mul3A_86 : i32
      %dma_wait3A = arith.constant 0 : i32
      %dma_wait3A_88 = arith.constant 0 : i32
      %dma_wait3A_89 = arith.constant 0 : i32
      %dma_wait3A_90 = tpu.memref_slice %arg5[%dma_wait3A, %dma_wait3A_88, %dma_wait3A_89] : memref<2x128x128xf32, #tpu.memory_space<vmem>> -> memref<1x128x128xf32, #tpu.memory_space<vmem>>
      %dma_wait3A_91 = tpu.memref_squeeze %dma_wait3A_90 : memref<1x128x128xf32, #tpu.memory_space<vmem>> -> memref<128x128xf32, #tpu.memory_space<vmem>>
      %dma_wait3A_92 = arith.constant 0 : i32
      %dma_wait3A_93 = tpu.memref_slice %arg2[%add3A_87, %dma_wait3A_92] : memref<32768x128xf32, #tpu.memory_space<hbm>> -> memref<128x128xf32, #tpu.memory_space<hbm>>
      %dma_wait3A_94 = arith.constant 0 : i32
      %dma_wait3A_95 = arith.constant 0 : i32
      %dma_wait3A_96 = tpu.memref_slice %arg5[%dma_wait3A, %dma_wait3A_94, %dma_wait3A_95] : memref<2x128x128xf32, #tpu.memory_space<vmem>> -> memref<1x128x128xf32, #tpu.memory_space<vmem>>
      %dma_wait3A_97 = tpu.memref_squeeze %dma_wait3A_96 : memref<1x128x128xf32, #tpu.memory_space<vmem>> -> memref<128x128xf32, #tpu.memory_space<vmem>>
      %dma_wait3A_98 = arith.constant 0 : i32
      %dma_wait3A_99 = tpu.memref_slice %arg2[%add3A_87, %dma_wait3A_98] : memref<32768x128xf32, #tpu.memory_space<hbm>> -> memref<128x128xf32, #tpu.memory_space<hbm>>
      tpu.wait_dma2 semaphore(%arg10 : memref<!tpu.dma_semaphore, #tpu.memory_space<semaphore_mem>>) src(%dma_wait3A_99 : memref<128x128xf32, #tpu.memory_space<hbm>>) dst(%dma_wait3A_97 : memref<128x128xf32, #tpu.memory_space<vmem>>)
      %add3A_100 = arith.constant 16384 : i32
      %add3A_101 = arith.addi %add3A_100, %mul3A_2 : i32
      %mul3A_102 = arith.constant 128 : i32
      %mul3A_103 = arith.muli %mul3A_84, %mul3A_102 : i32
      %add3A_104 = arith.addi %add3A_101, %mul3A_103 : i32
      %dma_wait3A_105 = arith.constant 0 : i32
      %dma_wait3A_106 = arith.constant 0 : i32
      %dma_wait3A_107 = arith.constant 0 : i32
      %dma_wait3A_108 = tpu.memref_slice %arg6[%dma_wait3A_105, %dma_wait3A_106, %dma_wait3A_107] : memref<2x128x128xf32, #tpu.memory_space<vmem>> -> memref<1x128x128xf32, #tpu.memory_space<vmem>>
      %dma_wait3A_109 = tpu.memref_squeeze %dma_wait3A_108 : memref<1x128x128xf32, #tpu.memory_space<vmem>> -> memref<128x128xf32, #tpu.memory_space<vmem>>
      %dma_wait3A_110 = arith.constant 0 : i32
      %dma_wait3A_111 = tpu.memref_slice %arg2[%add3A_104, %dma_wait3A_110] : memref<32768x128xf32, #tpu.memory_space<hbm>> -> memref<128x128xf32, #tpu.memory_space<hbm>>
      %dma_wait3A_112 = arith.constant 0 : i32
      %dma_wait3A_113 = arith.constant 0 : i32
      %dma_wait3A_114 = tpu.memref_slice %arg6[%dma_wait3A_105, %dma_wait3A_112, %dma_wait3A_113] : memref<2x128x128xf32, #tpu.memory_space<vmem>> -> memref<1x128x128xf32, #tpu.memory_space<vmem>>
      %dma_wait3A_115 = tpu.memref_squeeze %dma_wait3A_114 : memref<1x128x128xf32, #tpu.memory_space<vmem>> -> memref<128x128xf32, #tpu.memory_space<vmem>>
      %dma_wait3A_116 = arith.constant 0 : i32
      %dma_wait3A_117 = tpu.memref_slice %arg2[%add3A_104, %dma_wait3A_116] : memref<32768x128xf32, #tpu.memory_space<hbm>> -> memref<128x128xf32, #tpu.memory_space<hbm>>
      tpu.wait_dma2 semaphore(%arg10 : memref<!tpu.dma_semaphore, #tpu.memory_space<semaphore_mem>>) src(%dma_wait3A_117 : memref<128x128xf32, #tpu.memory_space<hbm>>) dst(%dma_wait3A_115 : memref<128x128xf32, #tpu.memory_space<vmem>>)
      %scan3A_118 = arith.constant 0 : i32
      %scan3A_119 = arith.constant 0 : i32
      %scan3A_120 = arith.constant 0 : i32
      %scan3A_121 = arith.constant 0 : i32
      %scan3A_122 = arith.constant 8 : i32
      %scan3A_123 = arith.addi %scan3A_121, %scan3A_122 : i32
      %scan3A_124 = arith.constant 1 : i32
      %scan3A_125 = scf.for %scan3A_186 = %scan3A_121 to %scan3A_123 step %scan3A_124 iter_args(%scan3A_187 = %scan3A_120) -> (i32)  : i32 {
        %scan3A_188 = arith.constant 0 : i32
        %scan3A_189 = arith.constant 0 : i32
        %scan3A_190 = arith.constant 16 : i32
        %scan3A_191 = arith.addi %scan3A_189, %scan3A_190 : i32
        %scan3A_192 = arith.constant 1 : i32
        %scan3A_193 = scf.for %scan3A_215 = %scan3A_189 to %scan3A_191 step %scan3A_192 iter_args(%scan3A_216 = %scan3A_188) -> (i32)  : i32 {
          %mul3A_217 = arith.constant 16 : i32
          %mul3A_218 = arith.muli %scan3A_186, %mul3A_217 : i32
          %add3A_219 = arith.addi %mul3A_218, %scan3A_215 : i32
          %get3A_220 = arith.constant 0 : i32
          %get3A_221 = arith.constant 0 : i32
          %get3A_222 = tpu.memref_slice %arg5[%scan3A_118, %get3A_220, %get3A_221] : memref<2x128x128xf32, #tpu.memory_space<vmem>> -> memref<1x128x128xf32, #tpu.memory_space<vmem>>
          %get3A_223 = tpu.memref_squeeze %get3A_222 : memref<1x128x128xf32, #tpu.memory_space<vmem>> -> memref<128x128xf32, #tpu.memory_space<vmem>>
          %get3A_224 = arith.index_cast %add3A_219 : i32 to index
          %get3A_225 = arith.constant 0 : index
          %get3A_226 = tpu.vector_load %get3A_223[%get3A_224, %get3A_225] {strides = array<i32>} : memref<128x128xf32, #tpu.memory_space<vmem>>, vector<16xf32>,
          %get3A_227 = arith.constant 0 : i32
          %get3A_228 = arith.constant 0 : i32
          %get3A_229 = tpu.memref_slice %arg6[%scan3A_119, %get3A_227, %get3A_228] : memref<2x128x128xf32, #tpu.memory_space<vmem>> -> memref<1x128x128xf32, #tpu.memory_space<vmem>>
          %get3A_230 = tpu.memref_squeeze %get3A_229 : memref<1x128x128xf32, #tpu.memory_space<vmem>> -> memref<128x128xf32, #tpu.memory_space<vmem>>
          %get3A_231 = arith.index_cast %add3A_219 : i32 to index
          %get3A_232 = arith.constant 0 : index
          %get3A_233 = tpu.vector_load %get3A_230[%get3A_231, %get3A_232] {strides = array<i32>} : memref<128x128xf32, #tpu.memory_space<vmem>>, vector<16xf32>,
          %mul3A_234 = arith.mulf %get3A_226, %get3A_233 : vector<16xf32>
          %mul3A_235 = arith.mulf %mul3A_234, %get3A_66 : vector<16xf32>
          %get3A_236 = arith.constant 0 : i32
          %get3A_237 = arith.constant 0 : i32
          %get3A_238 = tpu.memref_slice %arg5[%scan3A_118, %get3A_236, %get3A_237] : memref<2x128x128xf32, #tpu.memory_space<vmem>> -> memref<1x128x128xf32, #tpu.memory_space<vmem>>
          %get3A_239 = tpu.memref_squeeze %get3A_238 : memref<1x128x128xf32, #tpu.memory_space<vmem>> -> memref<128x128xf32, #tpu.memory_space<vmem>>
          %get3A_240 = arith.index_cast %add3A_219 : i32 to index
          %get3A_241 = arith.constant 16 : index
          %get3A_242 = tpu.vector_load %get3A_239[%get3A_240, %get3A_241] {strides = array<i32>} : memref<128x128xf32, #tpu.memory_space<vmem>>, vector<16xf32>,
          %get3A_243 = arith.constant 0 : i32
          %get3A_244 = arith.constant 0 : i32
          %get3A_245 = tpu.memref_slice %arg6[%scan3A_119, %get3A_243, %get3A_244] : memref<2x128x128xf32, #tpu.memory_space<vmem>> -> memref<1x128x128xf32, #tpu.memory_space<vmem>>
          %get3A_246 = tpu.memref_squeeze %get3A_245 : memref<1x128x128xf32, #tpu.memory_space<vmem>> -> memref<128x128xf32, #tpu.memory_space<vmem>>
          %get3A_247 = arith.index_cast %add3A_219 : i32 to index
          %get3A_248 = arith.constant 16 : index
          %get3A_249 = tpu.vector_load %get3A_246[%get3A_247, %get3A_248] {strides = array<i32>} : memref<128x128xf32, #tpu.memory_space<vmem>>, vector<16xf32>,
          %mul3A_250 = arith.mulf %get3A_242, %get3A_249 : vector<16xf32>
          %mul3A_251 = arith.mulf %mul3A_250, %get3A_68 : vector<16xf32>
          %add3A_252 = arith.addf %mul3A_235, %mul3A_251 : vector<16xf32>
          %get3A_253 = arith.constant 0 : i32
          %get3A_254 = arith.constant 0 : i32
          %get3A_255 = tpu.memref_slice %arg5[%scan3A_118, %get3A_253, %get3A_254] : memref<2x128x128xf32, #tpu.memory_space<vmem>> -> memref<1x128x128xf32, #tpu.memory_space<vmem>>
          %get3A_256 = tpu.memref_squeeze %get3A_255 : memref<1x128x128xf32, #tpu.memory_space<vmem>> -> memref<128x128xf32, #tpu.memory_space<vmem>>
          %get3A_257 = arith.index_cast %add3A_219 : i32 to index
          %get3A_258 = arith.constant 32 : index
          %get3A_259 = tpu.vector_load %get3A_256[%get3A_257, %get3A_258] {strides = array<i32>} : memref<128x128xf32, #tpu.memory_space<vmem>>, vector<16xf32>,
          %get3A_260 = arith.constant 0 : i32
          %get3A_261 = arith.constant 0 : i32
          %get3A_262 = tpu.memref_slice %arg6[%scan3A_119, %get3A_260, %get3A_261] : memref<2x128x128xf32, #tpu.memory_space<vmem>> -> memref<1x128x128xf32, #tpu.memory_space<vmem>>
          %get3A_263 = tpu.memref_squeeze %get3A_262 : memref<1x128x128xf32, #tpu.memory_space<vmem>> -> memref<128x128xf32, #tpu.memory_space<vmem>>
          %get3A_264 = arith.index_cast %add3A_219 : i32 to index
          %get3A_265 = arith.constant 32 : index
          %get3A_266 = tpu.vector_load %get3A_263[%get3A_264, %get3A_265] {strides = array<i32>} : memref<128x128xf32, #tpu.memory_space<vmem>>, vector<16xf32>,
          %mul3A_267 = arith.mulf %get3A_259, %get3A_266 : vector<16xf32>
          %mul3A_268 = arith.mulf %mul3A_267, %get3A_70 : vector<16xf32>
          %add3A_269 = arith.addf %add3A_252, %mul3A_268 : vector<16xf32>
          %get3A_270 = arith.constant 0 : i32
          %get3A_271 = arith.constant 0 : i32
          %get3A_272 = tpu.memref_slice %arg5[%scan3A_118, %get3A_270, %get3A_271] : memref<2x128x128xf32, #tpu.memory_space<vmem>> -> memref<1x128x128xf32, #tpu.memory_space<vmem>>
          %get3A_273 = tpu.memref_squeeze %get3A_272 : memref<1x128x128xf32, #tpu.memory_space<vmem>> -> memref<128x128xf32, #tpu.memory_space<vmem>>
          %get3A_274 = arith.index_cast %add3A_219 : i32 to index
          %get3A_275 = arith.constant 48 : index
          %get3A_276 = tpu.vector_load %get3A_273[%get3A_274, %get3A_275] {strides = array<i32>} : memref<128x128xf32, #tpu.memory_space<vmem>>, vector<16xf32>,
          %get3A_277 = arith.constant 0 : i32
          %get3A_278 = arith.constant 0 : i32
          %get3A_279 = tpu.memref_slice %arg6[%scan3A_119, %get3A_277, %get3A_278] : memref<2x128x128xf32, #tpu.memory_space<vmem>> -> memref<1x128x128xf32, #tpu.memory_space<vmem>>
          %get3A_280 = tpu.memref_squeeze %get3A_279 : memref<1x128x128xf32, #tpu.memory_space<vmem>> -> memref<128x128xf32, #tpu.memory_space<vmem>>
          %get3A_281 = arith.index_cast %add3A_219 : i32 to index
          %get3A_282 = arith.constant 48 : index
          %get3A_283 = tpu.vector_load %get3A_280[%get3A_281, %get3A_282] {strides = array<i32>} : memref<128x128xf32, #tpu.memory_space<vmem>>, vector<16xf32>,
          %mul3A_284 = arith.mulf %get3A_276, %get3A_283 : vector<16xf32>
          %mul3A_285 = arith.mulf %mul3A_284, %get3A_72 : vector<16xf32>
          %add3A_286 = arith.addf %add3A_269, %mul3A_285 : vector<16xf32>
          %mul3A_287 = arith.constant 16 : i32
          %mul3A_288 = vector.broadcast %mul3A_287 : i32 to vector<16xi32>
          %mul3A_289 = arith.muli %iota3A, %mul3A_288 : vector<16xi32>
          %add3A_290 = vector.broadcast %scan3A_215 : i32 to vector<16xi32>
          %add3A_291 = arith.addi %mul3A_289, %add3A_290 : vector<16xi32>
          tpu.vector_store_idx %arg8[%add3A_291], %add3A_286 : memref<256xf32, #tpu.memory_space<vmem>>[vector<16xi32>], vector<16xf32>,
          %scan3A_292 = arith.constant 0 : i32
          scf.yield %scan3A_292 : i32
        }
        %scan3A_194 = arith.constant 16 : i32
        %scan3A_195 = arith.constant 0 : i32
        %scan3A_196 = arith.constant 16 : i32
        %scan3A_197 = arith.addi %scan3A_195, %scan3A_196 : i32
        %scan3A_198 = arith.constant 1 : i32
        %scan3A_199 = scf.for %scan3A_215 = %scan3A_195 to %scan3A_197 step %scan3A_198 iter_args(%scan3A_216 = %get3A_74) -> (vector<16xf32>)  : i32 {
          %mul3A_217 = arith.constant 16 : i32
          %mul3A_218 = arith.muli %scan3A_215, %mul3A_217 : i32
          %get3A_219 = arith.index_cast %mul3A_218 : i32 to index
          %get3A_220 = tpu.vector_load %arg8[%get3A_219] {strides = array<i32>} : memref<256xf32, #tpu.memory_space<vmem>>, vector<16xf32>,
          %add3A_221 = arith.addf %scan3A_216, %get3A_220 : vector<16xf32>
          scf.yield %add3A_221 : vector<16xf32>
        }
        %scan3A_200 = arith.constant 16 : i32
        %neg3A = arith.constant 0.000000e+00 : f32
        %neg3A_201 = vector.broadcast %neg3A : f32 to vector<16xf32>
        %neg3A_202 = arith.subf %neg3A_201, %scan3A_199 : vector<16xf32>
        %exp3A = math.exp %neg3A_202 : vector<16xf32>
        %add3A_203 = arith.constant 1.000000e+00 : f32
        %add3A_204 = vector.broadcast %add3A_203 : f32 to vector<16xf32>
        %add3A_205 = arith.addf %add3A_204, %exp3A : vector<16xf32>
        %div3A = arith.constant 1.000000e+00 : f32
        %div3A_206 = vector.broadcast %div3A : f32 to vector<16xf32>
        %div3A_207 = arith.divf %div3A_206, %add3A_205 : vector<16xf32>
        %mul3A_208 = arith.constant 128 : i32
        %mul3A_209 = arith.muli %mul3A_84, %mul3A_208 : i32
        %mul3A_210 = arith.constant 16 : i32
        %mul3A_211 = arith.muli %scan3A_186, %mul3A_210 : i32
        %add3A_212 = arith.addi %mul3A_209, %mul3A_211 : i32
        %swap3A = arith.index_cast %add3A_212 : i32 to index
        %swap3A_213 = tpu.vector_load %arg9[%swap3A] {strides = array<i32>} : memref<512xf32, #tpu.memory_space<vmem>>, vector<16xf32>,
        tpu.vector_store %arg9[%swap3A], %div3A_207 {strides = array<i32>} : memref<512xf32, #tpu.memory_space<vmem>>, vector<16xf32>,
        %scan3A_214 = arith.constant 0 : i32
        scf.yield %scan3A_214 : i32
      }
      %scan3A_126 = arith.constant 8 : i32
      %add3A_127 = arith.constant 2 : i32
      %add3A_128 = arith.addi %mul3A_84, %add3A_127 : i32
      %lt3A = arith.constant 4 : i32
      %lt3A_129 = arith.cmpi slt, %add3A_128, %lt3A : i32
      %convert_element_type3A = arith.extui %lt3A_129 : i1 to i32
      %cond3A = arith.constant 0 : i32
      %cond3A_130 = arith.cmpi ne, %convert_element_type3A, %cond3A : i32
      scf.if %cond3A_130 {
        %add3A_186 = arith.constant 2 : i32
        %add3A_187 = arith.addi %mul3A_84, %add3A_186 : i32
        %mul3A_188 = arith.constant 128 : i32
        %mul3A_189 = arith.muli %add3A_187, %mul3A_188 : i32
        %add3A_190 = arith.addi %mul3A_2, %mul3A_189 : i32
        %dma_start3A_191 = arith.constant 0 : i32
        %dma_start3A_192 = arith.constant 0 : i32
        %dma_start3A_193 = arith.constant 0 : i32
        %dma_start3A_194 = tpu.memref_slice %arg5[%dma_start3A_191, %dma_start3A_192, %dma_start3A_193] : memref<2x128x128xf32, #tpu.memory_space<vmem>> -> memref<1x128x128xf32, #tpu.memory_space<vmem>>
        %dma_start3A_195 = tpu.memref_squeeze %dma_start3A_194 : memref<1x128x128xf32, #tpu.memory_space<vmem>> -> memref<128x128xf32, #tpu.memory_space<vmem>>
        %dma_start3A_196 = arith.constant 0 : i32
        %dma_start3A_197 = tpu.memref_slice %arg2[%add3A_190, %dma_start3A_196] : memref<32768x128xf32, #tpu.memory_space<hbm>> -> memref<128x128xf32, #tpu.memory_space<hbm>>
        %dma_start3A_198 = arith.constant 0 : i32
        %dma_start3A_199 = arith.constant 0 : i32
        %dma_start3A_200 = tpu.memref_slice %arg5[%dma_start3A_191, %dma_start3A_198, %dma_start3A_199] : memref<2x128x128xf32, #tpu.memory_space<vmem>> -> memref<1x128x128xf32, #tpu.memory_space<vmem>>
        %dma_start3A_201 = tpu.memref_squeeze %dma_start3A_200 : memref<1x128x128xf32, #tpu.memory_space<vmem>> -> memref<128x128xf32, #tpu.memory_space<vmem>>
        %dma_start3A_202 = arith.constant 0 : i32
        %dma_start3A_203 = tpu.memref_slice %arg2[%add3A_190, %dma_start3A_202] : memref<32768x128xf32, #tpu.memory_space<hbm>> -> memref<128x128xf32, #tpu.memory_space<hbm>>
        tpu.enqueue_dma source(%dma_start3A_203 : memref<128x128xf32, #tpu.memory_space<hbm>>) target(%dma_start3A_201 : memref<128x128xf32, #tpu.memory_space<vmem>>) target_semaphore(%arg10 : memref<!tpu.dma_semaphore, #tpu.memory_space<semaphore_mem>>)
        %add3A_204 = arith.constant 16384 : i32
        %add3A_205 = arith.addi %add3A_204, %mul3A_2 : i32
        %mul3A_206 = arith.constant 128 : i32
        %mul3A_207 = arith.muli %add3A_187, %mul3A_206 : i32
        %add3A_208 = arith.addi %add3A_205, %mul3A_207 : i32
        %dma_start3A_209 = arith.constant 0 : i32
        %dma_start3A_210 = arith.constant 0 : i32
        %dma_start3A_211 = arith.constant 0 : i32
        %dma_start3A_212 = tpu.memref_slice %arg6[%dma_start3A_209, %dma_start3A_210, %dma_start3A_211] : memref<2x128x128xf32, #tpu.memory_space<vmem>> -> memref<1x128x128xf32, #tpu.memory_space<vmem>>
        %dma_start3A_213 = tpu.memref_squeeze %dma_start3A_212 : memref<1x128x128xf32, #tpu.memory_space<vmem>> -> memref<128x128xf32, #tpu.memory_space<vmem>>
        %dma_start3A_214 = arith.constant 0 : i32
        %dma_start3A_215 = tpu.memref_slice %arg2[%add3A_208, %dma_start3A_214] : memref<32768x128xf32, #tpu.memory_space<hbm>> -> memref<128x128xf32, #tpu.memory_space<hbm>>
        %dma_start3A_216 = arith.constant 0 : i32
        %dma_start3A_217 = arith.constant 0 : i32
        %dma_start3A_218 = tpu.memref_slice %arg6[%dma_start3A_209, %dma_start3A_216, %dma_start3A_217] : memref<2x128x128xf32, #tpu.memory_space<vmem>> -> memref<1x128x128xf32, #tpu.memory_space<vmem>>
        %dma_start3A_219 = tpu.memref_squeeze %dma_start3A_218 : memref<1x128x128xf32, #tpu.memory_space<vmem>> -> memref<128x128xf32, #tpu.memory_space<vmem>>
        %dma_start3A_220 = arith.constant 0 : i32
        %dma_start3A_221 = tpu.memref_slice %arg2[%add3A_208, %dma_start3A_220] : memref<32768x128xf32, #tpu.memory_space<hbm>> -> memref<128x128xf32, #tpu.memory_space<hbm>>
        tpu.enqueue_dma source(%dma_start3A_221 : memref<128x128xf32, #tpu.memory_space<hbm>>) target(%dma_start3A_219 : memref<128x128xf32, #tpu.memory_space<vmem>>) target_semaphore(%arg10 : memref<!tpu.dma_semaphore, #tpu.memory_space<semaphore_mem>>)
      } else {
      }
      %add3A_131 = arith.constant 1 : i32
      %add3A_132 = arith.addi %mul3A_84, %add3A_131 : i32
      %mul3A_133 = arith.constant 128 : i32
      %mul3A_134 = arith.muli %add3A_132, %mul3A_133 : i32
      %add3A_135 = arith.addi %mul3A_2, %mul3A_134 : i32
      %dma_wait3A_136 = arith.constant 1 : i32
      %dma_wait3A_137 = arith.constant 0 : i32
      %dma_wait3A_138 = arith.constant 0 : i32
      %dma_wait3A_139 = tpu.memref_slice %arg5[%dma_wait3A_136, %dma_wait3A_137, %dma_wait3A_138] : memref<2x128x128xf32, #tpu.memory_space<vmem>> -> memref<1x128x128xf32, #tpu.memory_space<vmem>>
      %dma_wait3A_140 = tpu.memref_squeeze %dma_wait3A_139 : memref<1x128x128xf32, #tpu.memory_space<vmem>> -> memref<128x128xf32, #tpu.memory_space<vmem>>
      %dma_wait3A_141 = arith.constant 0 : i32
      %dma_wait3A_142 = tpu.memref_slice %arg2[%add3A_135, %dma_wait3A_141] : memref<32768x128xf32, #tpu.memory_space<hbm>> -> memref<128x128xf32, #tpu.memory_space<hbm>>
      %dma_wait3A_143 = arith.constant 0 : i32
      %dma_wait3A_144 = arith.constant 0 : i32
      %dma_wait3A_145 = tpu.memref_slice %arg5[%dma_wait3A_136, %dma_wait3A_143, %dma_wait3A_144] : memref<2x128x128xf32, #tpu.memory_space<vmem>> -> memref<1x128x128xf32, #tpu.memory_space<vmem>>
      %dma_wait3A_146 = tpu.memref_squeeze %dma_wait3A_145 : memref<1x128x128xf32, #tpu.memory_space<vmem>> -> memref<128x128xf32, #tpu.memory_space<vmem>>
      %dma_wait3A_147 = arith.constant 0 : i32
      %dma_wait3A_148 = tpu.memref_slice %arg2[%add3A_135, %dma_wait3A_147] : memref<32768x128xf32, #tpu.memory_space<hbm>> -> memref<128x128xf32, #tpu.memory_space<hbm>>
      tpu.wait_dma2 semaphore(%arg11 : memref<!tpu.dma_semaphore, #tpu.memory_space<semaphore_mem>>) src(%dma_wait3A_148 : memref<128x128xf32, #tpu.memory_space<hbm>>) dst(%dma_wait3A_146 : memref<128x128xf32, #tpu.memory_space<vmem>>)
      %add3A_149 = arith.constant 16384 : i32
      %add3A_150 = arith.addi %add3A_149, %mul3A_2 : i32
      %mul3A_151 = arith.constant 128 : i32
      %mul3A_152 = arith.muli %add3A_132, %mul3A_151 : i32
      %add3A_153 = arith.addi %add3A_150, %mul3A_152 : i32
      %dma_wait3A_154 = arith.constant 1 : i32
      %dma_wait3A_155 = arith.constant 0 : i32
      %dma_wait3A_156 = arith.constant 0 : i32
      %dma_wait3A_157 = tpu.memref_slice %arg6[%dma_wait3A_154, %dma_wait3A_155, %dma_wait3A_156] : memref<2x128x128xf32, #tpu.memory_space<vmem>> -> memref<1x128x128xf32, #tpu.memory_space<vmem>>
      %dma_wait3A_158 = tpu.memref_squeeze %dma_wait3A_157 : memref<1x128x128xf32, #tpu.memory_space<vmem>> -> memref<128x128xf32, #tpu.memory_space<vmem>>
      %dma_wait3A_159 = arith.constant 0 : i32
      %dma_wait3A_160 = tpu.memref_slice %arg2[%add3A_153, %dma_wait3A_159] : memref<32768x128xf32, #tpu.memory_space<hbm>> -> memref<128x128xf32, #tpu.memory_space<hbm>>
      %dma_wait3A_161 = arith.constant 0 : i32
      %dma_wait3A_162 = arith.constant 0 : i32
      %dma_wait3A_163 = tpu.memref_slice %arg6[%dma_wait3A_154, %dma_wait3A_161, %dma_wait3A_162] : memref<2x128x128xf32, #tpu.memory_space<vmem>> -> memref<1x128x128xf32, #tpu.memory_space<vmem>>
      %dma_wait3A_164 = tpu.memref_squeeze %dma_wait3A_163 : memref<1x128x128xf32, #tpu.memory_space<vmem>> -> memref<128x128xf32, #tpu.memory_space<vmem>>
      %dma_wait3A_165 = arith.constant 0 : i32
      %dma_wait3A_166 = tpu.memref_slice %arg2[%add3A_153, %dma_wait3A_165] : memref<32768x128xf32, #tpu.memory_space<hbm>> -> memref<128x128xf32, #tpu.memory_space<hbm>>
      tpu.wait_dma2 semaphore(%arg11 : memref<!tpu.dma_semaphore, #tpu.memory_space<semaphore_mem>>) src(%dma_wait3A_166 : memref<128x128xf32, #tpu.memory_space<hbm>>) dst(%dma_wait3A_164 : memref<128x128xf32, #tpu.memory_space<vmem>>)
      %add3A_167 = arith.constant 1 : i32
      %add3A_168 = arith.addi %mul3A_84, %add3A_167 : i32
      %scan3A_169 = arith.constant 1 : i32
      %scan3A_170 = arith.constant 1 : i32
      %scan3A_171 = arith.constant 0 : i32
      %scan3A_172 = arith.constant 0 : i32
      %scan3A_173 = arith.constant 8 : i32
      %scan3A_174 = arith.addi %scan3A_172, %scan3A_173 : i32
      %scan3A_175 = arith.constant 1 : i32
      %scan3A_176 = scf.for %scan3A_186 = %scan3A_172 to %scan3A_174 step %scan3A_175 iter_args(%scan3A_187 = %scan3A_171) -> (i32)  : i32 {
        %scan3A_188 = arith.constant 0 : i32
        %scan3A_189 = arith.constant 0 : i32
        %scan3A_190 = arith.constant 16 : i32
        %scan3A_191 = arith.addi %scan3A_189, %scan3A_190 : i32
        %scan3A_192 = arith.constant 1 : i32
        %scan3A_193 = scf.for %scan3A_215 = %scan3A_189 to %scan3A_191 step %scan3A_192 iter_args(%scan3A_216 = %scan3A_188) -> (i32)  : i32 {
          %mul3A_217 = arith.constant 16 : i32
          %mul3A_218 = arith.muli %scan3A_186, %mul3A_217 : i32
          %add3A_219 = arith.addi %mul3A_218, %scan3A_215 : i32
          %get3A_220 = arith.constant 0 : i32
          %get3A_221 = arith.constant 0 : i32
          %get3A_222 = tpu.memref_slice %arg5[%scan3A_169, %get3A_220, %get3A_221] : memref<2x128x128xf32, #tpu.memory_space<vmem>> -> memref<1x128x128xf32, #tpu.memory_space<vmem>>
          %get3A_223 = tpu.memref_squeeze %get3A_222 : memref<1x128x128xf32, #tpu.memory_space<vmem>> -> memref<128x128xf32, #tpu.memory_space<vmem>>
          %get3A_224 = arith.index_cast %add3A_219 : i32 to index
          %get3A_225 = arith.constant 0 : index
          %get3A_226 = tpu.vector_load %get3A_223[%get3A_224, %get3A_225] {strides = array<i32>} : memref<128x128xf32, #tpu.memory_space<vmem>>, vector<16xf32>,
          %get3A_227 = arith.constant 0 : i32
          %get3A_228 = arith.constant 0 : i32
          %get3A_229 = tpu.memref_slice %arg6[%scan3A_170, %get3A_227, %get3A_228] : memref<2x128x128xf32, #tpu.memory_space<vmem>> -> memref<1x128x128xf32, #tpu.memory_space<vmem>>
          %get3A_230 = tpu.memref_squeeze %get3A_229 : memref<1x128x128xf32, #tpu.memory_space<vmem>> -> memref<128x128xf32, #tpu.memory_space<vmem>>
          %get3A_231 = arith.index_cast %add3A_219 : i32 to index
          %get3A_232 = arith.constant 0 : index
          %get3A_233 = tpu.vector_load %get3A_230[%get3A_231, %get3A_232] {strides = array<i32>} : memref<128x128xf32, #tpu.memory_space<vmem>>, vector<16xf32>,
          %mul3A_234 = arith.mulf %get3A_226, %get3A_233 : vector<16xf32>
          %mul3A_235 = arith.mulf %mul3A_234, %get3A_66 : vector<16xf32>
          %get3A_236 = arith.constant 0 : i32
          %get3A_237 = arith.constant 0 : i32
          %get3A_238 = tpu.memref_slice %arg5[%scan3A_169, %get3A_236, %get3A_237] : memref<2x128x128xf32, #tpu.memory_space<vmem>> -> memref<1x128x128xf32, #tpu.memory_space<vmem>>
          %get3A_239 = tpu.memref_squeeze %get3A_238 : memref<1x128x128xf32, #tpu.memory_space<vmem>> -> memref<128x128xf32, #tpu.memory_space<vmem>>
          %get3A_240 = arith.index_cast %add3A_219 : i32 to index
          %get3A_241 = arith.constant 16 : index
          %get3A_242 = tpu.vector_load %get3A_239[%get3A_240, %get3A_241] {strides = array<i32>} : memref<128x128xf32, #tpu.memory_space<vmem>>, vector<16xf32>,
          %get3A_243 = arith.constant 0 : i32
          %get3A_244 = arith.constant 0 : i32
          %get3A_245 = tpu.memref_slice %arg6[%scan3A_170, %get3A_243, %get3A_244] : memref<2x128x128xf32, #tpu.memory_space<vmem>> -> memref<1x128x128xf32, #tpu.memory_space<vmem>>
          %get3A_246 = tpu.memref_squeeze %get3A_245 : memref<1x128x128xf32, #tpu.memory_space<vmem>> -> memref<128x128xf32, #tpu.memory_space<vmem>>
          %get3A_247 = arith.index_cast %add3A_219 : i32 to index
          %get3A_248 = arith.constant 16 : index
          %get3A_249 = tpu.vector_load %get3A_246[%get3A_247, %get3A_248] {strides = array<i32>} : memref<128x128xf32, #tpu.memory_space<vmem>>, vector<16xf32>,
          %mul3A_250 = arith.mulf %get3A_242, %get3A_249 : vector<16xf32>
          %mul3A_251 = arith.mulf %mul3A_250, %get3A_68 : vector<16xf32>
          %add3A_252 = arith.addf %mul3A_235, %mul3A_251 : vector<16xf32>
          %get3A_253 = arith.constant 0 : i32
          %get3A_254 = arith.constant 0 : i32
          %get3A_255 = tpu.memref_slice %arg5[%scan3A_169, %get3A_253, %get3A_254] : memref<2x128x128xf32, #tpu.memory_space<vmem>> -> memref<1x128x128xf32, #tpu.memory_space<vmem>>
          %get3A_256 = tpu.memref_squeeze %get3A_255 : memref<1x128x128xf32, #tpu.memory_space<vmem>> -> memref<128x128xf32, #tpu.memory_space<vmem>>
          %get3A_257 = arith.index_cast %add3A_219 : i32 to index
          %get3A_258 = arith.constant 32 : index
          %get3A_259 = tpu.vector_load %get3A_256[%get3A_257, %get3A_258] {strides = array<i32>} : memref<128x128xf32, #tpu.memory_space<vmem>>, vector<16xf32>,
          %get3A_260 = arith.constant 0 : i32
          %get3A_261 = arith.constant 0 : i32
          %get3A_262 = tpu.memref_slice %arg6[%scan3A_170, %get3A_260, %get3A_261] : memref<2x128x128xf32, #tpu.memory_space<vmem>> -> memref<1x128x128xf32, #tpu.memory_space<vmem>>
          %get3A_263 = tpu.memref_squeeze %get3A_262 : memref<1x128x128xf32, #tpu.memory_space<vmem>> -> memref<128x128xf32, #tpu.memory_space<vmem>>
          %get3A_264 = arith.index_cast %add3A_219 : i32 to index
          %get3A_265 = arith.constant 32 : index
          %get3A_266 = tpu.vector_load %get3A_263[%get3A_264, %get3A_265] {strides = array<i32>} : memref<128x128xf32, #tpu.memory_space<vmem>>, vector<16xf32>,
          %mul3A_267 = arith.mulf %get3A_259, %get3A_266 : vector<16xf32>
          %mul3A_268 = arith.mulf %mul3A_267, %get3A_70 : vector<16xf32>
          %add3A_269 = arith.addf %add3A_252, %mul3A_268 : vector<16xf32>
          %get3A_270 = arith.constant 0 : i32
          %get3A_271 = arith.constant 0 : i32
          %get3A_272 = tpu.memref_slice %arg5[%scan3A_169, %get3A_270, %get3A_271] : memref<2x128x128xf32, #tpu.memory_space<vmem>> -> memref<1x128x128xf32, #tpu.memory_space<vmem>>
          %get3A_273 = tpu.memref_squeeze %get3A_272 : memref<1x128x128xf32, #tpu.memory_space<vmem>> -> memref<128x128xf32, #tpu.memory_space<vmem>>
          %get3A_274 = arith.index_cast %add3A_219 : i32 to index
          %get3A_275 = arith.constant 48 : index
          %get3A_276 = tpu.vector_load %get3A_273[%get3A_274, %get3A_275] {strides = array<i32>} : memref<128x128xf32, #tpu.memory_space<vmem>>, vector<16xf32>,
          %get3A_277 = arith.constant 0 : i32
          %get3A_278 = arith.constant 0 : i32
          %get3A_279 = tpu.memref_slice %arg6[%scan3A_170, %get3A_277, %get3A_278] : memref<2x128x128xf32, #tpu.memory_space<vmem>> -> memref<1x128x128xf32, #tpu.memory_space<vmem>>
          %get3A_280 = tpu.memref_squeeze %get3A_279 : memref<1x128x128xf32, #tpu.memory_space<vmem>> -> memref<128x128xf32, #tpu.memory_space<vmem>>
          %get3A_281 = arith.index_cast %add3A_219 : i32 to index
          %get3A_282 = arith.constant 48 : index
          %get3A_283 = tpu.vector_load %get3A_280[%get3A_281, %get3A_282] {strides = array<i32>} : memref<128x128xf32, #tpu.memory_space<vmem>>, vector<16xf32>,
          %mul3A_284 = arith.mulf %get3A_276, %get3A_283 : vector<16xf32>
          %mul3A_285 = arith.mulf %mul3A_284, %get3A_72 : vector<16xf32>
          %add3A_286 = arith.addf %add3A_269, %mul3A_285 : vector<16xf32>
          %mul3A_287 = arith.constant 16 : i32
          %mul3A_288 = vector.broadcast %mul3A_287 : i32 to vector<16xi32>
          %mul3A_289 = arith.muli %iota3A, %mul3A_288 : vector<16xi32>
          %add3A_290 = vector.broadcast %scan3A_215 : i32 to vector<16xi32>
          %add3A_291 = arith.addi %mul3A_289, %add3A_290 : vector<16xi32>
          tpu.vector_store_idx %arg8[%add3A_291], %add3A_286 : memref<256xf32, #tpu.memory_space<vmem>>[vector<16xi32>], vector<16xf32>,
          %scan3A_292 = arith.constant 0 : i32
          scf.yield %scan3A_292 : i32
        }
        %scan3A_194 = arith.constant 16 : i32
        %scan3A_195 = arith.constant 0 : i32
        %scan3A_196 = arith.constant 16 : i32
        %scan3A_197 = arith.addi %scan3A_195, %scan3A_196 : i32
        %scan3A_198 = arith.constant 1 : i32
        %scan3A_199 = scf.for %scan3A_215 = %scan3A_195 to %scan3A_197 step %scan3A_198 iter_args(%scan3A_216 = %get3A_74) -> (vector<16xf32>)  : i32 {
          %mul3A_217 = arith.constant 16 : i32
          %mul3A_218 = arith.muli %scan3A_215, %mul3A_217 : i32
          %get3A_219 = arith.index_cast %mul3A_218 : i32 to index
          %get3A_220 = tpu.vector_load %arg8[%get3A_219] {strides = array<i32>} : memref<256xf32, #tpu.memory_space<vmem>>, vector<16xf32>,
          %add3A_221 = arith.addf %scan3A_216, %get3A_220 : vector<16xf32>
          scf.yield %add3A_221 : vector<16xf32>
        }
        %scan3A_200 = arith.constant 16 : i32
        %neg3A = arith.constant 0.000000e+00 : f32
        %neg3A_201 = vector.broadcast %neg3A : f32 to vector<16xf32>
        %neg3A_202 = arith.subf %neg3A_201, %scan3A_199 : vector<16xf32>
        %exp3A = math.exp %neg3A_202 : vector<16xf32>
        %add3A_203 = arith.constant 1.000000e+00 : f32
        %add3A_204 = vector.broadcast %add3A_203 : f32 to vector<16xf32>
        %add3A_205 = arith.addf %add3A_204, %exp3A : vector<16xf32>
        %div3A = arith.constant 1.000000e+00 : f32
        %div3A_206 = vector.broadcast %div3A : f32 to vector<16xf32>
        %div3A_207 = arith.divf %div3A_206, %add3A_205 : vector<16xf32>
        %mul3A_208 = arith.constant 128 : i32
        %mul3A_209 = arith.muli %add3A_168, %mul3A_208 : i32
        %mul3A_210 = arith.constant 16 : i32
        %mul3A_211 = arith.muli %scan3A_186, %mul3A_210 : i32
        %add3A_212 = arith.addi %mul3A_209, %mul3A_211 : i32
        %swap3A = arith.index_cast %add3A_212 : i32 to index
        %swap3A_213 = tpu.vector_load %arg9[%swap3A] {strides = array<i32>} : memref<512xf32, #tpu.memory_space<vmem>>, vector<16xf32>,
        tpu.vector_store %arg9[%swap3A], %div3A_207 {strides = array<i32>} : memref<512xf32, #tpu.memory_space<vmem>>, vector<16xf32>,
        %scan3A_214 = arith.constant 0 : i32
        scf.yield %scan3A_214 : i32
      }
      %scan3A_177 = arith.constant 8 : i32
      %add3A_178 = arith.constant 3 : i32
      %add3A_179 = arith.addi %mul3A_84, %add3A_178 : i32
      %lt3A_180 = arith.constant 4 : i32
      %lt3A_181 = arith.cmpi slt, %add3A_179, %lt3A_180 : i32
      %convert_element_type3A_182 = arith.extui %lt3A_181 : i1 to i32
      %cond3A_183 = arith.constant 0 : i32
      %cond3A_184 = arith.cmpi ne, %convert_element_type3A_182, %cond3A_183 : i32
      scf.if %cond3A_184 {
        %add3A_186 = arith.constant 3 : i32
        %add3A_187 = arith.addi %mul3A_84, %add3A_186 : i32
        %mul3A_188 = arith.constant 128 : i32
        %mul3A_189 = arith.muli %add3A_187, %mul3A_188 : i32
        %add3A_190 = arith.addi %mul3A_2, %mul3A_189 : i32
        %dma_start3A_191 = arith.constant 1 : i32
        %dma_start3A_192 = arith.constant 0 : i32
        %dma_start3A_193 = arith.constant 0 : i32
        %dma_start3A_194 = tpu.memref_slice %arg5[%dma_start3A_191, %dma_start3A_192, %dma_start3A_193] : memref<2x128x128xf32, #tpu.memory_space<vmem>> -> memref<1x128x128xf32, #tpu.memory_space<vmem>>
        %dma_start3A_195 = tpu.memref_squeeze %dma_start3A_194 : memref<1x128x128xf32, #tpu.memory_space<vmem>> -> memref<128x128xf32, #tpu.memory_space<vmem>>
        %dma_start3A_196 = arith.constant 0 : i32
        %dma_start3A_197 = tpu.memref_slice %arg2[%add3A_190, %dma_start3A_196] : memref<32768x128xf32, #tpu.memory_space<hbm>> -> memref<128x128xf32, #tpu.memory_space<hbm>>
        %dma_start3A_198 = arith.constant 0 : i32
        %dma_start3A_199 = arith.constant 0 : i32
        %dma_start3A_200 = tpu.memref_slice %arg5[%dma_start3A_191, %dma_start3A_198, %dma_start3A_199] : memref<2x128x128xf32, #tpu.memory_space<vmem>> -> memref<1x128x128xf32, #tpu.memory_space<vmem>>
        %dma_start3A_201 = tpu.memref_squeeze %dma_start3A_200 : memref<1x128x128xf32, #tpu.memory_space<vmem>> -> memref<128x128xf32, #tpu.memory_space<vmem>>
        %dma_start3A_202 = arith.constant 0 : i32
        %dma_start3A_203 = tpu.memref_slice %arg2[%add3A_190, %dma_start3A_202] : memref<32768x128xf32, #tpu.memory_space<hbm>> -> memref<128x128xf32, #tpu.memory_space<hbm>>
        tpu.enqueue_dma source(%dma_start3A_203 : memref<128x128xf32, #tpu.memory_space<hbm>>) target(%dma_start3A_201 : memref<128x128xf32, #tpu.memory_space<vmem>>) target_semaphore(%arg11 : memref<!tpu.dma_semaphore, #tpu.memory_space<semaphore_mem>>)
        %add3A_204 = arith.constant 16384 : i32
        %add3A_205 = arith.addi %add3A_204, %mul3A_2 : i32
        %mul3A_206 = arith.constant 128 : i32
        %mul3A_207 = arith.muli %add3A_187, %mul3A_206 : i32
        %add3A_208 = arith.addi %add3A_205, %mul3A_207 : i32
        %dma_start3A_209 = arith.constant 1 : i32
        %dma_start3A_210 = arith.constant 0 : i32
        %dma_start3A_211 = arith.constant 0 : i32
        %dma_start3A_212 = tpu.memref_slice %arg6[%dma_start3A_209, %dma_start3A_210, %dma_start3A_211] : memref<2x128x128xf32, #tpu.memory_space<vmem>> -> memref<1x128x128xf32, #tpu.memory_space<vmem>>
        %dma_start3A_213 = tpu.memref_squeeze %dma_start3A_212 : memref<1x128x128xf32, #tpu.memory_space<vmem>> -> memref<128x128xf32, #tpu.memory_space<vmem>>
        %dma_start3A_214 = arith.constant 0 : i32
        %dma_start3A_215 = tpu.memref_slice %arg2[%add3A_208, %dma_start3A_214] : memref<32768x128xf32, #tpu.memory_space<hbm>> -> memref<128x128xf32, #tpu.memory_space<hbm>>
        %dma_start3A_216 = arith.constant 0 : i32
        %dma_start3A_217 = arith.constant 0 : i32
        %dma_start3A_218 = tpu.memref_slice %arg6[%dma_start3A_209, %dma_start3A_216, %dma_start3A_217] : memref<2x128x128xf32, #tpu.memory_space<vmem>> -> memref<1x128x128xf32, #tpu.memory_space<vmem>>
        %dma_start3A_219 = tpu.memref_squeeze %dma_start3A_218 : memref<1x128x128xf32, #tpu.memory_space<vmem>> -> memref<128x128xf32, #tpu.memory_space<vmem>>
        %dma_start3A_220 = arith.constant 0 : i32
        %dma_start3A_221 = tpu.memref_slice %arg2[%add3A_208, %dma_start3A_220] : memref<32768x128xf32, #tpu.memory_space<hbm>> -> memref<128x128xf32, #tpu.memory_space<hbm>>
        tpu.enqueue_dma source(%dma_start3A_221 : memref<128x128xf32, #tpu.memory_space<hbm>>) target(%dma_start3A_219 : memref<128x128xf32, #tpu.memory_space<vmem>>) target_semaphore(%arg11 : memref<!tpu.dma_semaphore, #tpu.memory_space<semaphore_mem>>)
      } else {
      }
      %scan3A_185 = arith.constant 0 : i32
      scf.yield %scan3A_185 : i32
    }
    %scan3A_80 = arith.constant 2 : i32
    "tpu.region"() ({
      %run_scoped3A = tpu.sem_alloc : memref<!tpu.dma_semaphore, #tpu.memory_space<semaphore_mem>>
      %dma_start3A_81 = tpu.memref_slice %arg4[%mul3A_2] : memref<16384xf32, #tpu.memory_space<hbm>> -> memref<512xf32, #tpu.memory_space<hbm>>
      %dma_start3A_82 = tpu.memref_slice %arg4[%mul3A_2] : memref<16384xf32, #tpu.memory_space<hbm>> -> memref<512xf32, #tpu.memory_space<hbm>>
      tpu.enqueue_dma source(%arg9 : memref<512xf32, #tpu.memory_space<vmem>>) target(%dma_start3A_82 : memref<512xf32, #tpu.memory_space<hbm>>) target_semaphore(%run_scoped3A : memref<!tpu.dma_semaphore, #tpu.memory_space<semaphore_mem>>)
      %dma_wait3A = tpu.memref_slice %arg4[%mul3A_2] : memref<16384xf32, #tpu.memory_space<hbm>> -> memref<512xf32, #tpu.memory_space<hbm>>
      %dma_wait3A_83 = tpu.memref_slice %arg4[%mul3A_2] : memref<16384xf32, #tpu.memory_space<hbm>> -> memref<512xf32, #tpu.memory_space<hbm>>
      tpu.wait_dma2 semaphore(%run_scoped3A : memref<!tpu.dma_semaphore, #tpu.memory_space<semaphore_mem>>) src(%arg9 : memref<512xf32, #tpu.memory_space<vmem>>) dst(%dma_wait3A_83 : memref<512xf32, #tpu.memory_space<hbm>>)
      tpu.yield
    }) : () -> ()
    return
  }
}

</mosaic_0001>

<sc_bundles>
// kernel: _ncf.4.cloned.1.call-start
scs
__scs_entry_jumppad:
0x0: {  	(pc) =	sbr.rel $0x88, $3  }
0x1: {  	(tag) =	ssettag $0x0;
	lr =	simm.s32 $0x1  }
0x2: {  	[smem:$0x3F9D] =	sst lr;
	_ =	strace $0xD0000000  }
0x3: {  	_ = 	snop  }
0x4: {  	_ = 	snop  }
0x5: {  	_ = 	snop  }
0x6: {  	_ = 	snop  }
0x7: {  	_ = 	snop  }
__scs_overlays_trampoline_lowered:
0x8: {  	[smem:$0x3FAC] =	sst s0  }
0x9: {  	[smem:$0x3FAD] =	sst s1  }
0xa: {  	[smem:$0x3FAE] =	sst s2  }
0xb: {  	[smem:$0x3FAF] =	sst s3  }
0xc: {  	[smem:$0x3FB0] =	sst s4  }
0xd: {  	[smem:$0x3FB1] =	sst s5  }
0xe: {  	[smem:$0x3FB2] =	sst s6  }
0xf: {  	[smem:$0x3FB3] =	sst s7  }
0x10: {  	[smem:$0x3FB4] =	sst s8  }
0x11: {  	[smem:$0x3FB5] =	sst s9;
	s0 =	simm.s32 @!p0 $0x0  }
0x12: {  	s1 =	sld [smem:$0x3F9B];
	s0 =	simm.s32 @p0 $0x1  }
0x13: {  	[smem:$0x3FB6] =	sst s0;
	s0 =	simm.s32 @!p1 $0x0  }
0x14: {  	s2 =	sld [smem:$0x3F9A];
	s0 =	simm.s32 @p1 $0x1  }
0x15: {  	[smem:$0x3FB7] =	sst s0;
	s0 =	simm.s32 @!p2 $0x0  }
0x16: {  	s3 =	sld [smem:$0x3FDB];
	s0 =	simm.s32 @p2 $0x1  }
0x17: {  	s4 =	simm.s32 $0x1BF5;
	[smem:$0x3FB9] =	sst s0  }
0x18: {  	s0 =	sld [smem:$0x3F9C];
	_ =	swait.ge [sflag:s4], $0x0  }
0x19: {  	s7 =	sld [smem:$0x3F9D]  }
0x1a: {  	s8 =	sadd.s32 $0xFFFFE003, lr  }
0x1b: {  	s9 =	sadd.s32 $0xFFFFFEF7, lr;
	s5 =	simm.s32 $0xFFFFFFFF;
	p2 =	slt.u32 s8, $0xFFFFF086  }
0x1c: {  	p1 =	slt.u32 s9, $0xF7A;
	s5 =	simm.s32 @!p2 $0x0  }
0x1d: {  	s5 =	simm.s32 @p1 $0x1;
	p0 =	seq.s32 s7, s2  }
0x1e: {  	s7 =	smul.u32 @!p0 $0xF7A, s2;
	p2 =	seq.s32 @!p0 s5, $0x0  }
0x1f: {  	s9 =	smul.u32 $0xF7A, s1;
	s8 =	simm.s32 @!p0 $0x1BF5;
	p2 =	por !p2, p0  }
0x20: {  	[sflag:s8] =	ssyncset.s32 @!p0 $0xFFFFF086;
	s6 =	sadd.s32 @!p0 s3, s7;
	s7 =	simm.s32 @!p0 $0x108  }
0x21: {  	s3 =	sadd.s32 s3, s9;
	s6 =	sadd.s32 @!p0 $0x88, s6;
	s7 =	simm.s32 @p2 $0x1082  }
0x22: {  	[simem:s7], [sflag:s8] =	dma.local @!p0 [hbm:s6], $0xF7A  }
0x23: {  	s9 =	sor.u32 $0xD0000000, s2;
	s6 =	simm.s32 $0x108;
	_ =	swait.ge @!p0 [sflag:s8], $0x0  }
0x24: {  	s3 =	sadd.s32 $0x88, s3;
	s6 =	simm.s32 @!p1 $0x1082;
	[sflag:s4] =	ssyncset.s32 $0xFFFFF086  }
0x25: {  	[simem:s6], [sflag:s4] =	dma.local [hbm:s3], $0xF7A  }
0x26: {  	[smem:$0x3F9D] =	sst s1;
	(tag) =	ssettag s2;
	_ =	strace s9  }
0x27: {  	s1 =	sld [smem:$0x3FAD]  }
0x28: {  	s2 =	sld [smem:$0x3FAE]  }
0x29: {  	s4 =	sld [smem:$0x3FB0]  }
0x2a: {  	p0 =	seq.s32 s5, $0x0;
	s5 =	sld [smem:$0x3FB1]  }
0x2b: {  	s6 =	sld [smem:$0x3FB2]  }
0x2c: {  	s7 =	sld [smem:$0x3FB3]  }
0x2d: {  	s3 =	simm.s32 $0x108;
	s8 =	sld [smem:$0x3FB4]  }
0x2e: {  	s3 =	simm.s32 @!p0 $0x1082;
	s9 =	sld [smem:$0x3FB5]  }
0x2f: {  	lr =	sadd.s32 s0, s3;
	s0 =	sld [smem:$0x3FAC]  }
0x30: {  	s3 =	sld [smem:$0x3FAF]  }
0x31: {  	[smem:$0x3FB8] =	sst s10  }
0x32: {  	s10 =	sld [smem:$0x3FB6];
	_ =	sdelay $0x3  }
0x33: {  	p0 =	seq.s32 s10, $0x1;
	s10 =	sld [smem:$0x3FB8];
	_ =	sdelay $0x3  }
0x34: {  	[smem:$0x3FB8] =	sst s10  }
0x35: {  	s10 =	sld [smem:$0x3FB7];
	_ =	sdelay $0x3  }
0x36: {  	p1 =	seq.s32 s10, $0x1;
	s10 =	sld [smem:$0x3FB8];
	_ =	sdelay $0x3  }
0x37: {  	[smem:$0x3FB8] =	sst s10  }
0x38: {  	s10 =	sld [smem:$0x3FB9]  }
0x39: {  	_ = 	snop;
	(pc) =	sbr.ind lr, $3  }
0x3a: {  	_ = 	snop  }
0x3b: {  	_ = 	snop  }
0x3c: {  	p2 =	seq.s32 s10, $0x1;
	s10 =	sld [smem:$0x3FB8]  }
0x3d: {  	_ =	shalt  }
0x3e: {  	_ =	shalt  }
0x3f: {  	_ =	shalt  }
0x40: {  	_ =	shalt  }
0x41: {  	_ =	shalt  }
0x42: {  	_ =	shalt  }
0x43: {  	_ =	shalt  }
0x44: {  	_ =	shalt  }
0x45: {  	_ =	shalt  }
0x46: {  	_ =	shalt  }
0x47: {  	_ =	shalt  }
0x48: {  	_ =	shalt  }
0x49: {  	_ =	shalt  }
0x4a: {  	_ =	shalt  }
0x4b: {  	_ =	shalt  }
0x4c: {  	_ =	shalt  }
0x4d: {  	_ =	shalt  }
0x4e: {  	_ =	shalt  }
0x4f: {  	_ =	shalt  }
0x50: {  	_ =	shalt  }
0x51: {  	_ =	shalt  }
0x52: {  	_ =	shalt  }
0x53: {  	_ =	shalt  }
0x54: {  	_ =	shalt  }
0x55: {  	_ =	shalt  }
0x56: {  	_ =	shalt  }
0x57: {  	_ =	shalt  }
0x58: {  	_ =	shalt  }
0x59: {  	_ =	shalt  }
0x5a: {  	_ =	shalt  }
0x5b: {  	_ =	shalt  }
0x5c: {  	_ =	shalt  }
0x5d: {  	_ =	shalt  }
0x5e: {  	_ =	shalt  }
0x5f: {  	_ =	shalt  }
0x60: {  	_ =	shalt  }
0x61: {  	_ =	shalt  }
0x62: {  	_ =	shalt  }
0x63: {  	_ =	shalt  }
0x64: {  	_ =	shalt  }
0x65: {  	_ =	shalt  }
0x66: {  	_ =	shalt  }
0x67: {  	_ =	shalt  }
0x68: {  	_ =	shalt  }
0x69: {  	_ =	shalt  }
0x6a: {  	_ =	shalt  }
0x6b: {  	_ =	shalt  }
0x6c: {  	_ =	shalt  }
0x6d: {  	_ =	shalt  }
0x6e: {  	_ =	shalt  }
0x6f: {  	_ =	shalt  }
0x70: {  	_ =	shalt  }
0x71: {  	_ =	shalt  }
0x72: {  	_ =	shalt  }
0x73: {  	_ =	shalt  }
0x74: {  	_ =	shalt  }
0x75: {  	_ =	shalt  }
0x76: {  	_ =	shalt  }
0x77: {  	_ =	shalt  }
0x78: {  	_ =	shalt  }
0x79: {  	_ =	shalt  }
0x7a: {  	_ =	shalt  }
0x7b: {  	_ =	shalt  }
0x7c: {  	_ =	shalt  }
0x7d: {  	_ =	shalt  }
0x7e: {  	_ =	shalt  }
0x7f: {  	_ =	shalt  }
0x80: {  	_ =	shalt  }
0x81: {  	_ =	shalt  }
0x82: {  	_ =	shalt  }
0x83: {  	_ =	shalt  }
0x84: {  	_ =	shalt  }
0x85: {  	_ =	shalt  }
0x86: {  	_ =	shalt  }
0x87: {  	_ =	shalt  }
.Lfunc_end0:
.L_simem_size_0:
called_computation_lowered:
.L_overlay_start_0:
0x88: {  	s2 =	sld [smem:$0x3FD9]  }
0x89: {  	s3 =	sld [smem:$0x3FFE];
	_ =	sdelay $0x1  }
0x8a: {  	s1 =	srdreg.scid  }
0x8b: {  	s0 =	sand.u32 $0x1, s1  }
0x8c: {  	s17 =	sshll.u32 s0, $0xA;
	s2 =	sadd.s32 s3, s2  }
0x8d: {  	s2 =	sadd.s32 s2, s17  }
0x8e: {  	[smem:$0x3FC4] =	sst s2  }
0x8f: {  	_ = 	snop  }
0x90: {  	s2 =	sld [smem:$0x3FC9]  }
0x91: {  	s18 =	sld [smem:$0x3FC8]  }
0x92: {  	s4 =	sld [smem:$0x3FC7];
	(tm) =	ssettm $0x1  }
0x93: {  	s5 =	sld [smem:$0x3FFB];
	_ =	sdelay $0x3  }
0x94: {  	_ =	strace s5  }
0x95: {  	s5 =	sld [smem:$0x3FFC];
	_ =	sdelay $0x3  }
0x96: {  	_ =	strace s5  }
0x97: {  	s5 =	sld [smem:$0x3FFD];
	_ =	sdelay $0x3  }
0x98: {  	_ =	strace s5  }
0x99: {  	_ =	strace $0x8FFFFFFF  }
0x9a: {  	s19 =	sld [smem:$0x3FDB];
	_ =	sdelay $0x1  }
0x9b: {  	s6 =	simm.s32 $_scs_section_size  }
0x9c: {  	s7 =	simm.s32 $_size__tile_overlayer_lowered;
	s8 =	simm.s32 $_tile_overlayer_lowered  }
0x9d: {  	s22 =	simm.s32 $0x1BFF;
	s21 =	sshll.u32 s8, $0x1;
	s5 =	sadd.s32 s6, s19  }
0x9e: {  	s9 =	simm.s32 $0x0;
	s20 =	sshll.u32 s7, $0x1;
	s7 =	sadd.s32 s21, s5  }
0x9f: {  	[timem:s9], [sflag:s22] =	dma.local [hbm:s7], s20  }
0xa0: {  	_ =	swait.ge [sflag:s22], s20  }
0xa1: {  	s6 =	ssub.s32 $0x0, s20;
	[sflag:s22] =	ssyncset.done $0x0  }
0xa2: {  	[sflag:s22] =	ssyncadd.s32 s6;
	_ =	sdelay $0x1  }
0xa3: {  	s23 =	simm.s32 $0x1B8B  }
0xa4: {  	_ =	swait.ge [sflag:s23], $0x1  }
0xa5: {  	[sflag:s23] =	ssyncset.done $0x0  }
0xa6: {  	s25 =	simm.s32 $0x1B8E;
	s24 =	sld [smem:$0x3FFE];
	[sflag:s23] =	ssyncadd.s32 $0xFFFFFFFF  }
0xa7: {  	s26 =	simm.s32 $execute0_lowered;
	[smem:$0x3FD2] =	sst s25  }
0xa8: {  	s7 =	sshll.u32 s26, $0x1;
	_ =	strace $0x80000046;
	[dreg:$0x1] =	wrdreg $0xFFFFFFFF  }
0xa9: {  	s28 =	simm.s32 $_size_execute0_lowered;
	s5 =	sadd.s32 s5, s7;
	[dreg:$0x0] =	wrdreg $0x0  }
0xaa: {  	s7 =	sshll.u32 s28, $0x1;
	[dreg:$0x2] =	wrdreg s5  }
0xab: {  	[dreg:$0x3] =	wrdreg s7  }
0xac: {  	[dreg:$0x4] =	wrdreg $0xC0  }
0xad: {  	_ =	task [dreg:s9], $0x5FFFF  }
0xae: {  	[dreg:$0x1] =	wrdreg $0xFFFFFFFF  }
0xaf: {  	[dreg:$0x0] =	wrdreg $0x60  }
0xb0: {  	[dreg:$0x2] =	wrdreg s4  }
0xb1: {  	[dreg:$0x3] =	wrdreg s2  }
0xb2: {  	[dreg:$0x4] =	wrdreg s18  }
0xb3: {  	[dreg:$0x5] =	wrdreg s24  }
0xb4: {  	[dreg:$0x6] =	wrdreg $0x9  }
0xb5: {  	_ =	task.clear_ibuf [dreg:s9], $0x7FFFF;
	_ =	strace $0x90000046  }
0xb6: {  	s29 =	simm.s32 $0x9;
	_ =	strace $0x80000048  }
0xb7: {  	_ =	swait.ge [sflag:s29], $0x1  }
0xb8: {  	[sflag:s29] =	ssyncadd.s32 $0xFFFFFFFF  }
0xb9: {  	_ =	strace $0x90000048  }
0xba: {  	_ =	sfence  }
0xbb: {  	s30 =	sld [smem:$0x0];
	_ =	sdelay $0x2  }
0xbc: {  	s31 =	sshll.u32 s1, $0xD;
	s1 =	sshrl.u32 s1, $0x2  }
0xbd: {  	s3 =	sand.u32 $0x4000, s31;
	s1 =	sadd.s32 s1, s30  }
0xbe: {  	s0 =	sor.u32 s3, s0;
	s1 =	sshll.u32 s1, $0x11  }
0xbf: {  	s0 =	sor.u32 s1, s0  }
0xc0: {  	s0 =	sadd.s32 $0x8F2B, s0  }
0xc1: {  	[sflag:s0] =	ssyncadd.remote.s32 $0x1  }
0xc2: {  	_ =	sfence.sel $0xFFFF  }
0xc3: {  	[dreg:$0x0] =	wrdreg $0xFFFFFFFF;
	(pc) =	sbr.abs _section_cstart, $3  }
0xc4: {  	[dreg:$0x1] =	wrdreg $0xFFFFFFFF  }
0xc5: {  	_ =	task.clear_ibuf [dreg:s9], $0x2FFFF;
	_ =	strace $0x9FFFFFFF  }
0xc6: {  	(tm) =	ssettm $0x7FFFFFFF  }
0xc7: {  	_ =	shalt  }
tec
execute0_lowered:
.L_overlay_start_1:
0x0: {  	(tag) =	ssettag $0x1  }
0x1: {  	s0 =	srdreg.scid;
	s1 =	rddreg [dreg:$0x0]  }
0x2: {  	s2 =	stileid.u32;
	s3 =	rddreg [dreg:$0x3]  }
0x3: {  	s5 =	simm.s32 $0x0;
	s0 =	sand.u32 $0x1, s0;
	s2 =	sshll.u32 s2, $0x1  }
0x4: {  	s17 =	simm.s32 $0x1;
	s28 =	simm.s32 $0x2;
	s2 =	sor.u32 s0, s2  }
0x5: {  	s29 =	simm.s32 $0xE200;
	s30 =	simm.s32 $0x3;
	s2 =	smul.u32 $0xF424, s2  }
0x6: {  	s31 =	simm.s32 $0x16200;
	[smem:$0x7FF] =	sst s5;
	s7 =	sadd.s32 $0x800, s3  }
0x7: {  	_ =	strace $0x80000047;
	s0 =	ssub.s32 $0x2, s0;
	s4 =	sadd.s32 $0xF424, s2  }
0x8: {  	s11 =	sshrl.u32 s0, $0x1;
	s6 =	sand.u32 $0x1FFF80, s2;
	s15 =	sand.u32 $0x3FFF80, s4  }
0x9: {  	s0 =	ssub.s32 s0, s11;
	s11 =	sadd.s32 $0x7A1200, s1;
	s4 =	ssub.s32 s15, s6  }
0xa: {  	s2 =	simm.s32 $0x0;
	s9 =	sadd.s32 $0x1FF, s4;
	s8 =	sadd.s32 $0xFFFFFE00, s4  }
0xb: {  	s18 =	sshra.s32 s9, $0x1F;
	s10 =	sshra.s32 s8, $0x1F;
	p0 =	slt.s32 s8, $0x200  }
0xc: {  	s3 =	smov.u32 s8;
	s19 =	sshrl.u32 s18, $0x17;
	s20 =	sand.u32 s10, s8  }
0xd: {  	s3 =	simm.s32 @!p0 $0x200;
	p0 =	slt.s32 s8, $0x400;
	s10 =	sadd.s32 s6, s20  }
0xe: {  	s4 =	sadd.s32 s19, s9;
	s3 =	sadd.s32 s6, s3;
	s21 =	sadd.s32 s1, s10  }
0xf: {  	s19 =	smax.u32 s0, $0x1;
	s10 =	sadd.s32 s10, s11;
	[dreg:$0x5] =	wrdreg s21  }
0x10: {  	s4 =	sshra.s32 s4, $0x9;
	s13 =	sadd.s32 s1, s3;
	[dreg:$0x6] =	wrdreg s10  }
0x11: {  	s3 =	sadd.s32 s3, s11;
	s9 =	sadd.s32 s18, s4;
	[dreg:$0x7] =	wrdreg s13  }
0x12: {  	s10 =	smov.u32 s8;
	[dreg:$0x8] =	wrdreg s3;
	s21 =	simm.s32 $0xF42400  }
0x13: {  	s4 =	sshll.u32 s9, $0x10;
	s12 =	smul.u32 $0xFFFFAAAB, s9;
	s10 =	simm.s32 @!p0 $0x400  }
0x14: {  	p6 =	slt.s32 s9, $0xFFFFFFFF;
	s4 =	sadd.s32 $0x20000, s4;
	s22 =	sadd.s32 s6, s10  }
0x15: {  	s4 =	sshra.s32 s4, $0x10;
	s23 =	sadd.s32 $0xFFFF8000, s12;
	s24 =	sadd.s32 s1, s22  }
0x16: {  	s16 =	sadd.s32 s22, s11;
	s22 =	simm.s32 $0x6200;
	s4 =	smul.u32 $0x5556, s4  }
0x17: {  	[dreg:$0x9] =	wrdreg s24;
	s10 =	sand.u32 $0xFFFF, s23;
	s24 =	simm.s32 $0x5  }
0x18: {  	p1 =	sgt.u32 s10, $0x5554;
	s25 =	sshrl.u32 s4, $0x1F;
	s4 =	sshrl.u32 s4, $0x10  }
.Ltmp0:
0x19: {  	p0 =	por !p6, !p1;
	s26 =	sadd.s32 s25, s4;
	(pc) =	sbr.rel .LBB2_1-.Ltmp0, $4  }
0x1a: {  	p0 =	por !p0, !p0;
	s4 =	simm.s32 $0x1;
	s3 =	sshll.u32 s26, $0x10  }
0x1b: {  	v2 =	vlaneseq.u32;
	s4 =	simm.s32 @!p0 $0x0;
	p0 =	slt.s32 s9, $0x2;
	s3 =	sshra.s32 s3, $0x10  }
0x1c: {  	v3 =	vimm.s32 $0x1E8680;
	v4 =	vimm.s32 $0x0;
	vm0 =	vmmov $0xffff;
	s25 =	simm.s32 $0x1E200;
	p1 =	seq.s32 @!p0 s9, $0x2;
	s18 =	ssub.s32 s3, s4  }
0x1d: {  	v5 =	vmul.u32 $0x80, v2;
	v1 =	vmov s6;
	v0 =	vmov s15;
	s26 =	simm.s32 $0x4;
	p1 =	por p1, p0;
	p2 =	slt.s32 s18, $0x1  }
.LBB2_47:
0x1e: {  	s2 =	sadd.s32 $0x1, s2  }
0x1f: {  	p3 =	sne.s32 s2, s19  }
.Ltmp1:
0x20: {  	_ = 	snop;
	(pc) =	sbr.rel @!p3 .LBB2_48-.Ltmp1, $1  }
0x21: {  	_ =	sdelay $0x3  }
.LBB2_1:
0x22: {  	s0 =	rddreg [dreg:$0x5]  }
0x23: {  	s3 =	simm.s32 $0x1000;
	s20 =	rddreg [dreg:$0x6]  }
0x24: {  	[tilespmem:s22], [sflag:$0x1] =	stream.strided.gather [hbm4b:s0+s3], $0x4000, s21, s3, $0x38;
	[tilespmem:$0x1EA00] =	vst v63  }
0x25: {  	s4 =	simm.s32 $0xA200;
	s10 =	rddreg [dreg:$0x7]  }
0x26: {  	[tilespmem:s4], [sflag:$0x1] =	stream.strided.gather [hbm4b:s20+s3], $0x4000, s21, s3, $0x38;
	[tilespmem:$0x1EA00] =	vst v63  }
0x27: {  	s0 =	simm.s32 @!p0 $0x1000;
	s3 =	simm.s32 @!p0 $0xF42400;
	s4 =	simm.s32 @!p0 $0xE200  }
0x28: {  	[tilespmem:s4], [sflag:$0x2] =	stream.strided.gather @!p0 [hbm4b:s10+s0], $0x4000, s3, s0, $0x38;
	[tilespmem:$0x1EA00] =	vst v63  }
0x29: {  	s4 =	simm.s32 @!p0 $0x12200;
	s10 =	rddreg [dreg:$0x8]  }
0x2a: {  	[tilespmem:s4], [sflag:$0x2] =	stream.strided.gather @!p0 [hbm4b:s10+s0], $0x4000, s3, s0, $0x38;
	[tilespmem:$0x1EA00] =	vst v63  }
0x2b: {  	s0 =	simm.s32 @!p1 $0x1000  }
0x2c: {  	s3 =	simm.s32 @!p1 $0xF42400;
	s4 =	simm.s32 @!p1 $0x16200;
	s10 =	rddreg [dreg:$0x9]  }
0x2d: {  	[tilespmem:s4], [sflag:$0x3] =	stream.strided.gather @!p1 [hbm4b:s10+s0], $0x4000, s3, s0, $0x38;
	[tilespmem:$0x1EA00] =	vst v63  }
0x2e: {  	s4 =	simm.s32 @!p1 $0x1A200  }
0x2f: {  	[tilespmem:s4], [sflag:$0x3] =	stream.strided.gather @!p1 [hbm4b:s16+s0], $0x4000, s3, s0, $0x38;
	[tilespmem:$0x1EA00] =	vst v63  }
0x30: {  	s23 =	rddreg [dreg:$0x1]  }
0x31: {  	[tilespmem:s5], [sflag:$0x5] =	stream.linear.gather [hbm4b:s23+s5], $0x4000, $0x38;
	[tilespmem:$0x1EA00] =	vst v63  }
0x32: {  	_ =	swait.ge [sflag:s24], $0x4000  }
0x33: {  	[sflag:s24] =	ssyncset.done $0x0  }
0x34: {  	[sflag:s24] =	ssyncadd.s32 $0xFFFFC000  }
0x35: {  	v6 =	vld [tilespmem:s5+$0x0];
	_ =	sdelay $0x4  }
0x36: {  	vm1 =	vge.s32 v6, v1;
	vm2 =	vlt.s32 v6, v0  }
0x37: {  	vm1 =	vmand vm1, vm2  }
0x38: {  	v7 =	vmpcnt.ones.xlane vm1;
	_ =	sdelay $0x1  }
0x39: {  	(v2sf) =	vpush v7, $0x0;
	_ =	sdelay $0x3  }
0x3a: {  	v6 =	vsub.s32 v6, v1  }
0x3b: {  	[tilespmem:s5+$0x4000] =	vst.msk vm1, v6;
	v6 =	vor.u32 s5, v2  }
0x3c: {  	s0 =	simm.s32 $0x10;
	[tilespmem:s5+$0x4880] =	vst.msk vm1, v6  }
0x3d: {  	s10 =	simm.s32 $0x10;
	s4 =	simm.s32 $0x20;
	s3 =	simm.s32 $0x0;
	v6 =	vld [tilespmem:s0+$0x0]  }
.LBB2_2:
0x3e: {  	p3 =	sne.s32 s4, $0x3FF0;
	_ =	sdelay $0x3  }
0x3f: {  	vm1 =	vge.s32 v6, v1;
	vm2 =	vlt.s32 v6, v0;
	v6 =	vsub.s32 v6, v1  }
0x40: {  	vm1 =	vmand vm1, vm2  }
0x41: {  	v7 =	vmpcnt.ones.xlane vm1  }
0x42: {  	s12 =	spop (v2sf)  }
0x43: {  	(v2sf) =	vpush v7, $0x0;
	s3 =	sadd.s32 s3, s12  }
0x44: {  	p4 =	slt.s32 s3, $0x800  }
0x45: {  	s3 =	simm.s32 @!p4 $0x800  }
.Ltmp2:
0x46: {  	[tilespmem:s3+$0x4000] =	vst.msk vm1, v6;
	v6 =	vor.u32 s0, v2;
	s0 =	smov.u32 s4;
	(pc) =	sbr.rel @p3 .LBB2_2-.Ltmp2, $3  }
0x47: {  	[tilespmem:s3+$0x4880] =	vst.msk vm1, v6;
	_ =	sdelay $0x1  }
0x48: {  	s10 =	sadd.s32 $0x10, s10  }
0x49: {  	s4 =	sadd.s32 $0x10, s4;
	v6 =	vld [tilespmem:s10+$0x0]  }
0x4a: {  	_ =	sdelay $0x3  }
0x4b: {  	vm1 =	vge.s32 v6, v1;
	vm2 =	vlt.s32 v6, v0  }
0x4c: {  	vm1 =	vmand vm1, vm2  }
0x4d: {  	v7 =	vmpcnt.ones.xlane vm1;
	_ =	sdelay $0x1  }
0x4e: {  	(v2sf) =	vpush v7, $0x0;
	_ =	sdelay $0x7  }
0x4f: {  	s4 =	spop (v2sf)  }
0x50: {  	s3 =	sadd.s32 s3, s4  }
0x51: {  	p3 =	slt.s32 s3, $0x800  }
0x52: {  	v6 =	vsub.s32 v6, v1;
	s3 =	simm.s32 @!p3 $0x800  }
0x53: {  	[tilespmem:s3+$0x4000] =	vst.msk vm1, v6;
	v6 =	vor.u32 s0, v2  }
0x54: {  	s20 =	simm.s32 $0x0;
	s10 =	rddreg [dreg:$0x2];
	[tilespmem:s3+$0x4880] =	vst.msk vm1, v6  }
0x55: {  	[tilespmem:s20], [sflag:$0x5] =	stream.linear.gather [hbm4b:s10+s20], $0x4000, $0x38;
	[tilespmem:$0x1EA00] =	vst v63  }
0x56: {  	s15 =	spop (v2sf)  }
0x57: {  	_ =	swait.ge [sflag:s24], $0x4000  }
0x58: {  	[sflag:s24] =	ssyncset.done $0x0  }
0x59: {  	[sflag:s24] =	ssyncadd.s32 $0xFFFFC000  }
0x5a: {  	v6 =	vld [tilespmem:s20+$0x0];
	_ =	sdelay $0x4  }
0x5b: {  	v6 =	vadd.s32 $0xF4240, v6  }
0x5c: {  	vm1 =	vge.s32 v6, v1;
	vm2 =	vlt.s32 v6, v0  }
0x5d: {  	vm1 =	vmand vm1, vm2  }
0x5e: {  	v7 =	vmpcnt.ones.xlane vm1;
	_ =	sdelay $0x1  }
0x5f: {  	(v2sf) =	vpush v7, $0x0  }
0x60: {  	s0 =	sadd.s32 s3, s15  }
0x61: {  	p3 =	slt.s32 s0, $0x800  }
0x62: {  	s23 =	simm.s32 $0x4000;
	s0 =	simm.s32 @!p3 $0x800;
	v6 =	vsub.s32 v6, v1  }
0x63: {  	[tilespmem:s0+$0x4000] =	vst.msk vm1, v6;
	v6 =	vor.u32 s23, v2  }
0x64: {  	s4 =	simm.s32 $0x10;
	[tilespmem:s0+$0x4880] =	vst.msk vm1, v6  }
0x65: {  	s10 =	simm.s32 $0x4020;
	s3 =	simm.s32 $0x4010;
	v6 =	vld [tilespmem:s4+$0x0]  }
.LBB2_4:
0x66: {  	p3 =	sne.s32 s10, $0x7FF0;
	_ =	sdelay $0x3  }
0x67: {  	v6 =	vadd.s32 $0xF4240, v6  }
0x68: {  	vm1 =	vge.s32 v6, v1;
	vm2 =	vlt.s32 v6, v0;
	v6 =	vsub.s32 v6, v1  }
0x69: {  	vm1 =	vmand vm1, vm2  }
0x6a: {  	v7 =	vmpcnt.ones.xlane vm1  }
0x6b: {  	s12 =	spop (v2sf)  }
0x6c: {  	(v2sf) =	vpush v7, $0x0;
	s0 =	sadd.s32 s0, s12  }
0x6d: {  	p4 =	slt.s32 s0, $0x800  }
.Ltmp3:
0x6e: {  	s0 =	simm.s32 @!p4 $0x800;
	(pc) =	sbr.rel @p3 .LBB2_4-.Ltmp3, $4  }
0x6f: {  	[tilespmem:s0+$0x4000] =	vst.msk vm1, v6;
	v6 =	vor.u32 s3, v2;
	s3 =	smov.u32 s10  }
0x70: {  	[tilespmem:s0+$0x4880] =	vst.msk vm1, v6  }
0x71: {  	s4 =	sadd.s32 $0x10, s4  }
0x72: {  	s10 =	sadd.s32 $0x10, s10;
	v6 =	vld [tilespmem:s4+$0x0]  }
0x73: {  	_ =	sdelay $0x3  }
0x74: {  	v6 =	vadd.s32 $0xF4240, v6  }
0x75: {  	vm1 =	vge.s32 v6, v1;
	vm2 =	vlt.s32 v6, v0  }
0x76: {  	vm1 =	vmand vm1, vm2  }
0x77: {  	v7 =	vmpcnt.ones.xlane vm1;
	_ =	sdelay $0x1  }
0x78: {  	(v2sf) =	vpush v7, $0x0;
	_ =	sdelay $0xb  }
0x79: {  	s4 =	spop (v2sf)  }
0x7a: {  	s4 =	sadd.s32 s0, s4  }
0x7b: {  	p3 =	slt.s32 s4, $0x800  }
0x7c: {  	s4 =	simm.s32 @!p3 $0x800;
	s23 =	spop (v2sf)  }
.Ltmp4:
0x7d: {  	v6 =	vsub.s32 v6, v1;
	s0 =	sadd.s32 s4, s23;
	(pc) =	sbr.rel @p2 .LBB2_47-.Ltmp4, $4  }
0x7e: {  	[tilespmem:s4+$0x4000] =	vst.msk vm1, v6;
	v6 =	vor.u32 s3, v2;
	p3 =	slt.s32 s0, $0x800;
	s3 =	smov.u32 s0  }
0x7f: {  	[tilespmem:s4+$0x4880] =	vst.msk vm1, v6;
	s3 =	simm.s32 @!p3 $0x800  }
0x80: {  	[tilespmem:s3+$0x4000] =	vst v3  }
0x81: {  	[tilespmem:s3+$0x4880] =	vst v4  }
0x82: {  	s3 =	sadd.s32 $0xF, s3  }
0x83: {  	p3 =	slt.s32 s0, $0xFFFFFFF2;
	s4 =	sand.u32 $0xF, s3  }
.Ltmp5:
0x84: {  	s10 =	sshra.s32 s3, $0x1F;
	p4 =	sne.s32 s4, $0x0;
	(pc) =	sbr.rel .LBB2_7-.Ltmp5, $4  }
0x85: {  	s23 =	sshrl.u32 s10, $0x1C;
	p3 =	por !p3, !p4  }
0x86: {  	s0 =	sadd.s32 s23, s3;
	s3 =	simm.s32 $0x1;
	p3 =	por !p3, !p3  }
0x87: {  	s0 =	sshra.s32 s0, $0x4;
	s3 =	simm.s32 @!p3 $0x0  }
0x88: {  	s0 =	ssub.s32 s0, s3;
	s3 =	simm.s32 $0x0  }
.LBB2_45:
0x89: {  	s4 =	sadd.s32 $0x5, s4  }
0x8a: {  	p3 =	sge.s32 s4, s9  }
0x8b: {  	s4 =	sshll.u32 @!p3 s4, $0x9  }
0x8c: {  	p4 =	slt.s32 @!p3 s4, s8  }
0x8d: {  	p4 =	por !p4, p3  }
0x8e: {  	s4 =	smov.u32 @p4 s8  }
0x8f: {  	s12 =	simm.s32 @!p3 $0x1000;
	s4 =	sadd.s32 @!p3 s6, s4  }
0x90: {  	s13 =	simm.s32 @!p3 $0xF42400;
	s14 =	simm.s32 @!p3 $0x16200;
	s10 =	sadd.s32 @!p3 s1, s4  }
0x91: {  	[tilespmem:s14], [sflag:$0x3] =	stream.strided.gather @!p3 [hbm4b:s10+s12], $0x4000, s13, s12, $0x38;
	[tilespmem:$0x1EA00] =	vst v63  }
0x92: {  	s4 =	sadd.s32 @!p3 s4, s11;
	s10 =	simm.s32 @!p3 $0x1A200  }
0x93: {  	[tilespmem:s10], [sflag:$0x3] =	stream.strided.gather @!p3 [hbm4b:s4+s12], $0x4000, s13, s12, $0x38;
	[tilespmem:$0x1EA00] =	vst v63  }
.LBB2_46:
0x94: {  	s3 =	sadd.s32 $0x1, s3  }
0x95: {  	p3 =	sne.s32 s3, s18  }
.Ltmp6:
0x96: {  	_ = 	snop;
	(pc) =	sbr.rel @!p3 .LBB2_47-.Ltmp6, $1  }
0x97: {  	_ =	sdelay $0x3  }
.LBB2_7:
0x98: {  	s4 =	smul.u32 $0x3, s3;
	_ =	sdelay $0x1  }
0x99: {  	p3 =	sge.s32 s4, s9  }
.Ltmp7:
0x9a: {  	_ = 	snop;
	(pc) =	sbr.rel @p3 .LBB2_20-.Ltmp7, $1  }
0x9b: {  	_ =	sdelay $0x3  }
0x9c: {  	p3 =	slt.s32 s0, $0x1  }
.Ltmp8:
0x9d: {  	_ = 	snop;
	(pc) =	sbr.rel @p3 .LBB2_19-.Ltmp8, $4  }
0x9e: {  	_ = 	snop  }
0x9f: {  	_ =	swait.ge [sflag:s17], $0x8000  }
0xa0: {  	[sflag:s17] =	ssyncset.done $0x0  }
0xa1: {  	[sflag:s17] =	ssyncadd.s32 $0xFFFF8000  }
0xa2: {  	s10 =	smul.u32 $0x600, s3;
	p4 =	sne.s32 s0, $0x1  }
.Ltmp9:
0xa3: {  	_ = 	snop;
	(pc) =	sbr.rel @!p4 .LBB2_10-.Ltmp9, $4  }
0xa4: {  	s12 =	smov.u32 s8;
	p3 =	slt.s32 s10, s8  }
0xa5: {  	s12 =	smov.u32 @p3 s10  }
0xa6: {  	s23 =	simm.s32 $0x0;
	s13 =	simm.s32 $0x4000;
	s10 =	sadd.s32 $0x200, s12  }
0xa7: {  	v8 =	vld [tilespmem:s13+$0x0];
	p3 =	por $0x0, $0x0;
	v6 =	vmov s12;
	s12 =	sadd.s32 $0xFFFFFFFF, s0;
	v7 =	vmov s10;
	s10 =	simm.s32 $0x4880  }
0xa8: {  	_ =	sdelay $0x3  }
0xa9: {  	vm1 =	vge.s32 v8, v6;
	vm2 =	vlt.s32 v8, v7  }
0xaa: {  	vm1 =	vmand vm1, vm2  }
0xab: {  	v10 =	vmpcnt.ones.xlane vm1;
	_ =	sdelay $0x1  }
0xac: {  	(v2sf) =	vpush v10, $0x0  }
0xad: {  	v9 =	vld [tilespmem:s10+$0x0]  }
0xae: {  	p4 =	sne.s32 s12, $0x1  }
.Ltmp10:
0xaf: {  	_ = 	snop;
	(pc) =	sbr.rel @!p4 .LBB2_12-.Ltmp10, $4  }
0xb0: {  	v8 =	vsub.s32 v8, v6  }
0xb1: {  	[tilespmem:s23+$0x5100] =	vst.msk vm1, v8  }
0xb2: {  	s14 =	simm.s32 $0x4010;
	s15 =	sadd.s32 $0xFFFFFFFF, s12;
	[tilespmem:s23+$0x5980] =	vst.msk vm1, v9  }
0xb3: {  	p3 =	por $0x1, $0x1;
	s12 =	simm.s32 $0x4880;
	s13 =	simm.s32 $0x0;
	v8 =	vld [tilespmem:s14+$0x0]  }
.LBB2_13:
0xb4: {  	p4 =	sne.s32 s15, $0x1;
	_ =	sdelay $0x3  }
0xb5: {  	vm1 =	vge.s32 v8, v6;
	vm2 =	vlt.s32 v8, v7;
	v8 =	vsub.s32 v8, v6  }
0xb6: {  	vm1 =	vmand vm1, vm2  }
0xb7: {  	s12 =	sadd.s32 $0x10, s12;
	v9 =	vmpcnt.ones.xlane vm1  }
0xb8: {  	v10 =	vld [tilespmem:s12+$0x0];
	s20 =	spop (v2sf)  }
0xb9: {  	(v2sf) =	vpush v9, $0x0;
	s13 =	sadd.s32 s13, s20  }
0xba: {  	p5 =	slt.s32 s13, $0x800  }
0xbb: {  	s13 =	simm.s32 @!p5 $0x800  }
.Ltmp11:
0xbc: {  	[tilespmem:s13+$0x5100] =	vst.msk vm1, v8;
	(pc) =	sbr.rel @p4 .LBB2_13-.Ltmp11, $3  }
0xbd: {  	[tilespmem:s13+$0x5980] =	vst.msk vm1, v10;
	_ =	sdelay $0x1  }
0xbe: {  	s14 =	sadd.s32 $0x10, s14  }
0xbf: {  	s15 =	sadd.s32 $0xFFFFFFFF, s15;
	v8 =	vld [tilespmem:s14+$0x0]  }
.LBB2_14:
0xc0: {  	_ =	sdelay $0x3  }
0xc1: {  	vm1 =	vge.s32 v8, v6;
	vm2 =	vlt.s32 v8, v7  }
0xc2: {  	vm1 =	vmand vm1, vm2  }
0xc3: {  	v7 =	vmpcnt.ones.xlane vm1;
	_ =	sdelay $0x1  }
0xc4: {  	(v2sf) =	vpush v7, $0x0;
	_ =	sdelay $0x9  }
0xc5: {  	s14 =	spop @p3 (v2sf)  }
0xc6: {  	s13 =	sadd.s32 @p3 s13, s14  }
0xc7: {  	p4 =	slt.s32 @p3 s13, $0x800  }
0xc8: {  	p4 =	por !p4, !p3  }
0xc9: {  	s12 =	sadd.s32 @p3 $0x10, s12;
	s13 =	simm.s32 @p4 $0x800  }
0xca: {  	s10 =	smov.u32 @p3 s12;
	s23 =	smov.u32 @p3 s13;
	s20 =	spop (v2sf)  }
0xcb: {  	v7 =	vld [tilespmem:s10+$0x0];
	s10 =	sadd.s32 s23, s20  }
0xcc: {  	p4 =	slt.s32 s10, $0x1  }
.Ltmp12:
0xcd: {  	_ = 	snop;
	(pc) =	sbr.rel @p4 .LBB2_19-.Ltmp12, $4  }
0xce: {  	_ = 	snop  }
0xcf: {  	v6 =	vsub.s32 v8, v6  }
0xd0: {  	[tilespmem:s23+$0x5100] =	vst.msk vm1, v6;
	p3 =	slt.s32 s10, $0x800  }
0xd1: {  	[tilespmem:s23+$0x5980] =	vst.msk vm1, v7;
	s10 =	simm.s32 @!p3 $0x800  }
0xd2: {  	v6 =	vld.msk [tilespmem:$0x5100 ss:$0x0], $0xffff  }
0xd3: {  	v7 =	vld.msk [tilespmem:$0x5980 ss:$0x0], $0xffff;
	_ =	sdelay $0x3  }
0xd4: {  	s12 =	sadd.s32 $0xF, s10;
	[tilespmem:s10+$0x5100] =	vst v6  }
0xd5: {  	s23 =	simm.s32 $0x0;
	[tilespmem:s10+$0x5980] =	vst v7;
	s10 =	sshrl.u32 s12, $0x4;
	s12 =	simm.s32 $0x0  }
.LBB2_16:
0xd6: {  	s14 =	sshll.u32 s12, $0x4  }
0xd7: {  	v6 =	vld [tilespmem:s14+$0x5100];
	_ =	sdelay $0x3  }
0xd8: {  	v8 =	vmov s23  }
0xd9: {  	v9 =	vshll.u32 v8, $0x9;
	v7 =	vshll.u32 v6, $0x3  }
0xda: {  	v8 =	vshll.u32 v8, $0x7;
	v9 =	vand.u32 $0x7000, v9;
	v7 =	vand.u32 $0xFFFFFC00, v7  }
0xdb: {  	v8 =	vand.u32 $0x380, v8;
	v9 =	vadd.s32 v7, v9  }
0xdc: {  	v6 =	vand.u32 $0x7F, v6;
	v8 =	vor.u32 v8, v9  }
0xdd: {  	s13 =	simm.s32 $0x1;
	v9 =	vor.u32 v6, v8  }
0xde: {  	v8 =	vmov s13  }
0xdf: {  	v10 =	vshll.u32 v8, $0x9  }
0xe0: {  	v8 =	vshll.u32 v8, $0x7;
	v10 =	vand.u32 $0x7000, v10  }
0xe1: {  	v11 =	vand.u32 $0x380, v8;
	v10 =	vadd.s32 v7, v10  }
0xe2: {  	v10 =	vor.u32 v11, v10;
	v11 =	vor.u32 s23, v5;
	v9 =	vld.idx.msk [tilespmem:v9+s22+$0x0], $0xffff  }
0xe3: {  	v10 =	vor.u32 v6, v10  }
0xe4: {  	v8 =	vld [tilespmem:s14+$0x5980];
	s14 =	simm.s32 $0x2  }
0xe5: {  	s15 =	simm.s32 $0x3;
	v12 =	vmov s14  }
.LBB2_17:
0xe6: {  	p3 =	sne.s32 s15, $0x3F;
	v13 =	vshll.u32 v12, $0x9  }
0xe7: {  	v12 =	vshll.u32 v12, $0x7;
	v13 =	vand.u32 $0x7000, v13;
	[tilespmem:v11+s25+$0x0] =	vst.idx.msk $0xffff, v9  }
.Ltmp13:
0xe8: {  	v12 =	vand.u32 $0x380, v12;
	v11 =	vadd.s32 v7, v13;
	v9 =	vld.idx.msk [tilespmem:v10+s22+$0x0], $0xffff;
	(pc) =	sbr.rel @p3 .LBB2_17-.Ltmp13, $3  }
0xe9: {  	v10 =	vor.u32 v12, v11;
	v11 =	vor.u32 s13, v5;
	s13 =	smov.u32 s14;
	s14 =	smov.u32 s15  }
0xea: {  	v10 =	vor.u32 v6, v10;
	_ =	sdelay $0x1  }
0xeb: {  	s15 =	sadd.s32 $0x1, s15;
	v12 =	vmov s14  }
0xec: {  	_ =	sdelay $0x1  }
0xed: {  	v13 =	vshll.u32 v12, $0x9  }
0xee: {  	v61 =	vshll.u32 v12, $0x7;
	v13 =	vand.u32 $0x7000, v13  }
0xef: {  	[tilespmem:v11+s25+$0x0] =	vst.idx.msk $0xffff, v9;
	v62 =	vand.u32 $0x380, v61;
	v7 =	vadd.s32 v7, v13  }
0xf0: {  	v63 =	vor.u32 s13, v5;
	v10 =	vld.idx.msk [tilespmem:v10+s22+$0x0], $0xffff;
	v7 =	vor.u32 v62, v7  }
0xf1: {  	v6 =	vor.u32 v6, v7;
	_ =	sdelay $0x3  }
0xf2: {  	[tilespmem:v63+s25+$0x0] =	vst.idx.msk $0xffff, v10  }
0xf3: {  	v7 =	vor.u32 s14, v5;
	v6 =	vld.idx.msk [tilespmem:v6+s22+$0x0], $0xffff;
	_ =	sdelay $0x2  }
0xf4: {  	s12 =	sadd.s32 $0x1, s12  }
0xf5: {  	p3 =	sne.s32 s12, s10  }
.Ltmp14:
0xf6: {  	[tilespmem:v7+s25+$0x0] =	vst.idx.msk $0xffff, v6;
	(pc) =	sbr.rel @p3 .LBB2_16-.Ltmp14, $4  }
0xf7: {  	[hbm4b:s7+s5] =	stream.indirect_vreg.scatter [tilespmem:s25], [sflag:$0x4], $0x80, v8, vm0, $0xb8;
	[tilespmem:$0x1EA00] =	vst v63  }
0xf8: {  	_ =	swait.ge [sflag:s26], $0x800  }
0xf9: {  	[sflag:s26] =	ssyncset.done $0x0  }
0xfa: {  	[sflag:s26] =	ssyncadd.s32 $0xFFFFF800  }
.LBB2_19:
0xfb: {  	s10 =	sadd.s32 $0x3, s4  }
0xfc: {  	p3 =	sge.s32 s10, s9  }
0xfd: {  	s10 =	sshll.u32 @!p3 s10, $0x9  }
0xfe: {  	p4 =	slt.s32 @!p3 s10, s8  }
0xff: {  	p4 =	por !p4, p3  }
0x100: {  	s10 =	smov.u32 @p4 s8  }
0x101: {  	s13 =	simm.s32 @!p3 $0x1000;
	s10 =	sadd.s32 @!p3 s6, s10  }
0x102: {  	s14 =	simm.s32 @!p3 $0xF42400;
	s15 =	simm.s32 @!p3 $0x6200;
	s12 =	sadd.s32 @!p3 s1, s10  }
0x103: {  	[tilespmem:s15], [sflag:$0x1] =	stream.strided.gather @!p3 [hbm4b:s12+s13], $0x4000, s14, s13, $0x38;
	[tilespmem:$0x1EA00] =	vst v63  }
0x104: {  	s10 =	sadd.s32 @!p3 s10, s11;
	s12 =	simm.s32 @!p3 $0xA200  }
0x105: {  	[tilespmem:s12], [sflag:$0x1] =	stream.strided.gather @!p3 [hbm4b:s10+s13], $0x4000, s14, s13, $0x38;
	[tilespmem:$0x1EA00] =	vst v63  }
.LBB2_20:
0x106: {  	s10 =	sadd.s32 $0x1, s4  }
0x107: {  	p3 =	sge.s32 s10, s9  }
.Ltmp15:
0x108: {  	_ = 	snop;
	(pc) =	sbr.rel @p3 .LBB2_33-.Ltmp15, $1  }
0x109: {  	_ =	sdelay $0x3  }
0x10a: {  	p3 =	slt.s32 s0, $0x1  }
.Ltmp16:
0x10b: {  	_ = 	snop;
	(pc) =	sbr.rel @p3 .LBB2_32-.Ltmp16, $4  }
0x10c: {  	_ = 	snop  }
0x10d: {  	_ =	swait.ge [sflag:s28], $0x8000  }
0x10e: {  	[sflag:s28] =	ssyncset.done $0x0  }
0x10f: {  	[sflag:s28] =	ssyncadd.s32 $0xFFFF8000  }
0x110: {  	p4 =	sne.s32 s0, $0x1  }
.Ltmp17:
0x111: {  	s10 =	sshll.u32 s10, $0x9;
	(pc) =	sbr.rel @!p4 .LBB2_23-.Ltmp17, $4  }
0x112: {  	s12 =	smov.u32 s8;
	p3 =	slt.s32 s10, s8  }
0x113: {  	s12 =	smov.u32 @p3 s10  }
0x114: {  	s23 =	simm.s32 $0x0;
	s13 =	simm.s32 $0x4000;
	s10 =	sadd.s32 $0x200, s12  }
0x115: {  	v8 =	vld [tilespmem:s13+$0x0];
	p3 =	por $0x0, $0x0;
	v6 =	vmov s12;
	s12 =	sadd.s32 $0xFFFFFFFF, s0;
	v7 =	vmov s10;
	s10 =	simm.s32 $0x4880  }
0x116: {  	_ =	sdelay $0x3  }
0x117: {  	vm1 =	vge.s32 v8, v6;
	vm2 =	vlt.s32 v8, v7  }
0x118: {  	vm1 =	vmand vm1, vm2  }
0x119: {  	v10 =	vmpcnt.ones.xlane vm1;
	_ =	sdelay $0x1  }
0x11a: {  	(v2sf) =	vpush v10, $0x0  }
0x11b: {  	v9 =	vld [tilespmem:s10+$0x0]  }
0x11c: {  	p4 =	sne.s32 s12, $0x1  }
.Ltmp18:
0x11d: {  	_ = 	snop;
	(pc) =	sbr.rel @!p4 .LBB2_25-.Ltmp18, $4  }
0x11e: {  	v8 =	vsub.s32 v8, v6  }
0x11f: {  	[tilespmem:s23+$0x5100] =	vst.msk vm1, v8  }
0x120: {  	s14 =	simm.s32 $0x4010;
	s15 =	sadd.s32 $0xFFFFFFFF, s12;
	[tilespmem:s23+$0x5980] =	vst.msk vm1, v9  }
0x121: {  	p3 =	por $0x1, $0x1;
	s12 =	simm.s32 $0x4880;
	s13 =	simm.s32 $0x0;
	v8 =	vld [tilespmem:s14+$0x0]  }
.LBB2_26:
0x122: {  	p4 =	sne.s32 s15, $0x1;
	_ =	sdelay $0x3  }
0x123: {  	vm1 =	vge.s32 v8, v6;
	vm2 =	vlt.s32 v8, v7;
	v8 =	vsub.s32 v8, v6  }
0x124: {  	vm1 =	vmand vm1, vm2  }
0x125: {  	s12 =	sadd.s32 $0x10, s12;
	v9 =	vmpcnt.ones.xlane vm1  }
0x126: {  	v10 =	vld [tilespmem:s12+$0x0];
	s20 =	spop (v2sf)  }
0x127: {  	(v2sf) =	vpush v9, $0x0;
	s13 =	sadd.s32 s13, s20  }
0x128: {  	p5 =	slt.s32 s13, $0x800  }
0x129: {  	s13 =	simm.s32 @!p5 $0x800  }
.Ltmp19:
0x12a: {  	[tilespmem:s13+$0x5100] =	vst.msk vm1, v8;
	(pc) =	sbr.rel @p4 .LBB2_26-.Ltmp19, $3  }
0x12b: {  	[tilespmem:s13+$0x5980] =	vst.msk vm1, v10;
	_ =	sdelay $0x1  }
0x12c: {  	s14 =	sadd.s32 $0x10, s14  }
0x12d: {  	s15 =	sadd.s32 $0xFFFFFFFF, s15;
	v8 =	vld [tilespmem:s14+$0x0]  }
.LBB2_27:
0x12e: {  	_ =	sdelay $0x3  }
0x12f: {  	vm1 =	vge.s32 v8, v6;
	vm2 =	vlt.s32 v8, v7  }
0x130: {  	vm1 =	vmand vm1, vm2  }
0x131: {  	v7 =	vmpcnt.ones.xlane vm1;
	_ =	sdelay $0x1  }
0x132: {  	(v2sf) =	vpush v7, $0x0;
	_ =	sdelay $0x9  }
0x133: {  	s14 =	spop @p3 (v2sf)  }
0x134: {  	s13 =	sadd.s32 @p3 s13, s14  }
0x135: {  	p4 =	slt.s32 @p3 s13, $0x800  }
0x136: {  	p4 =	por !p4, !p3  }
0x137: {  	s12 =	sadd.s32 @p3 $0x10, s12;
	s13 =	simm.s32 @p4 $0x800  }
0x138: {  	s10 =	smov.u32 @p3 s12;
	s23 =	smov.u32 @p3 s13;
	s20 =	spop (v2sf)  }
0x139: {  	v7 =	vld [tilespmem:s10+$0x0];
	s10 =	sadd.s32 s23, s20  }
0x13a: {  	p4 =	slt.s32 s10, $0x1  }
.Ltmp20:
0x13b: {  	_ = 	snop;
	(pc) =	sbr.rel @p4 .LBB2_32-.Ltmp20, $4  }
0x13c: {  	_ = 	snop  }
0x13d: {  	v6 =	vsub.s32 v8, v6  }
0x13e: {  	[tilespmem:s23+$0x5100] =	vst.msk vm1, v6;
	p3 =	slt.s32 s10, $0x800  }
0x13f: {  	[tilespmem:s23+$0x5980] =	vst.msk vm1, v7;
	s10 =	simm.s32 @!p3 $0x800  }
0x140: {  	v6 =	vld.msk [tilespmem:$0x5100 ss:$0x0], $0xffff  }
0x141: {  	v7 =	vld.msk [tilespmem:$0x5980 ss:$0x0], $0xffff;
	_ =	sdelay $0x3  }
0x142: {  	s12 =	sadd.s32 $0xF, s10;
	[tilespmem:s10+$0x5100] =	vst v6  }
0x143: {  	s23 =	simm.s32 $0x0;
	[tilespmem:s10+$0x5980] =	vst v7;
	s10 =	sshrl.u32 s12, $0x4;
	s12 =	simm.s32 $0x0  }
.LBB2_29:
0x144: {  	s14 =	sshll.u32 s12, $0x4  }
0x145: {  	v6 =	vld [tilespmem:s14+$0x5100];
	_ =	sdelay $0x3  }
0x146: {  	v8 =	vmov s23  }
0x147: {  	v9 =	vshll.u32 v8, $0x9;
	v7 =	vshll.u32 v6, $0x3  }
0x148: {  	v8 =	vshll.u32 v8, $0x7;
	v9 =	vand.u32 $0x7000, v9;
	v7 =	vand.u32 $0xFFFFFC00, v7  }
0x149: {  	v8 =	vand.u32 $0x380, v8;
	v9 =	vadd.s32 v7, v9  }
0x14a: {  	v6 =	vand.u32 $0x7F, v6;
	v8 =	vor.u32 v8, v9  }
0x14b: {  	s13 =	simm.s32 $0x1;
	v9 =	vor.u32 v6, v8  }
0x14c: {  	v8 =	vmov s13  }
0x14d: {  	v10 =	vshll.u32 v8, $0x9  }
0x14e: {  	v8 =	vshll.u32 v8, $0x7;
	v10 =	vand.u32 $0x7000, v10  }
0x14f: {  	v11 =	vand.u32 $0x380, v8;
	v10 =	vadd.s32 v7, v10  }
0x150: {  	v10 =	vor.u32 v11, v10;
	v11 =	vor.u32 s23, v5;
	v9 =	vld.idx.msk [tilespmem:v9+s29+$0x0], $0xffff  }
0x151: {  	v10 =	vor.u32 v6, v10  }
0x152: {  	v8 =	vld [tilespmem:s14+$0x5980];
	s14 =	simm.s32 $0x2  }
0x153: {  	s15 =	simm.s32 $0x3;
	v12 =	vmov s14  }
.LBB2_30:
0x154: {  	p3 =	sne.s32 s15, $0x3F;
	v13 =	vshll.u32 v12, $0x9  }
0x155: {  	v12 =	vshll.u32 v12, $0x7;
	v13 =	vand.u32 $0x7000, v13;
	[tilespmem:v11+s25+$0x0] =	vst.idx.msk $0xffff, v9  }
.Ltmp21:
0x156: {  	v12 =	vand.u32 $0x380, v12;
	v11 =	vadd.s32 v7, v13;
	v9 =	vld.idx.msk [tilespmem:v10+s29+$0x0], $0xffff;
	(pc) =	sbr.rel @p3 .LBB2_30-.Ltmp21, $3  }
0x157: {  	v10 =	vor.u32 v12, v11;
	v11 =	vor.u32 s13, v5;
	s13 =	smov.u32 s14;
	s14 =	smov.u32 s15  }
0x158: {  	v10 =	vor.u32 v6, v10;
	_ =	sdelay $0x1  }
0x159: {  	s15 =	sadd.s32 $0x1, s15;
	v12 =	vmov s14  }
0x15a: {  	_ =	sdelay $0x1  }
0x15b: {  	v13 =	vshll.u32 v12, $0x9  }
0x15c: {  	v61 =	vshll.u32 v12, $0x7;
	v13 =	vand.u32 $0x7000, v13  }
0x15d: {  	[tilespmem:v11+s25+$0x0] =	vst.idx.msk $0xffff, v9;
	v62 =	vand.u32 $0x380, v61;
	v7 =	vadd.s32 v7, v13  }
0x15e: {  	v63 =	vor.u32 s13, v5;
	v10 =	vld.idx.msk [tilespmem:v10+s29+$0x0], $0xffff;
	v7 =	vor.u32 v62, v7  }
0x15f: {  	v6 =	vor.u32 v6, v7;
	_ =	sdelay $0x3  }
0x160: {  	[tilespmem:v63+s25+$0x0] =	vst.idx.msk $0xffff, v10  }
0x161: {  	v7 =	vor.u32 s14, v5;
	v6 =	vld.idx.msk [tilespmem:v6+s29+$0x0], $0xffff;
	_ =	sdelay $0x2  }
0x162: {  	s12 =	sadd.s32 $0x1, s12  }
0x163: {  	p3 =	sne.s32 s12, s10  }
.Ltmp22:
0x164: {  	[tilespmem:v7+s25+$0x0] =	vst.idx.msk $0xffff, v6;
	(pc) =	sbr.rel @p3 .LBB2_29-.Ltmp22, $4  }
0x165: {  	[hbm4b:s7+s5] =	stream.indirect_vreg.scatter [tilespmem:s25], [sflag:$0x4], $0x80, v8, vm0, $0xb8;
	[tilespmem:$0x1EA00] =	vst v63  }
0x166: {  	_ =	swait.ge [sflag:s26], $0x800  }
0x167: {  	[sflag:s26] =	ssyncset.done $0x0  }
0x168: {  	[sflag:s26] =	ssyncadd.s32 $0xFFFFF800  }
.LBB2_32:
0x169: {  	s10 =	sadd.s32 $0x4, s4  }
0x16a: {  	p3 =	sge.s32 s10, s9  }
0x16b: {  	s10 =	sshll.u32 @!p3 s10, $0x9  }
0x16c: {  	p4 =	slt.s32 @!p3 s10, s8  }
0x16d: {  	p4 =	por !p4, p3  }
0x16e: {  	s10 =	smov.u32 @p4 s8  }
0x16f: {  	s13 =	simm.s32 @!p3 $0x1000;
	s10 =	sadd.s32 @!p3 s6, s10  }
0x170: {  	s14 =	simm.s32 @!p3 $0xF42400;
	s15 =	simm.s32 @!p3 $0xE200;
	s12 =	sadd.s32 @!p3 s1, s10  }
0x171: {  	[tilespmem:s15], [sflag:$0x2] =	stream.strided.gather @!p3 [hbm4b:s12+s13], $0x4000, s14, s13, $0x38;
	[tilespmem:$0x1EA00] =	vst v63  }
0x172: {  	s10 =	sadd.s32 @!p3 s10, s11;
	s12 =	simm.s32 @!p3 $0x12200  }
0x173: {  	[tilespmem:s12], [sflag:$0x2] =	stream.strided.gather @!p3 [hbm4b:s10+s13], $0x4000, s14, s13, $0x38;
	[tilespmem:$0x1EA00] =	vst v63  }
.LBB2_33:
0x174: {  	s10 =	sadd.s32 $0x2, s4  }
0x175: {  	p3 =	sge.s32 s10, s9  }
.Ltmp23:
0x176: {  	_ = 	snop;
	(pc) =	sbr.rel @p3 .LBB2_46-.Ltmp23, $1  }
0x177: {  	_ =	sdelay $0x3  }
0x178: {  	p3 =	slt.s32 s0, $0x1  }
.Ltmp24:
0x179: {  	_ = 	snop;
	(pc) =	sbr.rel @p3 .LBB2_45-.Ltmp24, $4  }
0x17a: {  	_ = 	snop  }
0x17b: {  	_ =	swait.ge [sflag:s30], $0x8000  }
0x17c: {  	[sflag:s30] =	ssyncset.done $0x0  }
0x17d: {  	[sflag:s30] =	ssyncadd.s32 $0xFFFF8000  }
0x17e: {  	p4 =	sne.s32 s0, $0x1  }
.Ltmp25:
0x17f: {  	s10 =	sshll.u32 s10, $0x9;
	(pc) =	sbr.rel @!p4 .LBB2_36-.Ltmp25, $4  }
0x180: {  	s12 =	smov.u32 s8;
	p3 =	slt.s32 s10, s8  }
0x181: {  	s12 =	smov.u32 @p3 s10  }
0x182: {  	s23 =	simm.s32 $0x0;
	s13 =	simm.s32 $0x4000;
	s10 =	sadd.s32 $0x200, s12  }
0x183: {  	v8 =	vld [tilespmem:s13+$0x0];
	p3 =	por $0x0, $0x0;
	v6 =	vmov s12;
	s12 =	sadd.s32 $0xFFFFFFFF, s0;
	v7 =	vmov s10;
	s10 =	simm.s32 $0x4880  }
0x184: {  	_ =	sdelay $0x3  }
0x185: {  	vm1 =	vge.s32 v8, v6;
	vm2 =	vlt.s32 v8, v7  }
0x186: {  	vm1 =	vmand vm1, vm2  }
0x187: {  	v10 =	vmpcnt.ones.xlane vm1;
	_ =	sdelay $0x1  }
0x188: {  	(v2sf) =	vpush v10, $0x0  }
0x189: {  	v9 =	vld [tilespmem:s10+$0x0]  }
0x18a: {  	p4 =	sne.s32 s12, $0x1  }
.Ltmp26:
0x18b: {  	_ = 	snop;
	(pc) =	sbr.rel @!p4 .LBB2_38-.Ltmp26, $4  }
0x18c: {  	v8 =	vsub.s32 v8, v6  }
0x18d: {  	[tilespmem:s23+$0x5100] =	vst.msk vm1, v8  }
0x18e: {  	s14 =	simm.s32 $0x4010;
	s15 =	sadd.s32 $0xFFFFFFFF, s12;
	[tilespmem:s23+$0x5980] =	vst.msk vm1, v9  }
0x18f: {  	p3 =	por $0x1, $0x1;
	s12 =	simm.s32 $0x4880;
	s13 =	simm.s32 $0x0;
	v8 =	vld [tilespmem:s14+$0x0]  }
.LBB2_39:
0x190: {  	p4 =	sne.s32 s15, $0x1;
	_ =	sdelay $0x3  }
0x191: {  	vm1 =	vge.s32 v8, v6;
	vm2 =	vlt.s32 v8, v7;
	v8 =	vsub.s32 v8, v6  }
0x192: {  	vm1 =	vmand vm1, vm2  }
0x193: {  	s12 =	sadd.s32 $0x10, s12;
	v9 =	vmpcnt.ones.xlane vm1  }
0x194: {  	v10 =	vld [tilespmem:s12+$0x0];
	s20 =	spop (v2sf)  }
0x195: {  	(v2sf) =	vpush v9, $0x0;
	s13 =	sadd.s32 s13, s20  }
0x196: {  	p5 =	slt.s32 s13, $0x800  }
0x197: {  	s13 =	simm.s32 @!p5 $0x800  }
.Ltmp27:
0x198: {  	[tilespmem:s13+$0x5100] =	vst.msk vm1, v8;
	(pc) =	sbr.rel @p4 .LBB2_39-.Ltmp27, $3  }
0x199: {  	[tilespmem:s13+$0x5980] =	vst.msk vm1, v10;
	_ =	sdelay $0x1  }
0x19a: {  	s14 =	sadd.s32 $0x10, s14  }
0x19b: {  	s15 =	sadd.s32 $0xFFFFFFFF, s15;
	v8 =	vld [tilespmem:s14+$0x0]  }
.LBB2_40:
0x19c: {  	_ =	sdelay $0x3  }
0x19d: {  	vm1 =	vge.s32 v8, v6;
	vm2 =	vlt.s32 v8, v7  }
0x19e: {  	vm1 =	vmand vm1, vm2  }
0x19f: {  	v7 =	vmpcnt.ones.xlane vm1;
	_ =	sdelay $0x1  }
0x1a0: {  	(v2sf) =	vpush v7, $0x0;
	_ =	sdelay $0x9  }
0x1a1: {  	s14 =	spop @p3 (v2sf)  }
0x1a2: {  	s13 =	sadd.s32 @p3 s13, s14  }
0x1a3: {  	p4 =	slt.s32 @p3 s13, $0x800  }
0x1a4: {  	p4 =	por !p4, !p3  }
0x1a5: {  	s12 =	sadd.s32 @p3 $0x10, s12;
	s13 =	simm.s32 @p4 $0x800  }
0x1a6: {  	s10 =	smov.u32 @p3 s12;
	s23 =	smov.u32 @p3 s13;
	s20 =	spop (v2sf)  }
0x1a7: {  	v7 =	vld [tilespmem:s10+$0x0];
	s10 =	sadd.s32 s23, s20  }
0x1a8: {  	p4 =	slt.s32 s10, $0x1  }
.Ltmp28:
0x1a9: {  	_ = 	snop;
	(pc) =	sbr.rel @p4 .LBB2_45-.Ltmp28, $4  }
0x1aa: {  	_ = 	snop  }
0x1ab: {  	v6 =	vsub.s32 v8, v6  }
0x1ac: {  	[tilespmem:s23+$0x5100] =	vst.msk vm1, v6;
	p3 =	slt.s32 s10, $0x800  }
0x1ad: {  	[tilespmem:s23+$0x5980] =	vst.msk vm1, v7;
	s10 =	simm.s32 @!p3 $0x800  }
0x1ae: {  	v6 =	vld.msk [tilespmem:$0x5100 ss:$0x0], $0xffff  }
0x1af: {  	v7 =	vld.msk [tilespmem:$0x5980 ss:$0x0], $0xffff;
	_ =	sdelay $0x3  }
0x1b0: {  	s12 =	sadd.s32 $0xF, s10;
	[tilespmem:s10+$0x5100] =	vst v6  }
0x1b1: {  	s23 =	simm.s32 $0x0;
	[tilespmem:s10+$0x5980] =	vst v7;
	s10 =	sshrl.u32 s12, $0x4;
	s12 =	simm.s32 $0x0  }
.LBB2_42:
0x1b2: {  	s14 =	sshll.u32 s12, $0x4  }
0x1b3: {  	v6 =	vld [tilespmem:s14+$0x5100];
	_ =	sdelay $0x3  }
0x1b4: {  	v8 =	vmov s23  }
0x1b5: {  	v9 =	vshll.u32 v8, $0x9;
	v7 =	vshll.u32 v6, $0x3  }
0x1b6: {  	v8 =	vshll.u32 v8, $0x7;
	v9 =	vand.u32 $0x7000, v9;
	v7 =	vand.u32 $0xFFFFFC00, v7  }
0x1b7: {  	v8 =	vand.u32 $0x380, v8;
	v9 =	vadd.s32 v7, v9  }
0x1b8: {  	v6 =	vand.u32 $0x7F, v6;
	v8 =	vor.u32 v8, v9  }
0x1b9: {  	s13 =	simm.s32 $0x1;
	v9 =	vor.u32 v6, v8  }
0x1ba: {  	v8 =	vmov s13  }
0x1bb: {  	v10 =	vshll.u32 v8, $0x9  }
0x1bc: {  	v8 =	vshll.u32 v8, $0x7;
	v10 =	vand.u32 $0x7000, v10  }
0x1bd: {  	v11 =	vand.u32 $0x380, v8;
	v10 =	vadd.s32 v7, v10  }
0x1be: {  	v10 =	vor.u32 v11, v10;
	v11 =	vor.u32 s23, v5;
	v9 =	vld.idx.msk [tilespmem:v9+s31+$0x0], $0xffff  }
0x1bf: {  	v10 =	vor.u32 v6, v10  }
0x1c0: {  	v8 =	vld [tilespmem:s14+$0x5980];
	s14 =	simm.s32 $0x2  }
0x1c1: {  	s15 =	simm.s32 $0x3;
	v12 =	vmov s14  }
.LBB2_43:
0x1c2: {  	p3 =	sne.s32 s15, $0x3F;
	v13 =	vshll.u32 v12, $0x9  }
0x1c3: {  	v12 =	vshll.u32 v12, $0x7;
	v13 =	vand.u32 $0x7000, v13;
	[tilespmem:v11+s25+$0x0] =	vst.idx.msk $0xffff, v9  }
.Ltmp29:
0x1c4: {  	v12 =	vand.u32 $0x380, v12;
	v11 =	vadd.s32 v7, v13;
	v9 =	vld.idx.msk [tilespmem:v10+s31+$0x0], $0xffff;
	(pc) =	sbr.rel @p3 .LBB2_43-.Ltmp29, $3  }
0x1c5: {  	v10 =	vor.u32 v12, v11;
	v11 =	vor.u32 s13, v5;
	s13 =	smov.u32 s14;
	s14 =	smov.u32 s15  }
0x1c6: {  	v10 =	vor.u32 v6, v10;
	_ =	sdelay $0x1  }
0x1c7: {  	s15 =	sadd.s32 $0x1, s15;
	v12 =	vmov s14  }
0x1c8: {  	_ =	sdelay $0x1  }
0x1c9: {  	v13 =	vshll.u32 v12, $0x9  }
0x1ca: {  	v61 =	vshll.u32 v12, $0x7;
	v13 =	vand.u32 $0x7000, v13  }
0x1cb: {  	[tilespmem:v11+s25+$0x0] =	vst.idx.msk $0xffff, v9;
	v62 =	vand.u32 $0x380, v61;
	v7 =	vadd.s32 v7, v13  }
0x1cc: {  	v63 =	vor.u32 s13, v5;
	v10 =	vld.idx.msk [tilespmem:v10+s31+$0x0], $0xffff;
	v7 =	vor.u32 v62, v7  }
0x1cd: {  	v6 =	vor.u32 v6, v7;
	_ =	sdelay $0x3  }
0x1ce: {  	[tilespmem:v63+s25+$0x0] =	vst.idx.msk $0xffff, v10  }
0x1cf: {  	v7 =	vor.u32 s14, v5;
	v6 =	vld.idx.msk [tilespmem:v6+s31+$0x0], $0xffff;
	_ =	sdelay $0x3  }
0x1d0: {  	s12 =	sadd.s32 $0x1, s12  }
0x1d1: {  	p3 =	sne.s32 s12, s10;
	[tilespmem:v7+s25+$0x0] =	vst.idx.msk $0xffff, v6  }
0x1d2: {  	[hbm4b:s7+s5] =	stream.indirect_vreg.scatter [tilespmem:s25], [sflag:$0x4], $0x80, v8, vm0, $0xb8;
	[tilespmem:$0x1EA00] =	vst v63  }
.Ltmp30:
0x1d3: {  	_ = 	snop;
	(pc) =	sbr.rel @p3 .LBB2_42-.Ltmp30, $4  }
.Ltmp31:
0x1d4: {  	_ = 	snop;
	(pc) =	sbr.rel @!p3 .LBB2_45-.Ltmp31, $4  }
0x1d5: {  	_ =	swait.ge [sflag:s26], $0x800  }
0x1d6: {  	[sflag:s26] =	ssyncset.done $0x0  }
0x1d7: {  	[sflag:s26] =	ssyncadd.s32 $0xFFFFF800  }
0x1d8: {  	_ = 	snop  }
.LBB2_10:
.Ltmp32:
0x1d9: {  	(pc) =	sbr.rel .LBB2_14-.Ltmp32, $2  }
0x1da: {  	_ =	sdelay $0x2  }
0x1db: {  	s12 =	simm.s32 $0x4880;
	s13 =	simm.s32 $0x0  }
.LBB2_23:
.Ltmp33:
0x1dc: {  	(pc) =	sbr.rel .LBB2_27-.Ltmp33, $2  }
0x1dd: {  	_ =	sdelay $0x2  }
0x1de: {  	s12 =	simm.s32 $0x4880;
	s13 =	simm.s32 $0x0  }
.LBB2_36:
.Ltmp34:
0x1df: {  	(pc) =	sbr.rel .LBB2_40-.Ltmp34, $2  }
0x1e0: {  	_ =	sdelay $0x2  }
0x1e1: {  	s12 =	simm.s32 $0x4880;
	s13 =	simm.s32 $0x0  }
.LBB2_12:
.Ltmp35:
0x1e2: {  	(pc) =	sbr.rel .LBB2_14-.Ltmp35, $2  }
0x1e3: {  	_ =	sdelay $0x2  }
0x1e4: {  	s12 =	simm.s32 $0x4880;
	s13 =	simm.s32 $0x0  }
.LBB2_25:
.Ltmp36:
0x1e5: {  	(pc) =	sbr.rel .LBB2_27-.Ltmp36, $2  }
0x1e6: {  	_ =	sdelay $0x2  }
0x1e7: {  	s12 =	simm.s32 $0x4880;
	s13 =	simm.s32 $0x0  }
.LBB2_38:
.Ltmp37:
0x1e8: {  	(pc) =	sbr.rel .LBB2_40-.Ltmp37, $2  }
0x1e9: {  	_ =	sdelay $0x2  }
0x1ea: {  	s12 =	simm.s32 $0x4880;
	s13 =	simm.s32 $0x0  }
.LBB2_48:
0x1eb: {  	_ =	sfence.sel $0x180000  }
0x1ec: {  	[bflag:$0x0] =	sbarrier.arrive $0xFFFF  }
0x1ed: {  	_ =	strace $0x90000047  }
0x1ee: {  	s0 =	stileid.u32;
	[bflag:$0x2] =	sbarrier.arrive $0xFFFF  }
0x1ef: {  	p0 =	sne.s32 s0, $0x0;
	s0 =	rddreg [dreg:$0x4]  }
0x1f0: {  	s0 =	sadd.s32 @!p0 $0x100000, s0  }
0x1f1: {  	[sflag:s0] =	ssyncadd.tile.s32 @!p0 $0x1;
	_ =	shalt  }
.Lfunc_end2:
_tile_overlayer_lowered:
.L_overlay_start_2:
0x1f2: {  	(tag) =	ssettag $0x2  }
0x1f3: {  	s0 =	rddreg [dreg:$0x0];
	s2 =	stileid.u32  }
0x1f4: {  	s1 =	rddreg [dreg:$0x1];
	p0 =	sne.s32 s2, $0x0  }
0x1f5: {  	s3 =	rddreg [dreg:$0x2];
	[bflag:$0x3] =	sbarrier.arrive $0xFFFF;
	s2 =	simm.s32 @!p0 $0x1C05  }
0x1f6: {  	[timem:s3], [sflag:s2] =	dma.local @!p0 [hbm:s0], s1  }
0x1f7: {  	s0 =	simm.s32 @!p0 $0x5  }
0x1f8: {  	_ =	swait.ge @!p0 [sflag:s0], s1  }
0x1f9: {  	s1 =	ssub.s32 @!p0 $0x0, s1;
	[sflag:s0] =	ssyncset.done @!p0 $0x0  }
0x1fa: {  	[sflag:s0] =	ssyncadd.s32 @!p0 s1  }
0x1fb: {  	[bflag:$0x3] =	sbarrier.arrive $0xFFFF  }
0x1fc: {  	_ =	shalt  }

// kernel: _ncf.7.cloned.1.call-start
scs
__scs_entry_jumppad:
0x0: {  	(pc) =	sbr.rel $0x88, $3  }
0x1: {  	(tag) =	ssettag $0x0;
	lr =	simm.s32 $0x1  }
0x2: {  	[smem:$0x3F9D] =	sst lr;
	_ =	strace $0xD0000000  }
0x3: {  	_ = 	snop  }
0x4: {  	_ = 	snop  }
0x5: {  	_ = 	snop  }
0x6: {  	_ = 	snop  }
0x7: {  	_ = 	snop  }
__scs_overlays_trampoline_lowered:
0x8: {  	[smem:$0x3FAC] =	sst s0  }
0x9: {  	[smem:$0x3FAD] =	sst s1  }
0xa: {  	[smem:$0x3FAE] =	sst s2  }
0xb: {  	[smem:$0x3FAF] =	sst s3  }
0xc: {  	[smem:$0x3FB0] =	sst s4  }
0xd: {  	[smem:$0x3FB1] =	sst s5  }
0xe: {  	[smem:$0x3FB2] =	sst s6  }
0xf: {  	[smem:$0x3FB3] =	sst s7  }
0x10: {  	[smem:$0x3FB4] =	sst s8  }
0x11: {  	[smem:$0x3FB5] =	sst s9;
	s0 =	simm.s32 @!p0 $0x0  }
0x12: {  	s1 =	sld [smem:$0x3F9B];
	s0 =	simm.s32 @p0 $0x1  }
0x13: {  	[smem:$0x3FB6] =	sst s0;
	s0 =	simm.s32 @!p1 $0x0  }
0x14: {  	s2 =	sld [smem:$0x3F9A];
	s0 =	simm.s32 @p1 $0x1  }
0x15: {  	[smem:$0x3FB7] =	sst s0;
	s0 =	simm.s32 @!p2 $0x0  }
0x16: {  	s3 =	sld [smem:$0x3FDB];
	s0 =	simm.s32 @p2 $0x1  }
0x17: {  	s4 =	simm.s32 $0x1BF5;
	[smem:$0x3FB9] =	sst s0  }
0x18: {  	s0 =	sld [smem:$0x3F9C];
	_ =	swait.ge [sflag:s4], $0x0  }
0x19: {  	s7 =	sld [smem:$0x3F9D]  }
0x1a: {  	s8 =	sadd.s32 $0xFFFFE003, lr  }
0x1b: {  	s9 =	sadd.s32 $0xFFFFFEF7, lr;
	s5 =	simm.s32 $0xFFFFFFFF;
	p2 =	slt.u32 s8, $0xFFFFF086  }
0x1c: {  	p1 =	slt.u32 s9, $0xF7A;
	s5 =	simm.s32 @!p2 $0x0  }
0x1d: {  	s5 =	simm.s32 @p1 $0x1;
	p0 =	seq.s32 s7, s2  }
0x1e: {  	s7 =	smul.u32 @!p0 $0xF7A, s2;
	p2 =	seq.s32 @!p0 s5, $0x0  }
0x1f: {  	s9 =	smul.u32 $0xF7A, s1;
	s8 =	simm.s32 @!p0 $0x1BF5;
	p2 =	por !p2, p0  }
0x20: {  	[sflag:s8] =	ssyncset.s32 @!p0 $0xFFFFF086;
	s6 =	sadd.s32 @!p0 s3, s7;
	s7 =	simm.s32 @!p0 $0x108  }
0x21: {  	s3 =	sadd.s32 s3, s9;
	s6 =	sadd.s32 @!p0 $0x88, s6;
	s7 =	simm.s32 @p2 $0x1082  }
0x22: {  	[simem:s7], [sflag:s8] =	dma.local @!p0 [hbm:s6], $0xF7A  }
0x23: {  	s9 =	sor.u32 $0xD0000000, s2;
	s6 =	simm.s32 $0x108;
	_ =	swait.ge @!p0 [sflag:s8], $0x0  }
0x24: {  	s3 =	sadd.s32 $0x88, s3;
	s6 =	simm.s32 @!p1 $0x1082;
	[sflag:s4] =	ssyncset.s32 $0xFFFFF086  }
0x25: {  	[simem:s6], [sflag:s4] =	dma.local [hbm:s3], $0xF7A  }
0x26: {  	[smem:$0x3F9D] =	sst s1;
	(tag) =	ssettag s2;
	_ =	strace s9  }
0x27: {  	s1 =	sld [smem:$0x3FAD]  }
0x28: {  	s2 =	sld [smem:$0x3FAE]  }
0x29: {  	s4 =	sld [smem:$0x3FB0]  }
0x2a: {  	p0 =	seq.s32 s5, $0x0;
	s5 =	sld [smem:$0x3FB1]  }
0x2b: {  	s6 =	sld [smem:$0x3FB2]  }
0x2c: {  	s7 =	sld [smem:$0x3FB3]  }
0x2d: {  	s3 =	simm.s32 $0x108;
	s8 =	sld [smem:$0x3FB4]  }
0x2e: {  	s3 =	simm.s32 @!p0 $0x1082;
	s9 =	sld [smem:$0x3FB5]  }
0x2f: {  	lr =	sadd.s32 s0, s3;
	s0 =	sld [smem:$0x3FAC]  }
0x30: {  	s3 =	sld [smem:$0x3FAF]  }
0x31: {  	[smem:$0x3FB8] =	sst s10  }
0x32: {  	s10 =	sld [smem:$0x3FB6];
	_ =	sdelay $0x3  }
0x33: {  	p0 =	seq.s32 s10, $0x1;
	s10 =	sld [smem:$0x3FB8];
	_ =	sdelay $0x3  }
0x34: {  	[smem:$0x3FB8] =	sst s10  }
0x35: {  	s10 =	sld [smem:$0x3FB7];
	_ =	sdelay $0x3  }
0x36: {  	p1 =	seq.s32 s10, $0x1;
	s10 =	sld [smem:$0x3FB8];
	_ =	sdelay $0x3  }
0x37: {  	[smem:$0x3FB8] =	sst s10  }
0x38: {  	s10 =	sld [smem:$0x3FB9]  }
0x39: {  	_ = 	snop;
	(pc) =	sbr.ind lr, $3  }
0x3a: {  	_ = 	snop  }
0x3b: {  	_ = 	snop  }
0x3c: {  	p2 =	seq.s32 s10, $0x1;
	s10 =	sld [smem:$0x3FB8]  }
0x3d: {  	_ =	shalt  }
0x3e: {  	_ =	shalt  }
0x3f: {  	_ =	shalt  }
0x40: {  	_ =	shalt  }
0x41: {  	_ =	shalt  }
0x42: {  	_ =	shalt  }
0x43: {  	_ =	shalt  }
0x44: {  	_ =	shalt  }
0x45: {  	_ =	shalt  }
0x46: {  	_ =	shalt  }
0x47: {  	_ =	shalt  }
0x48: {  	_ =	shalt  }
0x49: {  	_ =	shalt  }
0x4a: {  	_ =	shalt  }
0x4b: {  	_ =	shalt  }
0x4c: {  	_ =	shalt  }
0x4d: {  	_ =	shalt  }
0x4e: {  	_ =	shalt  }
0x4f: {  	_ =	shalt  }
0x50: {  	_ =	shalt  }
0x51: {  	_ =	shalt  }
0x52: {  	_ =	shalt  }
0x53: {  	_ =	shalt  }
0x54: {  	_ =	shalt  }
0x55: {  	_ =	shalt  }
0x56: {  	_ =	shalt  }
0x57: {  	_ =	shalt  }
0x58: {  	_ =	shalt  }
0x59: {  	_ =	shalt  }
0x5a: {  	_ =	shalt  }
0x5b: {  	_ =	shalt  }
0x5c: {  	_ =	shalt  }
0x5d: {  	_ =	shalt  }
0x5e: {  	_ =	shalt  }
0x5f: {  	_ =	shalt  }
0x60: {  	_ =	shalt  }
0x61: {  	_ =	shalt  }
0x62: {  	_ =	shalt  }
0x63: {  	_ =	shalt  }
0x64: {  	_ =	shalt  }
0x65: {  	_ =	shalt  }
0x66: {  	_ =	shalt  }
0x67: {  	_ =	shalt  }
0x68: {  	_ =	shalt  }
0x69: {  	_ =	shalt  }
0x6a: {  	_ =	shalt  }
0x6b: {  	_ =	shalt  }
0x6c: {  	_ =	shalt  }
0x6d: {  	_ =	shalt  }
0x6e: {  	_ =	shalt  }
0x6f: {  	_ =	shalt  }
0x70: {  	_ =	shalt  }
0x71: {  	_ =	shalt  }
0x72: {  	_ =	shalt  }
0x73: {  	_ =	shalt  }
0x74: {  	_ =	shalt  }
0x75: {  	_ =	shalt  }
0x76: {  	_ =	shalt  }
0x77: {  	_ =	shalt  }
0x78: {  	_ =	shalt  }
0x79: {  	_ =	shalt  }
0x7a: {  	_ =	shalt  }
0x7b: {  	_ =	shalt  }
0x7c: {  	_ =	shalt  }
0x7d: {  	_ =	shalt  }
0x7e: {  	_ =	shalt  }
0x7f: {  	_ =	shalt  }
0x80: {  	_ =	shalt  }
0x81: {  	_ =	shalt  }
0x82: {  	_ =	shalt  }
0x83: {  	_ =	shalt  }
0x84: {  	_ =	shalt  }
0x85: {  	_ =	shalt  }
0x86: {  	_ =	shalt  }
0x87: {  	_ =	shalt  }
.Lfunc_end0:
.L_simem_size_0:
called_computation.1_lowered:
.L_overlay_start_0:
0x88: {  	s2 =	sld [smem:$0x3FD9]  }
0x89: {  	s3 =	sld [smem:$0x3FFE];
	_ =	sdelay $0x1  }
0x8a: {  	s1 =	srdreg.scid  }
0x8b: {  	s0 =	sand.u32 $0x1, s1  }
0x8c: {  	s17 =	sshll.u32 s0, $0xA;
	s2 =	sadd.s32 s3, s2  }
0x8d: {  	s2 =	sadd.s32 s2, s17  }
0x8e: {  	[smem:$0x3FC4] =	sst s2  }
0x8f: {  	_ = 	snop  }
0x90: {  	s2 =	sld [smem:$0x3FC6]  }
0x91: {  	s18 =	sld [smem:$0x3FD0];
	(tm) =	ssettm $0x1  }
0x92: {  	s4 =	sld [smem:$0x3FFB];
	_ =	sdelay $0x3  }
0x93: {  	_ =	strace s4  }
0x94: {  	s4 =	sld [smem:$0x3FFC];
	_ =	sdelay $0x3  }
0x95: {  	_ =	strace s4  }
0x96: {  	s4 =	sld [smem:$0x3FFD];
	_ =	sdelay $0x3  }
0x97: {  	_ =	strace s4  }
0x98: {  	_ =	strace $0x8FFFFFFF  }
0x99: {  	s19 =	sld [smem:$0x3FDB];
	_ =	sdelay $0x1  }
0x9a: {  	s5 =	simm.s32 $_scs_section_size  }
0x9b: {  	s6 =	simm.s32 $_size__tile_overlayer_lowered;
	s7 =	simm.s32 $_tile_overlayer_lowered  }
0x9c: {  	s22 =	simm.s32 $0x1BFF;
	s21 =	sshll.u32 s7, $0x1;
	s4 =	sadd.s32 s5, s19  }
0x9d: {  	s8 =	simm.s32 $0x0;
	s20 =	sshll.u32 s6, $0x1;
	s6 =	sadd.s32 s21, s4  }
0x9e: {  	[timem:s8], [sflag:s22] =	dma.local [hbm:s6], s20  }
0x9f: {  	_ =	swait.ge [sflag:s22], s20  }
0xa0: {  	s5 =	ssub.s32 $0x0, s20;
	[sflag:s22] =	ssyncset.done $0x0  }
0xa1: {  	[sflag:s22] =	ssyncadd.s32 s5;
	_ =	sdelay $0x1  }
0xa2: {  	s23 =	simm.s32 $0x1B8B  }
0xa3: {  	_ =	swait.ge [sflag:s23], $0x1  }
0xa4: {  	[sflag:s23] =	ssyncset.done $0x0  }
0xa5: {  	s25 =	simm.s32 $0x1B8E;
	s24 =	sld [smem:$0x3FFE];
	[sflag:s23] =	ssyncadd.s32 $0xFFFFFFFF  }
0xa6: {  	s26 =	simm.s32 $execute0_lowered;
	[smem:$0x3FD2] =	sst s25  }
0xa7: {  	s6 =	sshll.u32 s26, $0x1;
	_ =	strace $0x80000049;
	[dreg:$0x1] =	wrdreg $0xFFFFFFFF  }
0xa8: {  	s28 =	simm.s32 $_size_execute0_lowered;
	s4 =	sadd.s32 s4, s6;
	[dreg:$0x0] =	wrdreg $0x0  }
0xa9: {  	s6 =	sshll.u32 s28, $0x1;
	[dreg:$0x2] =	wrdreg s4  }
0xaa: {  	[dreg:$0x3] =	wrdreg s6  }
0xab: {  	[dreg:$0x4] =	wrdreg $0xC0  }
0xac: {  	_ =	task [dreg:s8], $0x5FFFF  }
0xad: {  	[dreg:$0x1] =	wrdreg $0xFFFFFFFF  }
0xae: {  	[dreg:$0x0] =	wrdreg $0x60  }
0xaf: {  	[dreg:$0x2] =	wrdreg s24  }
0xb0: {  	[dreg:$0x3] =	wrdreg s2  }
0xb1: {  	[dreg:$0x4] =	wrdreg s18  }
0xb2: {  	[dreg:$0x5] =	wrdreg $0x9  }
0xb3: {  	_ =	task.clear_ibuf [dreg:s8], $0x6FFFF;
	_ =	strace $0x90000049  }
0xb4: {  	s29 =	simm.s32 $0x9;
	_ =	strace $0x8000004B  }
0xb5: {  	_ =	swait.ge [sflag:s29], $0x1  }
0xb6: {  	[sflag:s29] =	ssyncadd.s32 $0xFFFFFFFF  }
0xb7: {  	_ =	strace $0x9000004B  }
0xb8: {  	_ =	sfence  }
0xb9: {  	s30 =	sld [smem:$0x0];
	_ =	sdelay $0x2  }
0xba: {  	s31 =	sshll.u32 s1, $0xD;
	s1 =	sshrl.u32 s1, $0x2  }
0xbb: {  	s3 =	sand.u32 $0x4000, s31;
	s1 =	sadd.s32 s1, s30  }
0xbc: {  	s0 =	sor.u32 s3, s0;
	s1 =	sshll.u32 s1, $0x11  }
0xbd: {  	s0 =	sor.u32 s1, s0  }
0xbe: {  	s0 =	sadd.s32 $0x8F2B, s0  }
0xbf: {  	[sflag:s0] =	ssyncadd.remote.s32 $0x1  }
0xc0: {  	_ =	sfence.sel $0xFFFF  }
0xc1: {  	[dreg:$0x0] =	wrdreg $0xFFFFFFFF;
	(pc) =	sbr.abs _section_cstart, $3  }
0xc2: {  	[dreg:$0x1] =	wrdreg $0xFFFFFFFF  }
0xc3: {  	_ =	task.clear_ibuf [dreg:s8], $0x2FFFF;
	_ =	strace $0x9FFFFFFF  }
0xc4: {  	(tm) =	ssettm $0x7FFFFFFF  }
0xc5: {  	_ =	shalt  }
tec
execute0_lowered:
.L_overlay_start_1:
0x0: {  	(tag) =	ssettag $0x1  }
0x1: {  	s0 =	rddreg [dreg:$0x0]  }
0x2: {  	s2 =	rddreg [dreg:$0x1];
	s3 =	srdreg.scid  }
0x3: {  	s12 =	rddreg [dreg:$0x2];
	s1 =	stileid.u32;
	s15 =	simm.s32 $0x3  }
0x4: {  	s16 =	simm.s32 $0x8000;
	s17 =	simm.s32 $0x4000;
	s18 =	simm.s32 $0xC000  }
0x5: {  	s19 =	simm.s32 $0x1;
	s20 =	simm.s32 $0x10080;
	s21 =	simm.s32 $0x2  }
0x6: {  	s22 =	simm.s32 $0x10180;
	s23 =	simm.s32 $0x0;
	s4 =	sand.u32 $0x1, s3  }
0x7: {  	s5 =	sshll.u32 s1, $0xA;
	s3 =	simm.s32 $0x0;
	s6 =	sshll.u32 s4, $0x9  }
0x8: {  	s4 =	ssub.s32 $0x2, s4;
	[smem:$0x7FF] =	sst s3;
	s13 =	sor.u32 s6, s5  }
0x9: {  	s30 =	sshrl.u32 s4, $0x1;
	_ =	strace $0x8000004A;
	s5 =	sshll.u32 s13, $0x4  }
.Ltmp0:
0xa: {  	s14 =	ssub.s32 s4, s30;
	s31 =	sshrl.u32 s13, $0x3;
	(pc) =	sbr.rel .LBB2_1-.Ltmp0, $4  }
0xb: {  	s0 =	sadd.s32 s5, s0;
	s12 =	sadd.s32 s12, s31;
	s13 =	smax.u32 s14, $0x1  }
0xc: {  	s14 =	simm.s32 $0x10000;
	s4 =	sadd.s32 $0x800, s0;
	s5 =	sadd.s32 $0x40800, s0  }
0xd: {  	v0 =	vlaneseq.u32;
	s6 =	sadd.s32 $0x1000, s0;
	s7 =	sadd.s32 $0x41000, s0;
	s8 =	sadd.s32 $0x1800, s0  }
0xe: {  	v0 =	vmul.u32 $0x10, v0;
	s9 =	sadd.s32 $0x41800, s0;
	s10 =	sadd.s32 $0x2000, s0;
	s11 =	sadd.s32 $0x42000, s0  }
.LBB2_12:
0xf: {  	s23 =	sadd.s32 $0x1, s23  }
0x10: {  	p0 =	sne.s32 s23, s13  }
.Ltmp1:
0x11: {  	_ = 	snop;
	(pc) =	sbr.rel @!p0 .LBB2_13-.Ltmp1, $4  }
0x12: {  	[hbm4b:s12+s3] =	stream.linear.scatter [tilespmem:s22], [sflag:$0x3], $0x200, $0x38;
	[tilespmem:$0x10380] =	vst v63  }
0x13: {  	_ =	swait.ge [sflag:s15], $0x200  }
0x14: {  	[sflag:s15] =	ssyncset.done $0x0  }
0x15: {  	[sflag:s15] =	ssyncadd.s32 $0xFFFFFE00  }
.LBB2_1:
0x16: {  	[tilespmem:s14], [sflag:$0x3] =	stream.linear.gather [hbm4b:s2+s3], $0x80, $0x38;
	[tilespmem:$0x10380] =	vst v63  }
0x17: {  	_ =	swait.ge [sflag:s15], $0x80  }
0x18: {  	[sflag:s15] =	ssyncset.done $0x0  }
0x19: {  	[sflag:s15] =	ssyncadd.s32 $0xFFFFFF80  }
0x1a: {  	[tilespmem:s3], [sflag:$0x1] =	stream.linear.gather [hbm4b:s4+s3], $0x4000, $0x38;
	[tilespmem:$0x10380] =	vst v63  }
0x1b: {  	_ = 	snop  }
0x1c: {  	[tilespmem:s16], [sflag:$0x1] =	stream.linear.gather [hbm4b:s5+s3], $0x4000, $0x38;
	[tilespmem:$0x10380] =	vst v63  }
0x1d: {  	_ = 	snop  }
0x1e: {  	[tilespmem:s17], [sflag:$0x2] =	stream.linear.gather [hbm4b:s6+s3], $0x4000, $0x38;
	[tilespmem:$0x10380] =	vst v63  }
0x1f: {  	_ = 	snop  }
0x20: {  	[tilespmem:s18], [sflag:$0x2] =	stream.linear.gather [hbm4b:s7+s3], $0x4000, $0x38;
	[tilespmem:$0x10380] =	vst v63  }
0x21: {  	v1 =	vld [tilespmem:$0x10000]  }
0x22: {  	v2 =	vld [tilespmem:$0x10010]  }
0x23: {  	v3 =	vld [tilespmem:$0x10020]  }
0x24: {  	v4 =	vld [tilespmem:$0x10030]  }
0x25: {  	p0 =	por $0x1, $0x1;
	s0 =	simm.s32 $0x0;
	v5 =	vld [tilespmem:$0x10040]  }
.LBB2_2:
0x26: {  	_ =	swait.ge [sflag:s19], $0x4000  }
0x27: {  	[sflag:s19] =	ssyncset.done $0x0  }
0x28: {  	[sflag:s19] =	ssyncadd.s32 $0xFFFFC000  }
0x29: {  	s24 =	sshra.s32 s0, $0x2;
	s25 =	simm.s32 $0x0;
	_ =	swait.ge [sflag:s19], $0x4000  }
0x2a: {  	s26 =	simm.s32 $0x20;
	s28 =	sadd.s32 $0x10180, s24;
	[sflag:s19] =	ssyncset.done $0x0  }
0x2b: {  	s0 =	simm.s32 $0x8020;
	s29 =	simm.s32 $0x0;
	v6 =	vmov s28;
	[sflag:s19] =	ssyncadd.s32 $0xFFFFC000  }
.LBB2_3:
0x2c: {  	v7 =	vld [tilespmem:s26+$0xFFFFFFF0]  }
0x2d: {  	v8 =	vld [tilespmem:s0+$0xFFFFFFF0]  }
0x2e: {  	v9 =	vld [tilespmem:s26+$0xFFFFFFE0]  }
0x2f: {  	v10 =	vld [tilespmem:s0+$0xFFFFFFE0]  }
0x30: {  	v11 =	vld [tilespmem:s0+$0x0]  }
0x31: {  	v12 =	vld [tilespmem:s26+$0x0];
	_ =	sdelay $0x2  }
0x32: {  	v13 =	vld [tilespmem:s0+$0x10]  }
0x33: {  	v7 =	vmul.f32 v8, v7;
	v8 =	vld [tilespmem:s26+$0x10];
	v9 =	vmul.f32 v10, v9  }
0x34: {  	v10 =	vmul.f32 v11, v12  }
0x35: {  	v7 =	vmul.f32 v7, v2;
	v9 =	vmul.f32 v9, v1;
	_ =	sdelay $0x1  }
0x36: {  	v7 =	vadd.f32 v7, v9;
	v9 =	vmul.f32 v10, v3  }
0x37: {  	v8 =	vmul.f32 v13, v8  }
0x38: {  	v9 =	vadd.f32 v9, v7;
	v7 =	vor.u32 s25, v0  }
0x39: {  	v8 =	vmul.f32 v8, v4;
	_ =	sdelay $0x1  }
0x3a: {  	s30 =	simm.s32 $0x1;
	s31 =	smov.u32 s26;
	s28 =	smov.u32 s0;
	v8 =	vadd.f32 v8, v9  }
.LBB2_4:
0x3b: {  	_ = 	snop  }
0x3c: {  	p1 =	sne.s32 s30, $0xF;
	s31 =	sadd.s32 $0x80, s31;
	s28 =	sadd.s32 $0x80, s28;
	[tilespmem:v7+s20+$0x0] =	vst.idx.msk $0xffff, v8  }
0x3d: {  	s1 =	smov.u32 s30;
	s30 =	sadd.s32 $0x1, s30;
	v7 =	vld [tilespmem:s31+$0xFFFFFFF0]  }
0x3e: {  	v8 =	vld [tilespmem:s28+$0xFFFFFFF0]  }
0x3f: {  	v9 =	vld [tilespmem:s31+$0xFFFFFFE0]  }
0x40: {  	v10 =	vld [tilespmem:s28+$0xFFFFFFE0]  }
0x41: {  	v11 =	vld [tilespmem:s28+$0x0]  }
0x42: {  	v12 =	vld [tilespmem:s31+$0x0]  }
0x43: {  	v7 =	vmul.f32 v8, v7;
	v8 =	vld [tilespmem:s28+$0x10]  }
0x44: {  	v13 =	vld [tilespmem:s31+$0x10]  }
0x45: {  	v9 =	vmul.f32 v10, v9  }
0x46: {  	v7 =	vmul.f32 v7, v2  }
0x47: {  	v9 =	vmul.f32 v9, v1;
	v10 =	vmul.f32 v11, v12;
	_ =	sdelay $0x1  }
.Ltmp2:
0x48: {  	v9 =	vadd.f32 v7, v9;
	v10 =	vmul.f32 v10, v3;
	v8 =	vmul.f32 v8, v13;
	(pc) =	sbr.rel @p1 .LBB2_4-.Ltmp2, $3  }
0x49: {  	v7 =	vor.u32 s1, v0  }
0x4a: {  	v9 =	vadd.f32 v10, v9;
	v8 =	vmul.f32 v8, v4;
	_ =	sdelay $0x1  }
0x4b: {  	v8 =	vadd.f32 v8, v9  }
0x4c: {  	_ =	sdelay $0x3  }
0x4d: {  	[tilespmem:v7+s20+$0x0] =	vst.idx.msk $0xffff, v8  }
0x4e: {  	v7 =	vld [tilespmem:$0x10080];
	_ =	sdelay $0x1  }
0x4f: {  	v8 =	vld [tilespmem:$0x10090];
	_ =	sdelay $0x1  }
0x50: {  	v9 =	vld [tilespmem:$0x100A0]  }
0x51: {  	v7 =	vadd.f32 v7, v5  }
0x52: {  	v10 =	vld [tilespmem:$0x100B0]  }
0x53: {  	v7 =	vadd.f32 v8, v7  }
0x54: {  	v8 =	vld [tilespmem:$0x100C0]  }
0x55: {  	v7 =	vadd.f32 v9, v7  }
0x56: {  	v56 =	vld [tilespmem:$0x100D0]  }
0x57: {  	v7 =	vadd.f32 v10, v7  }
0x58: {  	v57 =	vld [tilespmem:$0x100E0]  }
0x59: {  	v7 =	vadd.f32 v8, v7  }
0x5a: {  	v8 =	vld [tilespmem:$0x100F0]  }
0x5b: {  	v7 =	vadd.f32 v56, v7  }
0x5c: {  	v58 =	vld [tilespmem:$0x10100]  }
0x5d: {  	v7 =	vadd.f32 v57, v7  }
0x5e: {  	v59 =	vld [tilespmem:$0x10110]  }
0x5f: {  	v7 =	vadd.f32 v8, v7  }
0x60: {  	v8 =	vld [tilespmem:$0x10120]  }
0x61: {  	v7 =	vadd.f32 v58, v7  }
0x62: {  	v60 =	vld [tilespmem:$0x10130]  }
0x63: {  	v7 =	vadd.f32 v59, v7  }
0x64: {  	v61 =	vld [tilespmem:$0x10140]  }
0x65: {  	v7 =	vadd.f32 v8, v7  }
0x66: {  	v8 =	vld [tilespmem:$0x10150]  }
0x67: {  	v7 =	vadd.f32 v60, v7  }
0x68: {  	v62 =	vld [tilespmem:$0x10160]  }
0x69: {  	v7 =	vadd.f32 v61, v7  }
0x6a: {  	v63 =	vld [tilespmem:$0x10170]  }
0x6b: {  	v7 =	vadd.f32 v8, v7;
	_ =	sdelay $0x1  }
0x6c: {  	v7 =	vadd.f32 v62, v7;
	_ =	sdelay $0x1  }
0x6d: {  	v7 =	vadd.f32 v63, v7;
	_ =	sdelay $0x1  }
0x6e: {  	v7 =	vsub.f32 $0.0e+00, v7;
	_ =	sdelay $0x1  }
0x6f: {  	v7 =	vmul.f32 $1.442695020e+00, v7;
	_ =	sdelay $0x1  }
0x70: {  	(erf) = vpow2.f32 v7;
	_ =	sdelay $0x8  }
0x71: {  	v7 =	vpop (erf)  }
0x72: {  	v7 =	vadd.f32 $1.000000000e+00, v7;
	_ =	sdelay $0x1  }
0x73: {  	(erf) = vrcp.f32 v7;
	_ =	sdelay $0x3  }
0x74: {  	s1 =	sshll.u32 s29, $0x4;
	s29 =	sadd.s32 $0x1, s29  }
0x75: {  	p1 =	sne.s32 s29, $0x8  }
.Ltmp3:
0x76: {  	_ = 	snop;
	(pc) =	sbr.rel @p1 .LBB2_3-.Ltmp3, $3  }
0x77: {  	_ =	sdelay $0x1  }
0x78: {  	s1 =	sand.u32 $0x3FFFFFF0, s1;
	v7 =	vpop (erf)  }
0x79: {  	s26 =	sadd.s32 $0x800, s26;
	s0 =	sadd.s32 $0x800, s0;
	[tilespmem:v6+s1+$0x0 ss:$0x1] =	vst.idx.msk $0xffff, v7  }
0x7a: {  	s0 =	simm.s32 @p0 $0x0  }
0x7b: {  	[tilespmem:s0], [sflag:$0x1] =	stream.linear.gather @p0 [hbm4b:s8+s0], $0x4000, $0x38;
	[tilespmem:$0x10380] =	vst v63  }
0x7c: {  	s1 =	simm.s32 @p0 $0x8000  }
0x7d: {  	[tilespmem:s1], [sflag:$0x1] =	stream.linear.gather @p0 [hbm4b:s9+s0], $0x4000, $0x38;
	[tilespmem:$0x10380] =	vst v63  }
0x7e: {  	_ =	swait.ge [sflag:s21], $0x4000  }
0x7f: {  	[sflag:s21] =	ssyncset.done $0x0  }
0x80: {  	[sflag:s21] =	ssyncadd.s32 $0xFFFFC000  }
0x81: {  	s31 =	sadd.s32 $0x10200, s24;
	_ =	swait.ge [sflag:s21], $0x4000  }
0x82: {  	s24 =	simm.s32 $0x0;
	s25 =	simm.s32 $0x8000;
	[sflag:s21] =	ssyncset.done $0x0  }
0x83: {  	s26 =	simm.s32 $0x0;
	s28 =	simm.s32 $0x0;
	v6 =	vmov s31;
	[sflag:s21] =	ssyncadd.s32 $0xFFFFC000  }
.LBB2_7:
0x84: {  	v7 =	vmov s26  }
0x85: {  	v8 =	vmov s25;
	_ =	sdelay $0x2  }
0x86: {  	s0 =	simm.s32 $0x0  }
0x87: {  	v9 =	vld.idx.msk [tilespmem:v7+s0+$0x4020 ss:$0x1], $0xffff  }
0x88: {  	v10 =	vld.idx.msk [tilespmem:v8+s0+$0x4000 ss:$0x1], $0xffff  }
0x89: {  	v11 =	vld.idx.msk [tilespmem:v7+s0+$0x4000 ss:$0x1], $0xffff  }
0x8a: {  	v12 =	vld.idx.msk [tilespmem:v7+s0+$0x4010 ss:$0x1], $0xffff  }
0x8b: {  	v13 =	vld.idx.msk [tilespmem:v8+s0+$0x4010 ss:$0x1], $0xffff  }
0x8c: {  	v14 =	vld.idx.msk [tilespmem:v8+s0+$0x4020 ss:$0x1], $0xffff;
	_ =	sdelay $0x1  }
0x8d: {  	v15 =	vld.idx.msk [tilespmem:v7+s0+$0x4030 ss:$0x1], $0xffff  }
0x8e: {  	v16 =	vld.idx.msk [tilespmem:v8+s0+$0x4030 ss:$0x1], $0xffff  }
0x8f: {  	v10 =	vmul.f32 v10, v11;
	v11 =	vmul.f32 v13, v12  }
0x90: {  	v9 =	vmul.f32 v14, v9  }
0x91: {  	v10 =	vmul.f32 v10, v1;
	v11 =	vmul.f32 v11, v2;
	_ =	sdelay $0x1  }
0x92: {  	v9 =	vmul.f32 v9, v3;
	v10 =	vadd.f32 v11, v10;
	v11 =	vmul.f32 v16, v15  }
0x93: {  	v12 =	vor.u32 s24, v0  }
0x94: {  	v9 =	vadd.f32 v9, v10;
	v10 =	vmul.f32 v11, v4;
	_ =	sdelay $0x1  }
0x95: {  	v9 =	vadd.f32 v10, v9;
	_ =	sdelay $0x1  }
0x96: {  	s0 =	simm.s32 $0x80;
	[tilespmem:v12+s20+$0x0] =	vst.idx.msk $0xffff, v9  }
0x97: {  	v9 =	vld.idx.msk [tilespmem:v7+s0+$0x4020 ss:$0x1], $0xffff  }
0x98: {  	v10 =	vld.idx.msk [tilespmem:v8+s0+$0x4000 ss:$0x1], $0xffff  }
0x99: {  	v11 =	vld.idx.msk [tilespmem:v7+s0+$0x4000 ss:$0x1], $0xffff  }
0x9a: {  	s30 =	simm.s32 $0x400;
	s29 =	simm.s32 $0x0;
	v12 =	vld.idx.msk [tilespmem:v7+s0+$0x4010 ss:$0x1], $0xffff  }
.LBB2_8:
0x9b: {  	p1 =	sne.s32 s30, $0x1E00;
	v13 =	vld.idx.msk [tilespmem:v8+s0+$0x4010 ss:$0x1], $0xffff  }
0x9c: {  	v14 =	vld.idx.msk [tilespmem:v8+s0+$0x4020 ss:$0x1], $0xffff;
	_ =	sdelay $0x1  }
0x9d: {  	v15 =	vld.idx.msk [tilespmem:v7+s0+$0x4030 ss:$0x1], $0xffff  }
0x9e: {  	v16 =	vld.idx.msk [tilespmem:v8+s0+$0x4030 ss:$0x1], $0xffff;
	_ =	sdelay $0x1  }
0x9f: {  	v10 =	vmul.f32 v10, v11;
	v11 =	vmul.f32 v13, v12  }
0xa0: {  	v9 =	vmul.f32 v14, v9  }
0xa1: {  	v10 =	vmul.f32 v10, v1;
	v11 =	vmul.f32 v11, v2;
	_ =	sdelay $0x1  }
0xa2: {  	s29 =	sadd.s32 $0x1, s29;
	v9 =	vmul.f32 v9, v3;
	v10 =	vadd.f32 v11, v10;
	v11 =	vmul.f32 v16, v15  }
0xa3: {  	v12 =	vor.u32 s29, v0  }
0xa4: {  	v9 =	vadd.f32 v9, v10;
	v10 =	vmul.f32 v11, v4;
	_ =	sdelay $0x1  }
0xa5: {  	v9 =	vadd.f32 v10, v9;
	_ =	sdelay $0x1  }
.Ltmp4:
0xa6: {  	s0 =	sshra.s32 s30, $0x2;
	[tilespmem:v12+s20+$0x0] =	vst.idx.msk $0xffff, v9;
	(pc) =	sbr.rel @p1 .LBB2_8-.Ltmp4, $4  }
0xa7: {  	v9 =	vld.idx.msk [tilespmem:v7+s0+$0x4020 ss:$0x1], $0xffff  }
0xa8: {  	v10 =	vld.idx.msk [tilespmem:v8+s0+$0x4000 ss:$0x1], $0xffff  }
0xa9: {  	v11 =	vld.idx.msk [tilespmem:v7+s0+$0x4000 ss:$0x1], $0xffff  }
0xaa: {  	s30 =	sadd.s32 $0x200, s30;
	v12 =	vld.idx.msk [tilespmem:v7+s0+$0x4010 ss:$0x1], $0xffff  }
0xab: {  	_ =	sdelay $0x3  }
0xac: {  	v13 =	vld.idx.msk [tilespmem:v8+s0+$0x4010 ss:$0x1], $0xffff  }
0xad: {  	v14 =	vld.idx.msk [tilespmem:v8+s0+$0x4020 ss:$0x1], $0xffff;
	_ =	sdelay $0x1  }
0xae: {  	v7 =	vld.idx.msk [tilespmem:v7+s0+$0x4030 ss:$0x1], $0xffff  }
0xaf: {  	v8 =	vld.idx.msk [tilespmem:v8+s0+$0x4030 ss:$0x1], $0xffff  }
0xb0: {  	v10 =	vmul.f32 v10, v11;
	v53 =	vmul.f32 v13, v12  }
0xb1: {  	v9 =	vmul.f32 v14, v9  }
0xb2: {  	v10 =	vmul.f32 v10, v1;
	v11 =	vmul.f32 v53, v2;
	_ =	sdelay $0x1  }
0xb3: {  	s30 =	sadd.s32 $0x1, s29;
	v7 =	vmul.f32 v8, v7;
	v9 =	vmul.f32 v9, v3;
	v10 =	vadd.f32 v11, v10  }
0xb4: {  	v8 =	vor.u32 s30, v0  }
0xb5: {  	v7 =	vmul.f32 v7, v4;
	v9 =	vadd.f32 v9, v10;
	_ =	sdelay $0x1  }
0xb6: {  	v7 =	vadd.f32 v7, v9;
	_ =	sdelay $0x1  }
0xb7: {  	[tilespmem:v8+s20+$0x0] =	vst.idx.msk $0xffff, v7  }
0xb8: {  	v7 =	vld [tilespmem:$0x10080];
	_ =	sdelay $0x1  }
0xb9: {  	v8 =	vld [tilespmem:$0x10090];
	_ =	sdelay $0x1  }
0xba: {  	v54 =	vld [tilespmem:$0x100A0]  }
0xbb: {  	v7 =	vadd.f32 v7, v5  }
0xbc: {  	v55 =	vld [tilespmem:$0x100B0]  }
0xbd: {  	v7 =	vadd.f32 v8, v7  }
0xbe: {  	v8 =	vld [tilespmem:$0x100C0]  }
0xbf: {  	v7 =	vadd.f32 v54, v7  }
0xc0: {  	v56 =	vld [tilespmem:$0x100D0]  }
0xc1: {  	v7 =	vadd.f32 v55, v7  }
0xc2: {  	v57 =	vld [tilespmem:$0x100E0]  }
0xc3: {  	v7 =	vadd.f32 v8, v7  }
0xc4: {  	v8 =	vld [tilespmem:$0x100F0]  }
0xc5: {  	v7 =	vadd.f32 v56, v7  }
0xc6: {  	v58 =	vld [tilespmem:$0x10100]  }
0xc7: {  	v7 =	vadd.f32 v57, v7  }
0xc8: {  	v59 =	vld [tilespmem:$0x10110]  }
0xc9: {  	v7 =	vadd.f32 v8, v7  }
0xca: {  	v8 =	vld [tilespmem:$0x10120]  }
0xcb: {  	v7 =	vadd.f32 v58, v7  }
0xcc: {  	v60 =	vld [tilespmem:$0x10130]  }
0xcd: {  	v7 =	vadd.f32 v59, v7  }
0xce: {  	v61 =	vld [tilespmem:$0x10140]  }
0xcf: {  	v7 =	vadd.f32 v8, v7  }
0xd0: {  	v8 =	vld [tilespmem:$0x10150]  }
0xd1: {  	v7 =	vadd.f32 v60, v7  }
0xd2: {  	v62 =	vld [tilespmem:$0x10160]  }
0xd3: {  	v7 =	vadd.f32 v61, v7  }
0xd4: {  	v63 =	vld [tilespmem:$0x10170]  }
0xd5: {  	v7 =	vadd.f32 v8, v7;
	_ =	sdelay $0x1  }
0xd6: {  	v7 =	vadd.f32 v62, v7;
	_ =	sdelay $0x1  }
0xd7: {  	v7 =	vadd.f32 v63, v7;
	_ =	sdelay $0x1  }
0xd8: {  	v7 =	vsub.f32 $0.0e+00, v7;
	_ =	sdelay $0x1  }
0xd9: {  	v7 =	vmul.f32 $1.442695020e+00, v7;
	_ =	sdelay $0x1  }
0xda: {  	(erf) = vpow2.f32 v7;
	_ =	sdelay $0x8  }
0xdb: {  	v7 =	vpop (erf)  }
0xdc: {  	v7 =	vadd.f32 $1.000000000e+00, v7;
	_ =	sdelay $0x1  }
0xdd: {  	(erf) = vrcp.f32 v7;
	_ =	sdelay $0x3  }
0xde: {  	s31 =	sshll.u32 s28, $0x4;
	s28 =	sadd.s32 $0x1, s28  }
0xdf: {  	p1 =	sne.s32 s28, $0x8  }
.Ltmp5:
0xe0: {  	_ = 	snop;
	(pc) =	sbr.rel @p1 .LBB2_7-.Ltmp5, $3  }
0xe1: {  	_ =	sdelay $0x1  }
0xe2: {  	s0 =	sand.u32 $0x3FFFFFF0, s31;
	v7 =	vpop (erf)  }
0xe3: {  	s26 =	sadd.s32 $0x800, s26;
	s25 =	sadd.s32 $0x800, s25;
	[tilespmem:v6+s0+$0x0 ss:$0x1] =	vst.idx.msk $0xffff, v7  }
.Ltmp6:
0xe4: {  	(pc) =	sbr.rel @!p0 .LBB2_12-.Ltmp6, $1  }
0xe5: {  	_ =	sdelay $0x3  }
.Ltmp7:
0xe6: {  	(pc) =	sbr.rel .LBB2_2-.Ltmp7, $4  }
0xe7: {  	_ = 	snop  }
0xe8: {  	[tilespmem:s17], [sflag:$0x2] =	stream.linear.gather [hbm4b:s10+s3], $0x4000, $0x38;
	[tilespmem:$0x10380] =	vst v63  }
0xe9: {  	s0 =	simm.s32 $0x400;
	p0 =	por $0x0, $0x0  }
0xea: {  	[tilespmem:s18], [sflag:$0x2] =	stream.linear.gather [hbm4b:s11+s3], $0x4000, $0x38;
	[tilespmem:$0x10380] =	vst v63  }
.LBB2_13:
0xeb: {  	_ =	sfence.sel $0x180000  }
0xec: {  	[bflag:$0x0] =	sbarrier.arrive $0xFFFF  }
0xed: {  	_ =	strace $0x9000004A  }
0xee: {  	s0 =	stileid.u32;
	[bflag:$0x2] =	sbarrier.arrive $0xFFFF  }
0xef: {  	p0 =	sne.s32 s0, $0x0;
	s0 =	rddreg [dreg:$0x3]  }
0xf0: {  	s0 =	sadd.s32 @!p0 $0x100000, s0  }
0xf1: {  	[sflag:s0] =	ssyncadd.tile.s32 @!p0 $0x1;
	_ =	shalt  }
.Lfunc_end2:
_tile_overlayer_lowered:
.L_overlay_start_2:
0xf2: {  	(tag) =	ssettag $0x2  }
0xf3: {  	s0 =	rddreg [dreg:$0x0];
	s2 =	stileid.u32  }
0xf4: {  	s1 =	rddreg [dreg:$0x1];
	p0 =	sne.s32 s2, $0x0  }
0xf5: {  	s3 =	rddreg [dreg:$0x2];
	[bflag:$0x3] =	sbarrier.arrive $0xFFFF;
	s2 =	simm.s32 @!p0 $0x1C03  }
0xf6: {  	[timem:s3], [sflag:s2] =	dma.local @!p0 [hbm:s0], s1  }
0xf7: {  	s0 =	simm.s32 @!p0 $0x3  }
0xf8: {  	_ =	swait.ge @!p0 [sflag:s0], s1  }
0xf9: {  	s1 =	ssub.s32 @!p0 $0x0, s1;
	[sflag:s0] =	ssyncset.done @!p0 $0x0  }
0xfa: {  	[sflag:s0] =	ssyncadd.s32 @!p0 s1  }
0xfb: {  	[bflag:$0x3] =	sbarrier.arrive $0xFFFF  }
0xfc: {  	_ =	shalt  }

</sc_bundles>
